<compile_context>
chip_gen: v7x
topology: tpu7x:2x2x1
jax: 0.10.2.dev20260603
libtpu: 0.0.44.dev20260713+nightly
codegen_flags: <defaults>
</compile_context>

<pallas_src>
import functools

import jax
import jax.numpy as jnp
from jax import lax
from jax.experimental import pallas as pl
from jax.experimental.pallas import tpu as pltpu
from jax.experimental.pallas import tpu_sc as plsc

N = 10000
E = 320000
D = 128
EPS = 1e-5

NC = 2
NS = 16
NW = NC * NS
EPW = E // NW
CW = 125
CH = EPW // CW
RPT = 624
TAIL = N - NS * RPT

_mesh = plsc.VectorSubcoreMesh(
    core_axis_name="c", subcore_axis_name="s", num_cores=NC, num_subcores=NS)


@functools.partial(
    pl.kernel,
    out_type=jax.ShapeDtypeStruct((NW, N // 16, 16), jnp.float32),
    mesh=_mesh,
    compiler_params=pltpu.CompilerParams(needs_layout_passes=False),
    scratch_types=[
        pltpu.VMEM((EPW,), jnp.int32),
        pltpu.VMEM((N // 16, 16), jnp.float32),
    ],
)
def _deg_parts(col_hbm, out_hbm, colv, degv):
    cid = lax.axis_index("c")
    sid = lax.axis_index("s")
    wid = cid * NS + sid
    pltpu.sync_copy(col_hbm.at[pl.ds(wid * EPW, EPW)], colv)
    zero16 = jnp.zeros((16,), jnp.float32)
    one16 = jnp.ones((16,), jnp.float32)

    def zbody(i, carry):
        for k in range(5):
            degv[i * 5 + k, :] = zero16
        return carry

    lax.fori_loop(0, N // 16 // 5, zbody, 0)

    def body(e, carry):
        for k in range(5):
            idx = colv[pl.ds((e * 5 + k) * 16, 16)]
            plsc.addupdate_scatter(degv, [idx >> 4, idx & 15], one16)
        return carry

    lax.fori_loop(0, EPW // 16 // 5, body, 0)
    pltpu.sync_copy(degv, out_hbm.at[wid])


NBUF = 2
HCH = CH // 2


@functools.partial(
    pl.kernel,
    out_type=jax.ShapeDtypeStruct((NC, N, D), jnp.float32),
    mesh=_mesh,
    scratch_types=[
        pltpu.VMEM((HCH, CW), jnp.int32),
        pltpu.VMEM((HCH, CW), jnp.int32),
        [pltpu.VMEM((CW, D), jnp.float32) for _ in range(NBUF)],
        [pltpu.SemaphoreType.DMA for _ in range(NBUF)],
        [pltpu.SemaphoreType.DMA for _ in range(NBUF)],
        pltpu.SemaphoreType.DMA,
        pltpu.VMEM_SHARED((N, D), jnp.float32),
    ],
)
def _edge_scatter(hs_hbm, ei_hbm, zeros_hbm, out_hbm,
                  rowv, colv, bufs, gsems, ssems, zsem, acc_sh):
    cid = lax.axis_index("c")
    sid = lax.axis_index("s")
    wid = cid * NS + sid
    zdesc = pltpu.async_copy(zeros_hbm.at[pl.ds(sid * RPT, RPT)],
                             acc_sh.at[pl.ds(sid * RPT, RPT)], zsem)
    zdesc.wait()

    @pl.when(sid == 0)
    def _():
        pltpu.sync_copy(zeros_hbm.at[pl.ds(NS * RPT, TAIL)],
                        acc_sh.at[pl.ds(NS * RPT, TAIL)])

    plsc.subcore_barrier()

    for h in range(2):
        base = wid * CH + h * HCH
        pltpu.sync_copy(ei_hbm.at[0].at[pl.ds(base, HCH)], rowv)
        pltpu.sync_copy(ei_hbm.at[1].at[pl.ds(base, HCH)], colv)
        for b in range(NBUF):
            pltpu.async_copy(hs_hbm.at[rowv.at[b]], bufs[b], gsems[b])

        def outer(o, carry):
            for b in range(NBUF):
                g = o * NBUF + b
                pltpu.make_async_copy(hs_hbm.at[rowv.at[g]], bufs[b],
                                      gsems[b]).wait()
                pltpu.async_copy(bufs[b], acc_sh.at[colv.at[g]], ssems[b],
                                 add=True).wait()

                @pl.when(g + NBUF < HCH)
                def _():
                    pltpu.async_copy(hs_hbm.at[rowv.at[g + NBUF]], bufs[b],
                                     gsems[b])

            return carry

        lax.fori_loop(0, HCH // NBUF, outer, 0)
    plsc.subcore_barrier()
    pltpu.sync_copy(acc_sh.at[pl.ds(sid * RPT, RPT)],
                    out_hbm.at[cid].at[pl.ds(sid * RPT, RPT)])

    @pl.when(sid == 0)
    def _():
        pltpu.sync_copy(acc_sh.at[pl.ds(NS * RPT, TAIL)],
                        out_hbm.at[cid].at[pl.ds(NS * RPT, TAIL)])


R = 1000
G = N // R

_HI = lax.Precision.HIGHEST


RP = 2000
GP = N // RP
RG = RP // 16


def _prep_body(x_ref, w_ref, dp_ref, hs_ref, disb_ref, disg):
    i = pl.program_id(0)

    @pl.when(i == 0)
    def _():
        disg[...] = lax.rsqrt(jnp.sum(dp_ref[...], axis=0) + 2.0)

    gb = disg[pl.ds(i * RG, RG), :]
    ri = lax.broadcasted_iota(jnp.int32, (RP, RG), 0)
    ai = lax.broadcasted_iota(jnp.int32, (RP, RG), 1)
    rep16 = jnp.where(ri // 16 == ai, 1.0, 0.0)
    rep = jnp.dot(rep16, gb, precision=_HI,
                  preferred_element_type=jnp.float32)
    bi = lax.broadcasted_iota(jnp.int32, (RP, 16), 0) % 16
    ji = lax.broadcasted_iota(jnp.int32, (RP, 16), 1)
    sel = jnp.where(bi == ji, 1.0, 0.0)
    dis_col = jnp.sum(rep * sel, axis=1, keepdims=True)
    dis_bc = jnp.broadcast_to(dis_col, (RP, D))
    h = jnp.dot(x_ref[...], w_ref[...], precision=_HI,
                preferred_element_type=jnp.float32)
    hs_ref[...] = h * dis_bc
    disb_ref[...] = dis_bc


def _prep(x, W, deg_parts):
    return pl.pallas_call(
        _prep_body,
        grid=(GP,),
        in_specs=[
            pl.BlockSpec((RP, D), lambda i: (i, 0)),
            pl.BlockSpec((D, D), lambda i: (0, 0)),
            pl.BlockSpec((NW, N // 16, 16), lambda i: (0, 0, 0)),
        ],
        out_specs=[
            pl.BlockSpec((RP, D), lambda i: (i, 0)),
            pl.BlockSpec((RP, D), lambda i: (i, 0)),
        ],
        out_shape=[
            jax.ShapeDtypeStruct((N, D), jnp.float32),
            jax.ShapeDtypeStruct((N, D), jnp.float32),
        ],
        scratch_shapes=[pltpu.VMEM((N // 16, 16), jnp.float32)],
    )(x, W, deg_parts)


def _phaseA(sp_ref, hs_ref, dis_ref, agg_vmem, stats, i):
    @pl.when(i == 0)
    def _():
        stats[...] = jnp.zeros_like(stats)

    @pl.when(i < G)
    def _():
        agg = dis_ref[...] * (sp_ref[0] + sp_ref[1] + 2.0 * hs_ref[...])
        agg_vmem[pl.ds(pl.multiple_of(i * R, 8), R), :] = agg
        stats[0:1, :] += jnp.sum(agg, axis=0, keepdims=True)
        stats[1:2, :] += jnp.sum(agg * agg, axis=0, keepdims=True)


def _bn_relu_res(agg, x_ref, stats, g_ref, be_ref):
    m = stats[0:1, :] * (1.0 / N)
    v = stats[1:2, :] * (1.0 / N) - m * m
    scale = lax.rsqrt(v + EPS) * g_ref[...]
    y = (agg - m) * scale + be_ref[...]
    return jnp.maximum(y, 0.0) + x_ref[...]


def _mid_body(sp_ref, hs_ref, dis_ref, x_ref, g_ref, be_ref, w_ref,
              x2_ref, hs2_ref, agg_vmem, stats):
    i = pl.program_id(0)
    _phaseA(sp_ref, hs_ref, dis_ref, agg_vmem, stats, i)

    @pl.when(i >= G)
    def _():
        j = i - G
        agg = agg_vmem[pl.ds(pl.multiple_of(j * R, 8), R), :]
        y = _bn_relu_res(agg, x_ref, stats, g_ref, be_ref)
        x2_ref[...] = y
        h2 = jnp.dot(y, w_ref[...], precision=_HI,
                     preferred_element_type=jnp.float32)
        hs2_ref[...] = h2 * dis_ref[...]


def _head_body(sp_ref, hs_ref, dis_ref, x_ref, g_ref, be_ref, w_ref, bh_ref,
               out_ref, agg_vmem, stats):
    i = pl.program_id(0)
    _phaseA(sp_ref, hs_ref, dis_ref, agg_vmem, stats, i)

    @pl.when(i >= G)
    def _():
        j = i - G
        agg = agg_vmem[pl.ds(pl.multiple_of(j * R, 8), R), :]
        y = _bn_relu_res(agg, x_ref, stats, g_ref, be_ref)
        out_ref[...] = jnp.dot(y, w_ref[...], precision=_HI,
                               preferred_element_type=jnp.float32) + bh_ref[...]


def _common_specs():
    return [
        pl.BlockSpec((NC, R, D), lambda i: (0, jnp.where(i < G, i, G - 1), 0)),
        pl.BlockSpec((R, D), lambda i: (jnp.where(i < G, i, G - 1), 0)),
        pl.BlockSpec((R, D), lambda i: (jnp.where(i < G, i, i - G), 0)),
        pl.BlockSpec((R, D), lambda i: (jnp.where(i < G, 0, i - G), 0)),
        pl.BlockSpec((1, D), lambda i: (0, 0)),
        pl.BlockSpec((1, D), lambda i: (0, 0)),
        pl.BlockSpec((D, D), lambda i: (0, 0)),
    ]


_OUT_SPEC_B = pl.BlockSpec((R, D), lambda i: (jnp.where(i < G, 0, i - G), 0))
_SCRATCH = [pltpu.VMEM((N, D), jnp.float32), pltpu.VMEM((8, D), jnp.float32)]


def _mid_block(parts, hs, dis, x, g, be, W):
    return pl.pallas_call(
        _mid_body,
        grid=(2 * G,),
        in_specs=_common_specs(),
        out_specs=[_OUT_SPEC_B, _OUT_SPEC_B],
        out_shape=[
            jax.ShapeDtypeStruct((N, D), jnp.float32),
            jax.ShapeDtypeStruct((N, D), jnp.float32),
        ],
        scratch_shapes=_SCRATCH,
    )(parts, hs, dis, x, g, be, W)


def _head_block(parts, hs, dis, x, g, be, W, bh):
    return pl.pallas_call(
        _head_body,
        grid=(2 * G,),
        in_specs=_common_specs() + [pl.BlockSpec((1, D), lambda i: (0, 0))],
        out_specs=_OUT_SPEC_B,
        out_shape=jax.ShapeDtypeStruct((N, D), jnp.float32),
        scratch_shapes=_SCRATCH,
    )(parts, hs, dis, x, g, be, W, bh)


def kernel(x, edge_index, W1, b1, g1, be1, W2, b2, g2, be2, Wh, bh):
    del b1, b2
    ei3 = edge_index.reshape(2, NW * CH, CW)
    ei5 = edge_index.reshape(2, NW, EPW // 16, 16)
    zeros_nd = jnp.zeros((N, D), jnp.float32)

    dparts = _deg_parts(edge_index[1].ravel())
    hs1, disb = _prep(x, W1, dparts)
    s1 = _edge_scatter(hs1, ei3, zeros_nd)
    x2, hs2 = _mid_block(s1, hs1, disb, x, g1.reshape(1, D), be1.reshape(1, D),
                         W2)
    s2 = _edge_scatter(hs2, ei3, zeros_nd)
    return _head_block(s2, hs2, disb, x2, g2.reshape(1, D), be2.reshape(1, D),
                       Wh, bh.reshape(1, D))

# --- scband reference (transcript-rebuilt; emitter-appended) ---
"""Pipeline reference for scband-res-gcn-2576980377707 (READ-ONLY COPY).

The authoritative reference and input builder live on the scoring server;
editing this copy changes nothing except your own understanding.
"""

import jax, jax.numpy as jnp
import numpy as np

N = 10000
E = 320000
D = 128
H = 128
O = 128
EPS = 1e-5


def setup_inputs(seed: int = 0) -> dict:
    key = jax.random.key(seed)
    ks = jax.random.split(key, 8)
    x = jax.random.normal(ks[0], (N, D), dtype=jnp.float32)
    edge_index = jax.random.randint(ks[1], (2, E), 0, N, dtype=jnp.int32)
    W1 = jax.random.normal(ks[2], (D, H), dtype=jnp.float32) * 0.05
    b1 = jnp.zeros((H,), jnp.float32)
    g1 = jnp.ones((H,), jnp.float32)
    be1 = jnp.zeros((H,), jnp.float32)
    W2 = jax.random.normal(ks[3], (H, H), dtype=jnp.float32) * 0.05
    b2 = jnp.zeros((H,), jnp.float32)
    g2 = jnp.ones((H,), jnp.float32)
    be2 = jnp.zeros((H,), jnp.float32)
    Wh = jax.random.normal(ks[4], (H, O), dtype=jnp.float32) * 0.05
    bh = jnp.zeros((O,), jnp.float32)
    return {"x": x, "edge_index": edge_index, "W1": W1, "b1": b1, "g1": g1,
            "be1": be1, "W2": W2, "b2": b2, "g2": g2, "be2": be2,
            "Wh": Wh, "bh": bh}


def _gcn_conv(x, edge_index, W, b):
    # GCNConv(improved=True): add self loops with weight 2.0, symmetric norm
    row = edge_index[0]
    col = edge_index[1]
    loop = jnp.arange(N, dtype=edge_index.dtype)
    row2 = jnp.concatenate([row, loop])
    col2 = jnp.concatenate([col, loop])
    ew = jnp.concatenate([jnp.ones((E,), jnp.float32), jnp.full((N,), 2.0, jnp.float32)])
    deg = jnp.zeros((N,), jnp.float32).at[col2].add(ew)
    safe_deg = jnp.where(deg > 0, deg, 1.0)
    dis = jnp.where(deg > 0, 1.0 / jnp.sqrt(safe_deg), 0.0)
    norm = dis[row2] * ew * dis[col2]
    h = x @ W
    out = jnp.zeros((N, W.shape[1]), jnp.float32).at[col2].add(h[row2] * norm[:, None])
    return out + b


def _bn(x, g, b):
    m = jnp.mean(x, axis=0)
    v = jnp.var(x, axis=0)
    return (x - m) / jnp.sqrt(v + EPS) * g + b


def _block(x, edge_index, W, b, g, be):
    out = _gcn_conv(x, edge_index, W, b)
    out = jax.nn.relu(_bn(out, g, be))
    # dim_in == dim_out so res_proj is None; identity residual
    return out + x


def reference(x, edge_index, W1, b1, g1, be1, W2, b2, g2, be2, Wh, bh):
    h = _block(x, edge_index, W1, b1, g1, be1)
    h = _block(h, edge_index, W2, b2, g2, be2)
    return h @ Wh + bh

if __name__ == "__main__":
    import jax
    _d = setup_inputs()
    print(jax.jit(kernel)(*tuple(_d.values())))

</pallas_src>

<mosaic_0001>
#map = affine_map<(d0, d1) -> (0, 0)>
#map1 = affine_map<(d0, d1) -> (0, 0, 0)>
module attributes {stable_mosaic.version = 14 : i64} {
  func.func @_edge_scatter(%arg0: i32, %arg1: i32, %arg2: memref<10000x128xf32, #tpu.memory_space<hbm>>, %arg3: memref<2x2560x125xi32, #tpu.memory_space<hbm>>, %arg4: memref<10000x128xf32, #tpu.memory_space<hbm>>, %arg5: memref<2x10000x128xf32, #tpu.memory_space<hbm>>, %arg6: memref<40x125xi32, #tpu.memory_space<vmem>>, %arg7: memref<40x125xi32, #tpu.memory_space<vmem>>, %arg8: memref<125x128xf32, #tpu.memory_space<vmem>>, %arg9: memref<125x128xf32, #tpu.memory_space<vmem>>, %arg10: memref<!tpu.dma_semaphore, #tpu.memory_space<semaphore_mem>>, %arg11: memref<!tpu.dma_semaphore, #tpu.memory_space<semaphore_mem>>, %arg12: memref<!tpu.dma_semaphore, #tpu.memory_space<semaphore_mem>>, %arg13: memref<!tpu.dma_semaphore, #tpu.memory_space<semaphore_mem>>, %arg14: memref<!tpu.dma_semaphore, #tpu.memory_space<semaphore_mem>>, %arg15: memref<10000x128xf32, #tpu.memory_space<vmem_shared>>) attributes {dimension_semantics = [#tpu.dimension_semantics<core_parallel>, #tpu.dimension_semantics<subcore_parallel>], iteration_bounds = array<i64: 2, 16>, scalar_prefetch = 0 : i64, scratch_operands = 10 : i64, tpu.core_type = #tpu.core_type<sc_vector_subcore>, window_params = [{transform_indices = #map}, {transform_indices = #map1}, {transform_indices = #map}, {transform_indices = #map1}]} {
    %mul3A = arith.constant 16 : i32
    %mul3A_0 = arith.muli %arg0, %mul3A : i32
    %add3A = arith.addi %mul3A_0, %arg1 : i32
    %mul3A_1 = arith.constant 624 : i32
    %mul3A_2 = arith.muli %arg1, %mul3A_1 : i32
    %mul3A_3 = arith.constant 624 : i32
    %mul3A_4 = arith.muli %arg1, %mul3A_3 : i32
    %dma_start3A = arith.constant 0 : i32
    %dma_start3A_5 = tpu.memref_slice %arg15[%mul3A_4, %dma_start3A] : memref<10000x128xf32, #tpu.memory_space<vmem_shared>> -> memref<624x128xf32, #tpu.memory_space<vmem_shared>>
    %dma_start3A_6 = arith.constant 0 : i32
    %dma_start3A_7 = tpu.memref_slice %arg4[%mul3A_2, %dma_start3A_6] : memref<10000x128xf32, #tpu.memory_space<hbm>> -> memref<624x128xf32, #tpu.memory_space<hbm>>
    tpu.enqueue_dma source(%dma_start3A_7 : memref<624x128xf32, #tpu.memory_space<hbm>>) target(%dma_start3A_5 : memref<624x128xf32, #tpu.memory_space<vmem_shared>>) target_semaphore(%arg14 : memref<!tpu.dma_semaphore, #tpu.memory_space<semaphore_mem>>)
    %dma_wait3A = arith.constant 0 : i32
    %dma_wait3A_8 = tpu.memref_slice %arg15[%mul3A_4, %dma_wait3A] : memref<10000x128xf32, #tpu.memory_space<vmem_shared>> -> memref<624x128xf32, #tpu.memory_space<vmem_shared>>
    %dma_wait3A_9 = arith.constant 0 : i32
    %dma_wait3A_10 = tpu.memref_slice %arg4[%mul3A_2, %dma_wait3A_9] : memref<10000x128xf32, #tpu.memory_space<hbm>> -> memref<624x128xf32, #tpu.memory_space<hbm>>
    tpu.wait_dma2 semaphore(%arg14 : memref<!tpu.dma_semaphore, #tpu.memory_space<semaphore_mem>>) src(%dma_wait3A_10 : memref<624x128xf32, #tpu.memory_space<hbm>>) dst(%dma_wait3A_8 : memref<624x128xf32, #tpu.memory_space<vmem_shared>>)
    %eq3A = arith.constant 0 : i32
    %eq3A_11 = arith.cmpi eq, %arg1, %eq3A : i32
    %convert_element_type3A = arith.extui %eq3A_11 : i1 to i32
    %cond3A = arith.constant 0 : i32
    %cond3A_12 = arith.cmpi ne, %convert_element_type3A, %cond3A : i32
    scf.if %cond3A_12 {
      "tpu.region"() ({
        %run_scoped3A_73 = tpu.sem_alloc : memref<!tpu.dma_semaphore, #tpu.memory_space<semaphore_mem>>
        %dma_start3A_74 = arith.constant 9984 : i32
        %dma_start3A_75 = arith.constant 0 : i32
        %dma_start3A_76 = tpu.memref_slice %arg15[%dma_start3A_74, %dma_start3A_75] : memref<10000x128xf32, #tpu.memory_space<vmem_shared>> -> memref<16x128xf32, #tpu.memory_space<vmem_shared>>
        %dma_start3A_77 = arith.constant 9984 : i32
        %dma_start3A_78 = arith.constant 0 : i32
        %dma_start3A_79 = tpu.memref_slice %arg4[%dma_start3A_77, %dma_start3A_78] : memref<10000x128xf32, #tpu.memory_space<hbm>> -> memref<16x128xf32, #tpu.memory_space<hbm>>
        tpu.enqueue_dma source(%dma_start3A_79 : memref<16x128xf32, #tpu.memory_space<hbm>>) target(%dma_start3A_76 : memref<16x128xf32, #tpu.memory_space<vmem_shared>>) target_semaphore(%run_scoped3A_73 : memref<!tpu.dma_semaphore, #tpu.memory_space<semaphore_mem>>)
        %dma_wait3A_80 = arith.constant 9984 : i32
        %dma_wait3A_81 = arith.constant 0 : i32
        %dma_wait3A_82 = tpu.memref_slice %arg15[%dma_wait3A_80, %dma_wait3A_81] : memref<10000x128xf32, #tpu.memory_space<vmem_shared>> -> memref<16x128xf32, #tpu.memory_space<vmem_shared>>
        %dma_wait3A_83 = arith.constant 9984 : i32
        %dma_wait3A_84 = arith.constant 0 : i32
        %dma_wait3A_85 = tpu.memref_slice %arg4[%dma_wait3A_83, %dma_wait3A_84] : memref<10000x128xf32, #tpu.memory_space<hbm>> -> memref<16x128xf32, #tpu.memory_space<hbm>>
        tpu.wait_dma2 semaphore(%run_scoped3A_73 : memref<!tpu.dma_semaphore, #tpu.memory_space<semaphore_mem>>) src(%dma_wait3A_85 : memref<16x128xf32, #tpu.memory_space<hbm>>) dst(%dma_wait3A_82 : memref<16x128xf32, #tpu.memory_space<vmem_shared>>)
        tpu.yield
      }) : () -> ()
    } else {
    }
    %barrier3A = arith.constant 0 : index
    tpu.barrier barrier_id(%barrier3A)
    %mul3A_13 = arith.constant 80 : i32
    %mul3A_14 = arith.muli %add3A, %mul3A_13 : i32
    %add3A_15 = arith.constant 0 : i32
    %add3A_16 = arith.addi %mul3A_14, %add3A_15 : i32
    %run_scoped3A = arith.constant 0 : i32
    "tpu.region"() ({
      %run_scoped3A_73 = tpu.sem_alloc : memref<!tpu.dma_semaphore, #tpu.memory_space<semaphore_mem>>
      %dma_start3A_74 = arith.constant 0 : i32
      %dma_start3A_75 = arith.constant 0 : i32
      %dma_start3A_76 = tpu.memref_slice %arg3[%run_scoped3A, %dma_start3A_74, %dma_start3A_75] : memref<2x2560x125xi32, #tpu.memory_space<hbm>> -> memref<1x2560x125xi32, #tpu.memory_space<hbm>>
      %dma_start3A_77 = tpu.memref_squeeze %dma_start3A_76 : memref<1x2560x125xi32, #tpu.memory_space<hbm>> -> memref<2560x125xi32, #tpu.memory_space<hbm>>
      %dma_start3A_78 = arith.constant 0 : i32
      %dma_start3A_79 = tpu.memref_slice %dma_start3A_77[%add3A_16, %dma_start3A_78] : memref<2560x125xi32, #tpu.memory_space<hbm>> -> memref<40x125xi32, #tpu.memory_space<hbm>>
      %dma_start3A_80 = arith.constant 0 : i32
      %dma_start3A_81 = arith.constant 0 : i32
      %dma_start3A_82 = tpu.memref_slice %arg3[%run_scoped3A, %dma_start3A_80, %dma_start3A_81] : memref<2x2560x125xi32, #tpu.memory_space<hbm>> -> memref<1x2560x125xi32, #tpu.memory_space<hbm>>
      %dma_start3A_83 = tpu.memref_squeeze %dma_start3A_82 : memref<1x2560x125xi32, #tpu.memory_space<hbm>> -> memref<2560x125xi32, #tpu.memory_space<hbm>>
      %dma_start3A_84 = arith.constant 0 : i32
      %dma_start3A_85 = tpu.memref_slice %dma_start3A_83[%add3A_16, %dma_start3A_84] : memref<2560x125xi32, #tpu.memory_space<hbm>> -> memref<40x125xi32, #tpu.memory_space<hbm>>
      tpu.enqueue_dma source(%dma_start3A_85 : memref<40x125xi32, #tpu.memory_space<hbm>>) target(%arg6 : memref<40x125xi32, #tpu.memory_space<vmem>>) target_semaphore(%run_scoped3A_73 : memref<!tpu.dma_semaphore, #tpu.memory_space<semaphore_mem>>)
      %dma_wait3A_86 = arith.constant 0 : i32
      %dma_wait3A_87 = arith.constant 0 : i32
      %dma_wait3A_88 = tpu.memref_slice %arg3[%run_scoped3A, %dma_wait3A_86, %dma_wait3A_87] : memref<2x2560x125xi32, #tpu.memory_space<hbm>> -> memref<1x2560x125xi32, #tpu.memory_space<hbm>>
      %dma_wait3A_89 = tpu.memref_squeeze %dma_wait3A_88 : memref<1x2560x125xi32, #tpu.memory_space<hbm>> -> memref<2560x125xi32, #tpu.memory_space<hbm>>
      %dma_wait3A_90 = arith.constant 0 : i32
      %dma_wait3A_91 = tpu.memref_slice %dma_wait3A_89[%add3A_16, %dma_wait3A_90] : memref<2560x125xi32, #tpu.memory_space<hbm>> -> memref<40x125xi32, #tpu.memory_space<hbm>>
      %dma_wait3A_92 = arith.constant 0 : i32
      %dma_wait3A_93 = arith.constant 0 : i32
      %dma_wait3A_94 = tpu.memref_slice %arg3[%run_scoped3A, %dma_wait3A_92, %dma_wait3A_93] : memref<2x2560x125xi32, #tpu.memory_space<hbm>> -> memref<1x2560x125xi32, #tpu.memory_space<hbm>>
      %dma_wait3A_95 = tpu.memref_squeeze %dma_wait3A_94 : memref<1x2560x125xi32, #tpu.memory_space<hbm>> -> memref<2560x125xi32, #tpu.memory_space<hbm>>
      %dma_wait3A_96 = arith.constant 0 : i32
      %dma_wait3A_97 = tpu.memref_slice %dma_wait3A_95[%add3A_16, %dma_wait3A_96] : memref<2560x125xi32, #tpu.memory_space<hbm>> -> memref<40x125xi32, #tpu.memory_space<hbm>>
      tpu.wait_dma2 semaphore(%run_scoped3A_73 : memref<!tpu.dma_semaphore, #tpu.memory_space<semaphore_mem>>) src(%dma_wait3A_97 : memref<40x125xi32, #tpu.memory_space<hbm>>) dst(%arg6 : memref<40x125xi32, #tpu.memory_space<vmem>>)
      tpu.yield
    }) : () -> ()
    %run_scoped3A_17 = arith.constant 1 : i32
    "tpu.region"() ({
      %run_scoped3A_73 = tpu.sem_alloc : memref<!tpu.dma_semaphore, #tpu.memory_space<semaphore_mem>>
      %dma_start3A_74 = arith.constant 0 : i32
      %dma_start3A_75 = arith.constant 0 : i32
      %dma_start3A_76 = tpu.memref_slice %arg3[%run_scoped3A_17, %dma_start3A_74, %dma_start3A_75] : memref<2x2560x125xi32, #tpu.memory_space<hbm>> -> memref<1x2560x125xi32, #tpu.memory_space<hbm>>
      %dma_start3A_77 = tpu.memref_squeeze %dma_start3A_76 : memref<1x2560x125xi32, #tpu.memory_space<hbm>> -> memref<2560x125xi32, #tpu.memory_space<hbm>>
      %dma_start3A_78 = arith.constant 0 : i32
      %dma_start3A_79 = tpu.memref_slice %dma_start3A_77[%add3A_16, %dma_start3A_78] : memref<2560x125xi32, #tpu.memory_space<hbm>> -> memref<40x125xi32, #tpu.memory_space<hbm>>
      %dma_start3A_80 = arith.constant 0 : i32
      %dma_start3A_81 = arith.constant 0 : i32
      %dma_start3A_82 = tpu.memref_slice %arg3[%run_scoped3A_17, %dma_start3A_80, %dma_start3A_81] : memref<2x2560x125xi32, #tpu.memory_space<hbm>> -> memref<1x2560x125xi32, #tpu.memory_space<hbm>>
      %dma_start3A_83 = tpu.memref_squeeze %dma_start3A_82 : memref<1x2560x125xi32, #tpu.memory_space<hbm>> -> memref<2560x125xi32, #tpu.memory_space<hbm>>
      %dma_start3A_84 = arith.constant 0 : i32
      %dma_start3A_85 = tpu.memref_slice %dma_start3A_83[%add3A_16, %dma_start3A_84] : memref<2560x125xi32, #tpu.memory_space<hbm>> -> memref<40x125xi32, #tpu.memory_space<hbm>>
      tpu.enqueue_dma source(%dma_start3A_85 : memref<40x125xi32, #tpu.memory_space<hbm>>) target(%arg7 : memref<40x125xi32, #tpu.memory_space<vmem>>) target_semaphore(%run_scoped3A_73 : memref<!tpu.dma_semaphore, #tpu.memory_space<semaphore_mem>>)
      %dma_wait3A_86 = arith.constant 0 : i32
      %dma_wait3A_87 = arith.constant 0 : i32
      %dma_wait3A_88 = tpu.memref_slice %arg3[%run_scoped3A_17, %dma_wait3A_86, %dma_wait3A_87] : memref<2x2560x125xi32, #tpu.memory_space<hbm>> -> memref<1x2560x125xi32, #tpu.memory_space<hbm>>
      %dma_wait3A_89 = tpu.memref_squeeze %dma_wait3A_88 : memref<1x2560x125xi32, #tpu.memory_space<hbm>> -> memref<2560x125xi32, #tpu.memory_space<hbm>>
      %dma_wait3A_90 = arith.constant 0 : i32
      %dma_wait3A_91 = tpu.memref_slice %dma_wait3A_89[%add3A_16, %dma_wait3A_90] : memref<2560x125xi32, #tpu.memory_space<hbm>> -> memref<40x125xi32, #tpu.memory_space<hbm>>
      %dma_wait3A_92 = arith.constant 0 : i32
      %dma_wait3A_93 = arith.constant 0 : i32
      %dma_wait3A_94 = tpu.memref_slice %arg3[%run_scoped3A_17, %dma_wait3A_92, %dma_wait3A_93] : memref<2x2560x125xi32, #tpu.memory_space<hbm>> -> memref<1x2560x125xi32, #tpu.memory_space<hbm>>
      %dma_wait3A_95 = tpu.memref_squeeze %dma_wait3A_94 : memref<1x2560x125xi32, #tpu.memory_space<hbm>> -> memref<2560x125xi32, #tpu.memory_space<hbm>>
      %dma_wait3A_96 = arith.constant 0 : i32
      %dma_wait3A_97 = tpu.memref_slice %dma_wait3A_95[%add3A_16, %dma_wait3A_96] : memref<2560x125xi32, #tpu.memory_space<hbm>> -> memref<40x125xi32, #tpu.memory_space<hbm>>
      tpu.wait_dma2 semaphore(%run_scoped3A_73 : memref<!tpu.dma_semaphore, #tpu.memory_space<semaphore_mem>>) src(%dma_wait3A_97 : memref<40x125xi32, #tpu.memory_space<hbm>>) dst(%arg7 : memref<40x125xi32, #tpu.memory_space<vmem>>)
      tpu.yield
    }) : () -> ()
    %dma_start3A_18 = arith.constant 0 : i32
    %dma_start3A_19 = arith.constant 0 : i32
    %dma_start3A_20 = tpu.memref_slice %arg6[%dma_start3A_18, %dma_start3A_19] : memref<40x125xi32, #tpu.memory_space<vmem>> -> memref<1x125xi32, #tpu.memory_space<vmem>>
    %dma_start3A_21 = tpu.memref_squeeze %dma_start3A_20 : memref<1x125xi32, #tpu.memory_space<vmem>> -> memref<125xi32, #tpu.memory_space<vmem>>
    %dma_start3A_22 = arith.constant 0 : i32
    %dma_start3A_23 = arith.constant 0 : i32
    %dma_start3A_24 = tpu.memref_slice %arg2[%dma_start3A_22, %dma_start3A_23] : memref<10000x128xf32, #tpu.memory_space<hbm>> -> memref<10000x128xf32, #tpu.memory_space<hbm>>
    tpu.enqueue_indirect_dma source(%dma_start3A_24 : memref<10000x128xf32, #tpu.memory_space<hbm>>) target(%arg8 : memref<125x128xf32, #tpu.memory_space<vmem>>) offsets(%dma_start3A_21 : memref<125xi32, #tpu.memory_space<vmem>>) semaphore(%arg10 : memref<!tpu.dma_semaphore, #tpu.memory_space<semaphore_mem>>)
    %dma_start3A_25 = arith.constant 1 : i32
    %dma_start3A_26 = arith.constant 0 : i32
    %dma_start3A_27 = tpu.memref_slice %arg6[%dma_start3A_25, %dma_start3A_26] : memref<40x125xi32, #tpu.memory_space<vmem>> -> memref<1x125xi32, #tpu.memory_space<vmem>>
    %dma_start3A_28 = tpu.memref_squeeze %dma_start3A_27 : memref<1x125xi32, #tpu.memory_space<vmem>> -> memref<125xi32, #tpu.memory_space<vmem>>
    %dma_start3A_29 = arith.constant 0 : i32
    %dma_start3A_30 = arith.constant 0 : i32
    %dma_start3A_31 = tpu.memref_slice %arg2[%dma_start3A_29, %dma_start3A_30] : memref<10000x128xf32, #tpu.memory_space<hbm>> -> memref<10000x128xf32, #tpu.memory_space<hbm>>
    tpu.enqueue_indirect_dma source(%dma_start3A_31 : memref<10000x128xf32, #tpu.memory_space<hbm>>) target(%arg9 : memref<125x128xf32, #tpu.memory_space<vmem>>) offsets(%dma_start3A_28 : memref<125xi32, #tpu.memory_space<vmem>>) semaphore(%arg11 : memref<!tpu.dma_semaphore, #tpu.memory_space<semaphore_mem>>)
    %scan3A = arith.constant 0 : i32
    %scan3A_32 = arith.constant 0 : i32
    %scan3A_33 = arith.constant 20 : i32
    %scan3A_34 = arith.addi %scan3A_32, %scan3A_33 : i32
    %scan3A_35 = arith.constant 1 : i32
    scf.for %scan3A_73 = %scan3A_32 to %scan3A_34 step %scan3A_35  : i32 {
      %mul3A_74 = arith.constant 2 : i32
      %mul3A_75 = arith.muli %scan3A_73, %mul3A_74 : i32
      %add3A_76 = arith.constant 0 : i32
      %add3A_77 = arith.addi %mul3A_75, %add3A_76 : i32
      %dma_wait3A_78 = arith.constant 0 : i32
      %dma_wait3A_79 = tpu.memref_slice %arg6[%add3A_77, %dma_wait3A_78] : memref<40x125xi32, #tpu.memory_space<vmem>> -> memref<1x125xi32, #tpu.memory_space<vmem>>
      %dma_wait3A_80 = tpu.memref_squeeze %dma_wait3A_79 : memref<1x125xi32, #tpu.memory_space<vmem>> -> memref<125xi32, #tpu.memory_space<vmem>>
      %dma_wait3A_81 = arith.constant 0 : i32
      %dma_wait3A_82 = arith.constant 0 : i32
      %dma_wait3A_83 = tpu.memref_slice %arg2[%dma_wait3A_81, %dma_wait3A_82] : memref<10000x128xf32, #tpu.memory_space<hbm>> -> memref<10000x128xf32, #tpu.memory_space<hbm>>
      tpu.wait_indirect_dma semaphore(%arg10 : memref<!tpu.dma_semaphore, #tpu.memory_space<semaphore_mem>>) src(%dma_wait3A_83 : memref<10000x128xf32, #tpu.memory_space<hbm>>) dst(%arg8 : memref<125x128xf32, #tpu.memory_space<vmem>>)
      %dma_start3A_84 = arith.constant 0 : i32
      %dma_start3A_85 = tpu.memref_slice %arg7[%add3A_77, %dma_start3A_84] : memref<40x125xi32, #tpu.memory_space<vmem>> -> memref<1x125xi32, #tpu.memory_space<vmem>>
      %dma_start3A_86 = tpu.memref_squeeze %dma_start3A_85 : memref<1x125xi32, #tpu.memory_space<vmem>> -> memref<125xi32, #tpu.memory_space<vmem>>
      %dma_start3A_87 = arith.constant 0 : i32
      %dma_start3A_88 = arith.constant 0 : i32
      %dma_start3A_89 = tpu.memref_slice %arg15[%dma_start3A_87, %dma_start3A_88] : memref<10000x128xf32, #tpu.memory_space<vmem_shared>> -> memref<10000x128xf32, #tpu.memory_space<vmem_shared>>
      tpu.enqueue_indirect_dma source(%arg8 : memref<125x128xf32, #tpu.memory_space<vmem>>) target(%dma_start3A_89 : memref<10000x128xf32, #tpu.memory_space<vmem_shared>>) offsets(%dma_start3A_86 : memref<125xi32, #tpu.memory_space<vmem>>) semaphore(%arg12 : memref<!tpu.dma_semaphore, #tpu.memory_space<semaphore_mem>>) {add = true}
      %dma_wait3A_90 = arith.constant 0 : i32
      %dma_wait3A_91 = tpu.memref_slice %arg7[%add3A_77, %dma_wait3A_90] : memref<40x125xi32, #tpu.memory_space<vmem>> -> memref<1x125xi32, #tpu.memory_space<vmem>>
      %dma_wait3A_92 = tpu.memref_squeeze %dma_wait3A_91 : memref<1x125xi32, #tpu.memory_space<vmem>> -> memref<125xi32, #tpu.memory_space<vmem>>
      %dma_wait3A_93 = arith.constant 0 : i32
      %dma_wait3A_94 = arith.constant 0 : i32
      %dma_wait3A_95 = tpu.memref_slice %arg15[%dma_wait3A_93, %dma_wait3A_94] : memref<10000x128xf32, #tpu.memory_space<vmem_shared>> -> memref<10000x128xf32, #tpu.memory_space<vmem_shared>>
      tpu.wait_indirect_dma semaphore(%arg12 : memref<!tpu.dma_semaphore, #tpu.memory_space<semaphore_mem>>) src(%arg8 : memref<125x128xf32, #tpu.memory_space<vmem>>) dst(%dma_wait3A_95 : memref<10000x128xf32, #tpu.memory_space<vmem_shared>>)
      %add3A_96 = arith.constant 2 : i32
      %add3A_97 = arith.addi %add3A_77, %add3A_96 : i32
      %lt3A = arith.constant 40 : i32
      %lt3A_98 = arith.cmpi slt, %add3A_97, %lt3A : i32
      %convert_element_type3A_99 = arith.extui %lt3A_98 : i1 to i32
      %cond3A_100 = arith.constant 0 : i32
      %cond3A_101 = arith.cmpi ne, %convert_element_type3A_99, %cond3A_100 : i32
      scf.if %cond3A_101 {
        %add3A_131 = arith.constant 2 : i32
        %add3A_132 = arith.addi %add3A_77, %add3A_131 : i32
        %dma_start3A_133 = arith.constant 0 : i32
        %dma_start3A_134 = tpu.memref_slice %arg6[%add3A_132, %dma_start3A_133] : memref<40x125xi32, #tpu.memory_space<vmem>> -> memref<1x125xi32, #tpu.memory_space<vmem>>
        %dma_start3A_135 = tpu.memref_squeeze %dma_start3A_134 : memref<1x125xi32, #tpu.memory_space<vmem>> -> memref<125xi32, #tpu.memory_space<vmem>>
        %dma_start3A_136 = arith.constant 0 : i32
        %dma_start3A_137 = arith.constant 0 : i32
        %dma_start3A_138 = tpu.memref_slice %arg2[%dma_start3A_136, %dma_start3A_137] : memref<10000x128xf32, #tpu.memory_space<hbm>> -> memref<10000x128xf32, #tpu.memory_space<hbm>>
        tpu.enqueue_indirect_dma source(%dma_start3A_138 : memref<10000x128xf32, #tpu.memory_space<hbm>>) target(%arg8 : memref<125x128xf32, #tpu.memory_space<vmem>>) offsets(%dma_start3A_135 : memref<125xi32, #tpu.memory_space<vmem>>) semaphore(%arg10 : memref<!tpu.dma_semaphore, #tpu.memory_space<semaphore_mem>>)
      } else {
      }
      %mul3A_102 = arith.constant 2 : i32
      %mul3A_103 = arith.muli %scan3A_73, %mul3A_102 : i32
      %add3A_104 = arith.constant 1 : i32
      %add3A_105 = arith.addi %mul3A_103, %add3A_104 : i32
      %dma_wait3A_106 = arith.constant 0 : i32
      %dma_wait3A_107 = tpu.memref_slice %arg6[%add3A_105, %dma_wait3A_106] : memref<40x125xi32, #tpu.memory_space<vmem>> -> memref<1x125xi32, #tpu.memory_space<vmem>>
      %dma_wait3A_108 = tpu.memref_squeeze %dma_wait3A_107 : memref<1x125xi32, #tpu.memory_space<vmem>> -> memref<125xi32, #tpu.memory_space<vmem>>
      %dma_wait3A_109 = arith.constant 0 : i32
      %dma_wait3A_110 = arith.constant 0 : i32
      %dma_wait3A_111 = tpu.memref_slice %arg2[%dma_wait3A_109, %dma_wait3A_110] : memref<10000x128xf32, #tpu.memory_space<hbm>> -> memref<10000x128xf32, #tpu.memory_space<hbm>>
      tpu.wait_indirect_dma semaphore(%arg11 : memref<!tpu.dma_semaphore, #tpu.memory_space<semaphore_mem>>) src(%dma_wait3A_111 : memref<10000x128xf32, #tpu.memory_space<hbm>>) dst(%arg9 : memref<125x128xf32, #tpu.memory_space<vmem>>)
      %dma_start3A_112 = arith.constant 0 : i32
      %dma_start3A_113 = tpu.memref_slice %arg7[%add3A_105, %dma_start3A_112] : memref<40x125xi32, #tpu.memory_space<vmem>> -> memref<1x125xi32, #tpu.memory_space<vmem>>
      %dma_start3A_114 = tpu.memref_squeeze %dma_start3A_113 : memref<1x125xi32, #tpu.memory_space<vmem>> -> memref<125xi32, #tpu.memory_space<vmem>>
      %dma_start3A_115 = arith.constant 0 : i32
      %dma_start3A_116 = arith.constant 0 : i32
      %dma_start3A_117 = tpu.memref_slice %arg15[%dma_start3A_115, %dma_start3A_116] : memref<10000x128xf32, #tpu.memory_space<vmem_shared>> -> memref<10000x128xf32, #tpu.memory_space<vmem_shared>>
      tpu.enqueue_indirect_dma source(%arg9 : memref<125x128xf32, #tpu.memory_space<vmem>>) target(%dma_start3A_117 : memref<10000x128xf32, #tpu.memory_space<vmem_shared>>) offsets(%dma_start3A_114 : memref<125xi32, #tpu.memory_space<vmem>>) semaphore(%arg13 : memref<!tpu.dma_semaphore, #tpu.memory_space<semaphore_mem>>) {add = true}
      %dma_wait3A_118 = arith.constant 0 : i32
      %dma_wait3A_119 = tpu.memref_slice %arg7[%add3A_105, %dma_wait3A_118] : memref<40x125xi32, #tpu.memory_space<vmem>> -> memref<1x125xi32, #tpu.memory_space<vmem>>
      %dma_wait3A_120 = tpu.memref_squeeze %dma_wait3A_119 : memref<1x125xi32, #tpu.memory_space<vmem>> -> memref<125xi32, #tpu.memory_space<vmem>>
      %dma_wait3A_121 = arith.constant 0 : i32
      %dma_wait3A_122 = arith.constant 0 : i32
      %dma_wait3A_123 = tpu.memref_slice %arg15[%dma_wait3A_121, %dma_wait3A_122] : memref<10000x128xf32, #tpu.memory_space<vmem_shared>> -> memref<10000x128xf32, #tpu.memory_space<vmem_shared>>
      tpu.wait_indirect_dma semaphore(%arg13 : memref<!tpu.dma_semaphore, #tpu.memory_space<semaphore_mem>>) src(%arg9 : memref<125x128xf32, #tpu.memory_space<vmem>>) dst(%dma_wait3A_123 : memref<10000x128xf32, #tpu.memory_space<vmem_shared>>)
      %add3A_124 = arith.constant 2 : i32
      %add3A_125 = arith.addi %add3A_105, %add3A_124 : i32
      %lt3A_126 = arith.constant 40 : i32
      %lt3A_127 = arith.cmpi slt, %add3A_125, %lt3A_126 : i32
      %convert_element_type3A_128 = arith.extui %lt3A_127 : i1 to i32
      %cond3A_129 = arith.constant 0 : i32
      %cond3A_130 = arith.cmpi ne, %convert_element_type3A_128, %cond3A_129 : i32
      scf.if %cond3A_130 {
        %add3A_131 = arith.constant 2 : i32
        %add3A_132 = arith.addi %add3A_105, %add3A_131 : i32
        %dma_start3A_133 = arith.constant 0 : i32
        %dma_start3A_134 = tpu.memref_slice %arg6[%add3A_132, %dma_start3A_133] : memref<40x125xi32, #tpu.memory_space<vmem>> -> memref<1x125xi32, #tpu.memory_space<vmem>>
        %dma_start3A_135 = tpu.memref_squeeze %dma_start3A_134 : memref<1x125xi32, #tpu.memory_space<vmem>> -> memref<125xi32, #tpu.memory_space<vmem>>
        %dma_start3A_136 = arith.constant 0 : i32
        %dma_start3A_137 = arith.constant 0 : i32
        %dma_start3A_138 = tpu.memref_slice %arg2[%dma_start3A_136, %dma_start3A_137] : memref<10000x128xf32, #tpu.memory_space<hbm>> -> memref<10000x128xf32, #tpu.memory_space<hbm>>
        tpu.enqueue_indirect_dma source(%dma_start3A_138 : memref<10000x128xf32, #tpu.memory_space<hbm>>) target(%arg9 : memref<125x128xf32, #tpu.memory_space<vmem>>) offsets(%dma_start3A_135 : memref<125xi32, #tpu.memory_space<vmem>>) semaphore(%arg11 : memref<!tpu.dma_semaphore, #tpu.memory_space<semaphore_mem>>)
      } else {
      }
    }
    %scan3A_36 = arith.constant 20 : i32
    %mul3A_37 = arith.constant 80 : i32
    %mul3A_38 = arith.muli %add3A, %mul3A_37 : i32
    %add3A_39 = arith.constant 40 : i32
    %add3A_40 = arith.addi %mul3A_38, %add3A_39 : i32
    %run_scoped3A_41 = arith.constant 0 : i32
    "tpu.region"() ({
      %run_scoped3A_73 = tpu.sem_alloc : memref<!tpu.dma_semaphore, #tpu.memory_space<semaphore_mem>>
      %dma_start3A_74 = arith.constant 0 : i32
      %dma_start3A_75 = arith.constant 0 : i32
      %dma_start3A_76 = tpu.memref_slice %arg3[%run_scoped3A_41, %dma_start3A_74, %dma_start3A_75] : memref<2x2560x125xi32, #tpu.memory_space<hbm>> -> memref<1x2560x125xi32, #tpu.memory_space<hbm>>
      %dma_start3A_77 = tpu.memref_squeeze %dma_start3A_76 : memref<1x2560x125xi32, #tpu.memory_space<hbm>> -> memref<2560x125xi32, #tpu.memory_space<hbm>>
      %dma_start3A_78 = arith.constant 0 : i32
      %dma_start3A_79 = tpu.memref_slice %dma_start3A_77[%add3A_40, %dma_start3A_78] : memref<2560x125xi32, #tpu.memory_space<hbm>> -> memref<40x125xi32, #tpu.memory_space<hbm>>
      %dma_start3A_80 = arith.constant 0 : i32
      %dma_start3A_81 = arith.constant 0 : i32
      %dma_start3A_82 = tpu.memref_slice %arg3[%run_scoped3A_41, %dma_start3A_80, %dma_start3A_81] : memref<2x2560x125xi32, #tpu.memory_space<hbm>> -> memref<1x2560x125xi32, #tpu.memory_space<hbm>>
      %dma_start3A_83 = tpu.memref_squeeze %dma_start3A_82 : memref<1x2560x125xi32, #tpu.memory_space<hbm>> -> memref<2560x125xi32, #tpu.memory_space<hbm>>
      %dma_start3A_84 = arith.constant 0 : i32
      %dma_start3A_85 = tpu.memref_slice %dma_start3A_83[%add3A_40, %dma_start3A_84] : memref<2560x125xi32, #tpu.memory_space<hbm>> -> memref<40x125xi32, #tpu.memory_space<hbm>>
      tpu.enqueue_dma source(%dma_start3A_85 : memref<40x125xi32, #tpu.memory_space<hbm>>) target(%arg6 : memref<40x125xi32, #tpu.memory_space<vmem>>) target_semaphore(%run_scoped3A_73 : memref<!tpu.dma_semaphore, #tpu.memory_space<semaphore_mem>>)
      %dma_wait3A_86 = arith.constant 0 : i32
      %dma_wait3A_87 = arith.constant 0 : i32
      %dma_wait3A_88 = tpu.memref_slice %arg3[%run_scoped3A_41, %dma_wait3A_86, %dma_wait3A_87] : memref<2x2560x125xi32, #tpu.memory_space<hbm>> -> memref<1x2560x125xi32, #tpu.memory_space<hbm>>
      %dma_wait3A_89 = tpu.memref_squeeze %dma_wait3A_88 : memref<1x2560x125xi32, #tpu.memory_space<hbm>> -> memref<2560x125xi32, #tpu.memory_space<hbm>>
      %dma_wait3A_90 = arith.constant 0 : i32
      %dma_wait3A_91 = tpu.memref_slice %dma_wait3A_89[%add3A_40, %dma_wait3A_90] : memref<2560x125xi32, #tpu.memory_space<hbm>> -> memref<40x125xi32, #tpu.memory_space<hbm>>
      %dma_wait3A_92 = arith.constant 0 : i32
      %dma_wait3A_93 = arith.constant 0 : i32
      %dma_wait3A_94 = tpu.memref_slice %arg3[%run_scoped3A_41, %dma_wait3A_92, %dma_wait3A_93] : memref<2x2560x125xi32, #tpu.memory_space<hbm>> -> memref<1x2560x125xi32, #tpu.memory_space<hbm>>
      %dma_wait3A_95 = tpu.memref_squeeze %dma_wait3A_94 : memref<1x2560x125xi32, #tpu.memory_space<hbm>> -> memref<2560x125xi32, #tpu.memory_space<hbm>>
      %dma_wait3A_96 = arith.constant 0 : i32
      %dma_wait3A_97 = tpu.memref_slice %dma_wait3A_95[%add3A_40, %dma_wait3A_96] : memref<2560x125xi32, #tpu.memory_space<hbm>> -> memref<40x125xi32, #tpu.memory_space<hbm>>
      tpu.wait_dma2 semaphore(%run_scoped3A_73 : memref<!tpu.dma_semaphore, #tpu.memory_space<semaphore_mem>>) src(%dma_wait3A_97 : memref<40x125xi32, #tpu.memory_space<hbm>>) dst(%arg6 : memref<40x125xi32, #tpu.memory_space<vmem>>)
      tpu.yield
    }) : () -> ()
    %run_scoped3A_42 = arith.constant 1 : i32
    "tpu.region"() ({
      %run_scoped3A_73 = tpu.sem_alloc : memref<!tpu.dma_semaphore, #tpu.memory_space<semaphore_mem>>
      %dma_start3A_74 = arith.constant 0 : i32
      %dma_start3A_75 = arith.constant 0 : i32
      %dma_start3A_76 = tpu.memref_slice %arg3[%run_scoped3A_42, %dma_start3A_74, %dma_start3A_75] : memref<2x2560x125xi32, #tpu.memory_space<hbm>> -> memref<1x2560x125xi32, #tpu.memory_space<hbm>>
      %dma_start3A_77 = tpu.memref_squeeze %dma_start3A_76 : memref<1x2560x125xi32, #tpu.memory_space<hbm>> -> memref<2560x125xi32, #tpu.memory_space<hbm>>
      %dma_start3A_78 = arith.constant 0 : i32
      %dma_start3A_79 = tpu.memref_slice %dma_start3A_77[%add3A_40, %dma_start3A_78] : memref<2560x125xi32, #tpu.memory_space<hbm>> -> memref<40x125xi32, #tpu.memory_space<hbm>>
      %dma_start3A_80 = arith.constant 0 : i32
      %dma_start3A_81 = arith.constant 0 : i32
      %dma_start3A_82 = tpu.memref_slice %arg3[%run_scoped3A_42, %dma_start3A_80, %dma_start3A_81] : memref<2x2560x125xi32, #tpu.memory_space<hbm>> -> memref<1x2560x125xi32, #tpu.memory_space<hbm>>
      %dma_start3A_83 = tpu.memref_squeeze %dma_start3A_82 : memref<1x2560x125xi32, #tpu.memory_space<hbm>> -> memref<2560x125xi32, #tpu.memory_space<hbm>>
      %dma_start3A_84 = arith.constant 0 : i32
      %dma_start3A_85 = tpu.memref_slice %dma_start3A_83[%add3A_40, %dma_start3A_84] : memref<2560x125xi32, #tpu.memory_space<hbm>> -> memref<40x125xi32, #tpu.memory_space<hbm>>
      tpu.enqueue_dma source(%dma_start3A_85 : memref<40x125xi32, #tpu.memory_space<hbm>>) target(%arg7 : memref<40x125xi32, #tpu.memory_space<vmem>>) target_semaphore(%run_scoped3A_73 : memref<!tpu.dma_semaphore, #tpu.memory_space<semaphore_mem>>)
      %dma_wait3A_86 = arith.constant 0 : i32
      %dma_wait3A_87 = arith.constant 0 : i32
      %dma_wait3A_88 = tpu.memref_slice %arg3[%run_scoped3A_42, %dma_wait3A_86, %dma_wait3A_87] : memref<2x2560x125xi32, #tpu.memory_space<hbm>> -> memref<1x2560x125xi32, #tpu.memory_space<hbm>>
      %dma_wait3A_89 = tpu.memref_squeeze %dma_wait3A_88 : memref<1x2560x125xi32, #tpu.memory_space<hbm>> -> memref<2560x125xi32, #tpu.memory_space<hbm>>
      %dma_wait3A_90 = arith.constant 0 : i32
      %dma_wait3A_91 = tpu.memref_slice %dma_wait3A_89[%add3A_40, %dma_wait3A_90] : memref<2560x125xi32, #tpu.memory_space<hbm>> -> memref<40x125xi32, #tpu.memory_space<hbm>>
      %dma_wait3A_92 = arith.constant 0 : i32
      %dma_wait3A_93 = arith.constant 0 : i32
      %dma_wait3A_94 = tpu.memref_slice %arg3[%run_scoped3A_42, %dma_wait3A_92, %dma_wait3A_93] : memref<2x2560x125xi32, #tpu.memory_space<hbm>> -> memref<1x2560x125xi32, #tpu.memory_space<hbm>>
      %dma_wait3A_95 = tpu.memref_squeeze %dma_wait3A_94 : memref<1x2560x125xi32, #tpu.memory_space<hbm>> -> memref<2560x125xi32, #tpu.memory_space<hbm>>
      %dma_wait3A_96 = arith.constant 0 : i32
      %dma_wait3A_97 = tpu.memref_slice %dma_wait3A_95[%add3A_40, %dma_wait3A_96] : memref<2560x125xi32, #tpu.memory_space<hbm>> -> memref<40x125xi32, #tpu.memory_space<hbm>>
      tpu.wait_dma2 semaphore(%run_scoped3A_73 : memref<!tpu.dma_semaphore, #tpu.memory_space<semaphore_mem>>) src(%dma_wait3A_97 : memref<40x125xi32, #tpu.memory_space<hbm>>) dst(%arg7 : memref<40x125xi32, #tpu.memory_space<vmem>>)
      tpu.yield
    }) : () -> ()
    %dma_start3A_43 = arith.constant 0 : i32
    %dma_start3A_44 = arith.constant 0 : i32
    %dma_start3A_45 = tpu.memref_slice %arg6[%dma_start3A_43, %dma_start3A_44] : memref<40x125xi32, #tpu.memory_space<vmem>> -> memref<1x125xi32, #tpu.memory_space<vmem>>
    %dma_start3A_46 = tpu.memref_squeeze %dma_start3A_45 : memref<1x125xi32, #tpu.memory_space<vmem>> -> memref<125xi32, #tpu.memory_space<vmem>>
    %dma_start3A_47 = arith.constant 0 : i32
    %dma_start3A_48 = arith.constant 0 : i32
    %dma_start3A_49 = tpu.memref_slice %arg2[%dma_start3A_47, %dma_start3A_48] : memref<10000x128xf32, #tpu.memory_space<hbm>> -> memref<10000x128xf32, #tpu.memory_space<hbm>>
    tpu.enqueue_indirect_dma source(%dma_start3A_49 : memref<10000x128xf32, #tpu.memory_space<hbm>>) target(%arg8 : memref<125x128xf32, #tpu.memory_space<vmem>>) offsets(%dma_start3A_46 : memref<125xi32, #tpu.memory_space<vmem>>) semaphore(%arg10 : memref<!tpu.dma_semaphore, #tpu.memory_space<semaphore_mem>>)
    %dma_start3A_50 = arith.constant 1 : i32
    %dma_start3A_51 = arith.constant 0 : i32
    %dma_start3A_52 = tpu.memref_slice %arg6[%dma_start3A_50, %dma_start3A_51] : memref<40x125xi32, #tpu.memory_space<vmem>> -> memref<1x125xi32, #tpu.memory_space<vmem>>
    %dma_start3A_53 = tpu.memref_squeeze %dma_start3A_52 : memref<1x125xi32, #tpu.memory_space<vmem>> -> memref<125xi32, #tpu.memory_space<vmem>>
    %dma_start3A_54 = arith.constant 0 : i32
    %dma_start3A_55 = arith.constant 0 : i32
    %dma_start3A_56 = tpu.memref_slice %arg2[%dma_start3A_54, %dma_start3A_55] : memref<10000x128xf32, #tpu.memory_space<hbm>> -> memref<10000x128xf32, #tpu.memory_space<hbm>>
    tpu.enqueue_indirect_dma source(%dma_start3A_56 : memref<10000x128xf32, #tpu.memory_space<hbm>>) target(%arg9 : memref<125x128xf32, #tpu.memory_space<vmem>>) offsets(%dma_start3A_53 : memref<125xi32, #tpu.memory_space<vmem>>) semaphore(%arg11 : memref<!tpu.dma_semaphore, #tpu.memory_space<semaphore_mem>>)
    %scan3A_57 = arith.constant 0 : i32
    %scan3A_58 = arith.constant 0 : i32
    %scan3A_59 = arith.constant 20 : i32
    %scan3A_60 = arith.addi %scan3A_58, %scan3A_59 : i32
    %scan3A_61 = arith.constant 1 : i32
    scf.for %scan3A_73 = %scan3A_58 to %scan3A_60 step %scan3A_61  : i32 {
      %mul3A_74 = arith.constant 2 : i32
      %mul3A_75 = arith.muli %scan3A_73, %mul3A_74 : i32
      %add3A_76 = arith.constant 0 : i32
      %add3A_77 = arith.addi %mul3A_75, %add3A_76 : i32
      %dma_wait3A_78 = arith.constant 0 : i32
      %dma_wait3A_79 = tpu.memref_slice %arg6[%add3A_77, %dma_wait3A_78] : memref<40x125xi32, #tpu.memory_space<vmem>> -> memref<1x125xi32, #tpu.memory_space<vmem>>
      %dma_wait3A_80 = tpu.memref_squeeze %dma_wait3A_79 : memref<1x125xi32, #tpu.memory_space<vmem>> -> memref<125xi32, #tpu.memory_space<vmem>>
      %dma_wait3A_81 = arith.constant 0 : i32
      %dma_wait3A_82 = arith.constant 0 : i32
      %dma_wait3A_83 = tpu.memref_slice %arg2[%dma_wait3A_81, %dma_wait3A_82] : memref<10000x128xf32, #tpu.memory_space<hbm>> -> memref<10000x128xf32, #tpu.memory_space<hbm>>
      tpu.wait_indirect_dma semaphore(%arg10 : memref<!tpu.dma_semaphore, #tpu.memory_space<semaphore_mem>>) src(%dma_wait3A_83 : memref<10000x128xf32, #tpu.memory_space<hbm>>) dst(%arg8 : memref<125x128xf32, #tpu.memory_space<vmem>>)
      %dma_start3A_84 = arith.constant 0 : i32
      %dma_start3A_85 = tpu.memref_slice %arg7[%add3A_77, %dma_start3A_84] : memref<40x125xi32, #tpu.memory_space<vmem>> -> memref<1x125xi32, #tpu.memory_space<vmem>>
      %dma_start3A_86 = tpu.memref_squeeze %dma_start3A_85 : memref<1x125xi32, #tpu.memory_space<vmem>> -> memref<125xi32, #tpu.memory_space<vmem>>
      %dma_start3A_87 = arith.constant 0 : i32
      %dma_start3A_88 = arith.constant 0 : i32
      %dma_start3A_89 = tpu.memref_slice %arg15[%dma_start3A_87, %dma_start3A_88] : memref<10000x128xf32, #tpu.memory_space<vmem_shared>> -> memref<10000x128xf32, #tpu.memory_space<vmem_shared>>
      tpu.enqueue_indirect_dma source(%arg8 : memref<125x128xf32, #tpu.memory_space<vmem>>) target(%dma_start3A_89 : memref<10000x128xf32, #tpu.memory_space<vmem_shared>>) offsets(%dma_start3A_86 : memref<125xi32, #tpu.memory_space<vmem>>) semaphore(%arg12 : memref<!tpu.dma_semaphore, #tpu.memory_space<semaphore_mem>>) {add = true}
      %dma_wait3A_90 = arith.constant 0 : i32
      %dma_wait3A_91 = tpu.memref_slice %arg7[%add3A_77, %dma_wait3A_90] : memref<40x125xi32, #tpu.memory_space<vmem>> -> memref<1x125xi32, #tpu.memory_space<vmem>>
      %dma_wait3A_92 = tpu.memref_squeeze %dma_wait3A_91 : memref<1x125xi32, #tpu.memory_space<vmem>> -> memref<125xi32, #tpu.memory_space<vmem>>
      %dma_wait3A_93 = arith.constant 0 : i32
      %dma_wait3A_94 = arith.constant 0 : i32
      %dma_wait3A_95 = tpu.memref_slice %arg15[%dma_wait3A_93, %dma_wait3A_94] : memref<10000x128xf32, #tpu.memory_space<vmem_shared>> -> memref<10000x128xf32, #tpu.memory_space<vmem_shared>>
      tpu.wait_indirect_dma semaphore(%arg12 : memref<!tpu.dma_semaphore, #tpu.memory_space<semaphore_mem>>) src(%arg8 : memref<125x128xf32, #tpu.memory_space<vmem>>) dst(%dma_wait3A_95 : memref<10000x128xf32, #tpu.memory_space<vmem_shared>>)
      %add3A_96 = arith.constant 2 : i32
      %add3A_97 = arith.addi %add3A_77, %add3A_96 : i32
      %lt3A = arith.constant 40 : i32
      %lt3A_98 = arith.cmpi slt, %add3A_97, %lt3A : i32
      %convert_element_type3A_99 = arith.extui %lt3A_98 : i1 to i32
      %cond3A_100 = arith.constant 0 : i32
      %cond3A_101 = arith.cmpi ne, %convert_element_type3A_99, %cond3A_100 : i32
      scf.if %cond3A_101 {
        %add3A_131 = arith.constant 2 : i32
        %add3A_132 = arith.addi %add3A_77, %add3A_131 : i32
        %dma_start3A_133 = arith.constant 0 : i32
        %dma_start3A_134 = tpu.memref_slice %arg6[%add3A_132, %dma_start3A_133] : memref<40x125xi32, #tpu.memory_space<vmem>> -> memref<1x125xi32, #tpu.memory_space<vmem>>
        %dma_start3A_135 = tpu.memref_squeeze %dma_start3A_134 : memref<1x125xi32, #tpu.memory_space<vmem>> -> memref<125xi32, #tpu.memory_space<vmem>>
        %dma_start3A_136 = arith.constant 0 : i32
        %dma_start3A_137 = arith.constant 0 : i32
        %dma_start3A_138 = tpu.memref_slice %arg2[%dma_start3A_136, %dma_start3A_137] : memref<10000x128xf32, #tpu.memory_space<hbm>> -> memref<10000x128xf32, #tpu.memory_space<hbm>>
        tpu.enqueue_indirect_dma source(%dma_start3A_138 : memref<10000x128xf32, #tpu.memory_space<hbm>>) target(%arg8 : memref<125x128xf32, #tpu.memory_space<vmem>>) offsets(%dma_start3A_135 : memref<125xi32, #tpu.memory_space<vmem>>) semaphore(%arg10 : memref<!tpu.dma_semaphore, #tpu.memory_space<semaphore_mem>>)
      } else {
      }
      %mul3A_102 = arith.constant 2 : i32
      %mul3A_103 = arith.muli %scan3A_73, %mul3A_102 : i32
      %add3A_104 = arith.constant 1 : i32
      %add3A_105 = arith.addi %mul3A_103, %add3A_104 : i32
      %dma_wait3A_106 = arith.constant 0 : i32
      %dma_wait3A_107 = tpu.memref_slice %arg6[%add3A_105, %dma_wait3A_106] : memref<40x125xi32, #tpu.memory_space<vmem>> -> memref<1x125xi32, #tpu.memory_space<vmem>>
      %dma_wait3A_108 = tpu.memref_squeeze %dma_wait3A_107 : memref<1x125xi32, #tpu.memory_space<vmem>> -> memref<125xi32, #tpu.memory_space<vmem>>
      %dma_wait3A_109 = arith.constant 0 : i32
      %dma_wait3A_110 = arith.constant 0 : i32
      %dma_wait3A_111 = tpu.memref_slice %arg2[%dma_wait3A_109, %dma_wait3A_110] : memref<10000x128xf32, #tpu.memory_space<hbm>> -> memref<10000x128xf32, #tpu.memory_space<hbm>>
      tpu.wait_indirect_dma semaphore(%arg11 : memref<!tpu.dma_semaphore, #tpu.memory_space<semaphore_mem>>) src(%dma_wait3A_111 : memref<10000x128xf32, #tpu.memory_space<hbm>>) dst(%arg9 : memref<125x128xf32, #tpu.memory_space<vmem>>)
      %dma_start3A_112 = arith.constant 0 : i32
      %dma_start3A_113 = tpu.memref_slice %arg7[%add3A_105, %dma_start3A_112] : memref<40x125xi32, #tpu.memory_space<vmem>> -> memref<1x125xi32, #tpu.memory_space<vmem>>
      %dma_start3A_114 = tpu.memref_squeeze %dma_start3A_113 : memref<1x125xi32, #tpu.memory_space<vmem>> -> memref<125xi32, #tpu.memory_space<vmem>>
      %dma_start3A_115 = arith.constant 0 : i32
      %dma_start3A_116 = arith.constant 0 : i32
      %dma_start3A_117 = tpu.memref_slice %arg15[%dma_start3A_115, %dma_start3A_116] : memref<10000x128xf32, #tpu.memory_space<vmem_shared>> -> memref<10000x128xf32, #tpu.memory_space<vmem_shared>>
      tpu.enqueue_indirect_dma source(%arg9 : memref<125x128xf32, #tpu.memory_space<vmem>>) target(%dma_start3A_117 : memref<10000x128xf32, #tpu.memory_space<vmem_shared>>) offsets(%dma_start3A_114 : memref<125xi32, #tpu.memory_space<vmem>>) semaphore(%arg13 : memref<!tpu.dma_semaphore, #tpu.memory_space<semaphore_mem>>) {add = true}
      %dma_wait3A_118 = arith.constant 0 : i32
      %dma_wait3A_119 = tpu.memref_slice %arg7[%add3A_105, %dma_wait3A_118] : memref<40x125xi32, #tpu.memory_space<vmem>> -> memref<1x125xi32, #tpu.memory_space<vmem>>
      %dma_wait3A_120 = tpu.memref_squeeze %dma_wait3A_119 : memref<1x125xi32, #tpu.memory_space<vmem>> -> memref<125xi32, #tpu.memory_space<vmem>>
      %dma_wait3A_121 = arith.constant 0 : i32
      %dma_wait3A_122 = arith.constant 0 : i32
      %dma_wait3A_123 = tpu.memref_slice %arg15[%dma_wait3A_121, %dma_wait3A_122] : memref<10000x128xf32, #tpu.memory_space<vmem_shared>> -> memref<10000x128xf32, #tpu.memory_space<vmem_shared>>
      tpu.wait_indirect_dma semaphore(%arg13 : memref<!tpu.dma_semaphore, #tpu.memory_space<semaphore_mem>>) src(%arg9 : memref<125x128xf32, #tpu.memory_space<vmem>>) dst(%dma_wait3A_123 : memref<10000x128xf32, #tpu.memory_space<vmem_shared>>)
      %add3A_124 = arith.constant 2 : i32
      %add3A_125 = arith.addi %add3A_105, %add3A_124 : i32
      %lt3A_126 = arith.constant 40 : i32
      %lt3A_127 = arith.cmpi slt, %add3A_125, %lt3A_126 : i32
      %convert_element_type3A_128 = arith.extui %lt3A_127 : i1 to i32
      %cond3A_129 = arith.constant 0 : i32
      %cond3A_130 = arith.cmpi ne, %convert_element_type3A_128, %cond3A_129 : i32
      scf.if %cond3A_130 {
        %add3A_131 = arith.constant 2 : i32
        %add3A_132 = arith.addi %add3A_105, %add3A_131 : i32
        %dma_start3A_133 = arith.constant 0 : i32
        %dma_start3A_134 = tpu.memref_slice %arg6[%add3A_132, %dma_start3A_133] : memref<40x125xi32, #tpu.memory_space<vmem>> -> memref<1x125xi32, #tpu.memory_space<vmem>>
        %dma_start3A_135 = tpu.memref_squeeze %dma_start3A_134 : memref<1x125xi32, #tpu.memory_space<vmem>> -> memref<125xi32, #tpu.memory_space<vmem>>
        %dma_start3A_136 = arith.constant 0 : i32
        %dma_start3A_137 = arith.constant 0 : i32
        %dma_start3A_138 = tpu.memref_slice %arg2[%dma_start3A_136, %dma_start3A_137] : memref<10000x128xf32, #tpu.memory_space<hbm>> -> memref<10000x128xf32, #tpu.memory_space<hbm>>
        tpu.enqueue_indirect_dma source(%dma_start3A_138 : memref<10000x128xf32, #tpu.memory_space<hbm>>) target(%arg9 : memref<125x128xf32, #tpu.memory_space<vmem>>) offsets(%dma_start3A_135 : memref<125xi32, #tpu.memory_space<vmem>>) semaphore(%arg11 : memref<!tpu.dma_semaphore, #tpu.memory_space<semaphore_mem>>)
      } else {
      }
    }
    %scan3A_62 = arith.constant 20 : i32
    %barrier3A_63 = arith.constant 0 : index
    tpu.barrier barrier_id(%barrier3A_63)
    %mul3A_64 = arith.constant 624 : i32
    %mul3A_65 = arith.muli %arg1, %mul3A_64 : i32
    %mul3A_66 = arith.constant 624 : i32
    %mul3A_67 = arith.muli %arg1, %mul3A_66 : i32
    "tpu.region"() ({
      %run_scoped3A_73 = tpu.sem_alloc : memref<!tpu.dma_semaphore, #tpu.memory_space<semaphore_mem>>
      %dma_start3A_74 = arith.constant 0 : i32
      %dma_start3A_75 = arith.constant 0 : i32
      %dma_start3A_76 = tpu.memref_slice %arg5[%arg0, %dma_start3A_74, %dma_start3A_75] : memref<2x10000x128xf32, #tpu.memory_space<hbm>> -> memref<1x10000x128xf32, #tpu.memory_space<hbm>>
      %dma_start3A_77 = tpu.memref_squeeze %dma_start3A_76 : memref<1x10000x128xf32, #tpu.memory_space<hbm>> -> memref<10000x128xf32, #tpu.memory_space<hbm>>
      %dma_start3A_78 = arith.constant 0 : i32
      %dma_start3A_79 = tpu.memref_slice %dma_start3A_77[%mul3A_67, %dma_start3A_78] : memref<10000x128xf32, #tpu.memory_space<hbm>> -> memref<624x128xf32, #tpu.memory_space<hbm>>
      %dma_start3A_80 = arith.constant 0 : i32
      %dma_start3A_81 = tpu.memref_slice %arg15[%mul3A_65, %dma_start3A_80] : memref<10000x128xf32, #tpu.memory_space<vmem_shared>> -> memref<624x128xf32, #tpu.memory_space<vmem_shared>>
      tpu.enqueue_dma source(%dma_start3A_81 : memref<624x128xf32, #tpu.memory_space<vmem_shared>>) target(%dma_start3A_79 : memref<624x128xf32, #tpu.memory_space<hbm>>) target_semaphore(%run_scoped3A_73 : memref<!tpu.dma_semaphore, #tpu.memory_space<semaphore_mem>>)
      %dma_wait3A_82 = arith.constant 0 : i32
      %dma_wait3A_83 = arith.constant 0 : i32
      %dma_wait3A_84 = tpu.memref_slice %arg5[%arg0, %dma_wait3A_82, %dma_wait3A_83] : memref<2x10000x128xf32, #tpu.memory_space<hbm>> -> memref<1x10000x128xf32, #tpu.memory_space<hbm>>
      %dma_wait3A_85 = tpu.memref_squeeze %dma_wait3A_84 : memref<1x10000x128xf32, #tpu.memory_space<hbm>> -> memref<10000x128xf32, #tpu.memory_space<hbm>>
      %dma_wait3A_86 = arith.constant 0 : i32
      %dma_wait3A_87 = tpu.memref_slice %dma_wait3A_85[%mul3A_67, %dma_wait3A_86] : memref<10000x128xf32, #tpu.memory_space<hbm>> -> memref<624x128xf32, #tpu.memory_space<hbm>>
      %dma_wait3A_88 = arith.constant 0 : i32
      %dma_wait3A_89 = tpu.memref_slice %arg15[%mul3A_65, %dma_wait3A_88] : memref<10000x128xf32, #tpu.memory_space<vmem_shared>> -> memref<624x128xf32, #tpu.memory_space<vmem_shared>>
      tpu.wait_dma2 semaphore(%run_scoped3A_73 : memref<!tpu.dma_semaphore, #tpu.memory_space<semaphore_mem>>) src(%dma_wait3A_89 : memref<624x128xf32, #tpu.memory_space<vmem_shared>>) dst(%dma_wait3A_87 : memref<624x128xf32, #tpu.memory_space<hbm>>)
      tpu.yield
    }) : () -> ()
    %eq3A_68 = arith.constant 0 : i32
    %eq3A_69 = arith.cmpi eq, %arg1, %eq3A_68 : i32
    %convert_element_type3A_70 = arith.extui %eq3A_69 : i1 to i32
    %cond3A_71 = arith.constant 0 : i32
    %cond3A_72 = arith.cmpi ne, %convert_element_type3A_70, %cond3A_71 : i32
    scf.if %cond3A_72 {
      "tpu.region"() ({
        %run_scoped3A_73 = tpu.sem_alloc : memref<!tpu.dma_semaphore, #tpu.memory_space<semaphore_mem>>
        %dma_start3A_74 = arith.constant 0 : i32
        %dma_start3A_75 = arith.constant 0 : i32
        %dma_start3A_76 = tpu.memref_slice %arg5[%arg0, %dma_start3A_74, %dma_start3A_75] : memref<2x10000x128xf32, #tpu.memory_space<hbm>> -> memref<1x10000x128xf32, #tpu.memory_space<hbm>>
        %dma_start3A_77 = tpu.memref_squeeze %dma_start3A_76 : memref<1x10000x128xf32, #tpu.memory_space<hbm>> -> memref<10000x128xf32, #tpu.memory_space<hbm>>
        %dma_start3A_78 = arith.constant 9984 : i32
        %dma_start3A_79 = arith.constant 0 : i32
        %dma_start3A_80 = tpu.memref_slice %dma_start3A_77[%dma_start3A_78, %dma_start3A_79] : memref<10000x128xf32, #tpu.memory_space<hbm>> -> memref<16x128xf32, #tpu.memory_space<hbm>>
        %dma_start3A_81 = arith.constant 9984 : i32
        %dma_start3A_82 = arith.constant 0 : i32
        %dma_start3A_83 = tpu.memref_slice %arg15[%dma_start3A_81, %dma_start3A_82] : memref<10000x128xf32, #tpu.memory_space<vmem_shared>> -> memref<16x128xf32, #tpu.memory_space<vmem_shared>>
        tpu.enqueue_dma source(%dma_start3A_83 : memref<16x128xf32, #tpu.memory_space<vmem_shared>>) target(%dma_start3A_80 : memref<16x128xf32, #tpu.memory_space<hbm>>) target_semaphore(%run_scoped3A_73 : memref<!tpu.dma_semaphore, #tpu.memory_space<semaphore_mem>>)
        %dma_wait3A_84 = arith.constant 0 : i32
        %dma_wait3A_85 = arith.constant 0 : i32
        %dma_wait3A_86 = tpu.memref_slice %arg5[%arg0, %dma_wait3A_84, %dma_wait3A_85] : memref<2x10000x128xf32, #tpu.memory_space<hbm>> -> memref<1x10000x128xf32, #tpu.memory_space<hbm>>
        %dma_wait3A_87 = tpu.memref_squeeze %dma_wait3A_86 : memref<1x10000x128xf32, #tpu.memory_space<hbm>> -> memref<10000x128xf32, #tpu.memory_space<hbm>>
        %dma_wait3A_88 = arith.constant 9984 : i32
        %dma_wait3A_89 = arith.constant 0 : i32
        %dma_wait3A_90 = tpu.memref_slice %dma_wait3A_87[%dma_wait3A_88, %dma_wait3A_89] : memref<10000x128xf32, #tpu.memory_space<hbm>> -> memref<16x128xf32, #tpu.memory_space<hbm>>
        %dma_wait3A_91 = arith.constant 9984 : i32
        %dma_wait3A_92 = arith.constant 0 : i32
        %dma_wait3A_93 = tpu.memref_slice %arg15[%dma_wait3A_91, %dma_wait3A_92] : memref<10000x128xf32, #tpu.memory_space<vmem_shared>> -> memref<16x128xf32, #tpu.memory_space<vmem_shared>>
        tpu.wait_dma2 semaphore(%run_scoped3A_73 : memref<!tpu.dma_semaphore, #tpu.memory_space<semaphore_mem>>) src(%dma_wait3A_93 : memref<16x128xf32, #tpu.memory_space<vmem_shared>>) dst(%dma_wait3A_90 : memref<16x128xf32, #tpu.memory_space<hbm>>)
        tpu.yield
      }) : () -> ()
    } else {
    }
    return
  }
}

#map = affine_map<(d0, d1) -> (0)>
#map1 = affine_map<(d0, d1) -> (0, 0, 0)>
module attributes {stable_mosaic.version = 14 : i64} {
  func.func @_deg_parts(%arg0: i32, %arg1: i32, %arg2: memref<320000xi32, #tpu.memory_space<hbm>>, %arg3: memref<32x625x16xf32, #tpu.memory_space<hbm>>, %arg4: memref<10000xi32, #tpu.memory_space<vmem>>, %arg5: memref<625x16xf32, #tpu.memory_space<vmem>>) attributes {dimension_semantics = [#tpu.dimension_semantics<core_parallel>, #tpu.dimension_semantics<subcore_parallel>], iteration_bounds = array<i64: 2, 16>, scalar_prefetch = 0 : i64, scratch_operands = 2 : i64, tpu.core_type = #tpu.core_type<sc_vector_subcore>, window_params = [{transform_indices = #map}, {transform_indices = #map1}]} {
    %mul3A = arith.constant 16 : i32
    %mul3A_0 = arith.muli %arg0, %mul3A : i32
    %add3A = arith.addi %mul3A_0, %arg1 : i32
    %mul3A_1 = arith.constant 10000 : i32
    %mul3A_2 = arith.muli %add3A, %mul3A_1 : i32
    "tpu.region"() ({
      %run_scoped3A = tpu.sem_alloc : memref<!tpu.dma_semaphore, #tpu.memory_space<semaphore_mem>>
      %dma_start3A = tpu.memref_slice %arg2[%mul3A_2] : memref<320000xi32, #tpu.memory_space<hbm>> -> memref<10000xi32, #tpu.memory_space<hbm>>
      %dma_start3A_17 = tpu.memref_slice %arg2[%mul3A_2] : memref<320000xi32, #tpu.memory_space<hbm>> -> memref<10000xi32, #tpu.memory_space<hbm>>
      tpu.enqueue_dma source(%dma_start3A_17 : memref<10000xi32, #tpu.memory_space<hbm>>) target(%arg4 : memref<10000xi32, #tpu.memory_space<vmem>>) target_semaphore(%run_scoped3A : memref<!tpu.dma_semaphore, #tpu.memory_space<semaphore_mem>>)
      %dma_wait3A = tpu.memref_slice %arg2[%mul3A_2] : memref<320000xi32, #tpu.memory_space<hbm>> -> memref<10000xi32, #tpu.memory_space<hbm>>
      %dma_wait3A_18 = tpu.memref_slice %arg2[%mul3A_2] : memref<320000xi32, #tpu.memory_space<hbm>> -> memref<10000xi32, #tpu.memory_space<hbm>>
      tpu.wait_dma2 semaphore(%run_scoped3A : memref<!tpu.dma_semaphore, #tpu.memory_space<semaphore_mem>>) src(%dma_wait3A_18 : memref<10000xi32, #tpu.memory_space<hbm>>) dst(%arg4 : memref<10000xi32, #tpu.memory_space<vmem>>)
      tpu.yield
    }) : () -> ()
    %broadcast_in_dim3A = arith.constant 0.000000e+00 : f32
    %broadcast_in_dim3A_3 = vector.broadcast %broadcast_in_dim3A : f32 to vector<16xf32>
    %broadcast_in_dim3A_4 = arith.constant 1.000000e+00 : f32
    %broadcast_in_dim3A_5 = vector.broadcast %broadcast_in_dim3A_4 : f32 to vector<16xf32>
    %scan3A = arith.constant 0 : i32
    %scan3A_6 = arith.constant 0 : i32
    %scan3A_7 = arith.constant 125 : i32
    %scan3A_8 = arith.addi %scan3A_6, %scan3A_7 : i32
    %scan3A_9 = arith.constant 1 : i32
    scf.for %scan3A_17 = %scan3A_6 to %scan3A_8 step %scan3A_9  : i32 {
      %mul3A_18 = arith.constant 5 : i32
      %mul3A_19 = arith.muli %scan3A_17, %mul3A_18 : i32
      %add3A_20 = arith.constant 0 : i32
      %add3A_21 = arith.addi %mul3A_19, %add3A_20 : i32
      %swap3A = arith.index_cast %add3A_21 : i32 to index
      %swap3A_22 = arith.constant 0 : index
      %swap3A_23 = tpu.vector_load %arg5[%swap3A, %swap3A_22] {strides = array<i32>} : memref<625x16xf32, #tpu.memory_space<vmem>>, vector<16xf32>,
      tpu.vector_store %arg5[%swap3A, %swap3A_22], %broadcast_in_dim3A_3 {strides = array<i32>} : memref<625x16xf32, #tpu.memory_space<vmem>>, vector<16xf32>,
      %mul3A_24 = arith.constant 5 : i32
      %mul3A_25 = arith.muli %scan3A_17, %mul3A_24 : i32
      %add3A_26 = arith.constant 1 : i32
      %add3A_27 = arith.addi %mul3A_25, %add3A_26 : i32
      %swap3A_28 = arith.index_cast %add3A_27 : i32 to index
      %swap3A_29 = arith.constant 0 : index
      %swap3A_30 = tpu.vector_load %arg5[%swap3A_28, %swap3A_29] {strides = array<i32>} : memref<625x16xf32, #tpu.memory_space<vmem>>, vector<16xf32>,
      tpu.vector_store %arg5[%swap3A_28, %swap3A_29], %broadcast_in_dim3A_3 {strides = array<i32>} : memref<625x16xf32, #tpu.memory_space<vmem>>, vector<16xf32>,
      %mul3A_31 = arith.constant 5 : i32
      %mul3A_32 = arith.muli %scan3A_17, %mul3A_31 : i32
      %add3A_33 = arith.constant 2 : i32
      %add3A_34 = arith.addi %mul3A_32, %add3A_33 : i32
      %swap3A_35 = arith.index_cast %add3A_34 : i32 to index
      %swap3A_36 = arith.constant 0 : index
      %swap3A_37 = tpu.vector_load %arg5[%swap3A_35, %swap3A_36] {strides = array<i32>} : memref<625x16xf32, #tpu.memory_space<vmem>>, vector<16xf32>,
      tpu.vector_store %arg5[%swap3A_35, %swap3A_36], %broadcast_in_dim3A_3 {strides = array<i32>} : memref<625x16xf32, #tpu.memory_space<vmem>>, vector<16xf32>,
      %mul3A_38 = arith.constant 5 : i32
      %mul3A_39 = arith.muli %scan3A_17, %mul3A_38 : i32
      %add3A_40 = arith.constant 3 : i32
      %add3A_41 = arith.addi %mul3A_39, %add3A_40 : i32
      %swap3A_42 = arith.index_cast %add3A_41 : i32 to index
      %swap3A_43 = arith.constant 0 : index
      %swap3A_44 = tpu.vector_load %arg5[%swap3A_42, %swap3A_43] {strides = array<i32>} : memref<625x16xf32, #tpu.memory_space<vmem>>, vector<16xf32>,
      tpu.vector_store %arg5[%swap3A_42, %swap3A_43], %broadcast_in_dim3A_3 {strides = array<i32>} : memref<625x16xf32, #tpu.memory_space<vmem>>, vector<16xf32>,
      %mul3A_45 = arith.constant 5 : i32
      %mul3A_46 = arith.muli %scan3A_17, %mul3A_45 : i32
      %add3A_47 = arith.constant 4 : i32
      %add3A_48 = arith.addi %mul3A_46, %add3A_47 : i32
      %swap3A_49 = arith.index_cast %add3A_48 : i32 to index
      %swap3A_50 = arith.constant 0 : index
      %swap3A_51 = tpu.vector_load %arg5[%swap3A_49, %swap3A_50] {strides = array<i32>} : memref<625x16xf32, #tpu.memory_space<vmem>>, vector<16xf32>,
      tpu.vector_store %arg5[%swap3A_49, %swap3A_50], %broadcast_in_dim3A_3 {strides = array<i32>} : memref<625x16xf32, #tpu.memory_space<vmem>>, vector<16xf32>,
    }
    %scan3A_10 = arith.constant 125 : i32
    %scan3A_11 = arith.constant 0 : i32
    %scan3A_12 = arith.constant 0 : i32
    %scan3A_13 = arith.constant 125 : i32
    %scan3A_14 = arith.addi %scan3A_12, %scan3A_13 : i32
    %scan3A_15 = arith.constant 1 : i32
    scf.for %scan3A_17 = %scan3A_12 to %scan3A_14 step %scan3A_15  : i32 {
      %mul3A_18 = arith.constant 5 : i32
      %mul3A_19 = arith.muli %scan3A_17, %mul3A_18 : i32
      %add3A_20 = arith.constant 0 : i32
      %add3A_21 = arith.addi %mul3A_19, %add3A_20 : i32
      %mul3A_22 = arith.constant 16 : i32
      %mul3A_23 = arith.muli %add3A_21, %mul3A_22 : i32
      %get3A = arith.index_cast %mul3A_23 : i32 to index
      %get3A_24 = tpu.vector_load %arg4[%get3A] {strides = array<i32>} : memref<10000xi32, #tpu.memory_space<vmem>>, vector<16xi32>,
      %shift_right_arithmetic3A = arith.constant 4 : i32
      %shift_right_arithmetic3A_25 = vector.broadcast %shift_right_arithmetic3A : i32 to vector<16xi32>
      %shift_right_arithmetic3A_26 = arith.shrsi %get3A_24, %shift_right_arithmetic3A_25 : vector<16xi32>
      %and3A = arith.constant 15 : i32
      %and3A_27 = vector.broadcast %and3A : i32 to vector<16xi32>
      %and3A_28 = arith.andi %get3A_24, %and3A_27 : vector<16xi32>
      tpu.vector_store_idx %arg5[%shift_right_arithmetic3A_26, %and3A_28], %broadcast_in_dim3A_5 {add = true} : memref<625x16xf32, #tpu.memory_space<vmem>>[vector<16xi32>, vector<16xi32>], vector<16xf32>,
      %mul3A_29 = arith.constant 5 : i32
      %mul3A_30 = arith.muli %scan3A_17, %mul3A_29 : i32
      %add3A_31 = arith.constant 1 : i32
      %add3A_32 = arith.addi %mul3A_30, %add3A_31 : i32
      %mul3A_33 = arith.constant 16 : i32
      %mul3A_34 = arith.muli %add3A_32, %mul3A_33 : i32
      %get3A_35 = arith.index_cast %mul3A_34 : i32 to index
      %get3A_36 = tpu.vector_load %arg4[%get3A_35] {strides = array<i32>} : memref<10000xi32, #tpu.memory_space<vmem>>, vector<16xi32>,
      %shift_right_arithmetic3A_37 = arith.constant 4 : i32
      %shift_right_arithmetic3A_38 = vector.broadcast %shift_right_arithmetic3A_37 : i32 to vector<16xi32>
      %shift_right_arithmetic3A_39 = arith.shrsi %get3A_36, %shift_right_arithmetic3A_38 : vector<16xi32>
      %and3A_40 = arith.constant 15 : i32
      %and3A_41 = vector.broadcast %and3A_40 : i32 to vector<16xi32>
      %and3A_42 = arith.andi %get3A_36, %and3A_41 : vector<16xi32>
      tpu.vector_store_idx %arg5[%shift_right_arithmetic3A_39, %and3A_42], %broadcast_in_dim3A_5 {add = true} : memref<625x16xf32, #tpu.memory_space<vmem>>[vector<16xi32>, vector<16xi32>], vector<16xf32>,
      %mul3A_43 = arith.constant 5 : i32
      %mul3A_44 = arith.muli %scan3A_17, %mul3A_43 : i32
      %add3A_45 = arith.constant 2 : i32
      %add3A_46 = arith.addi %mul3A_44, %add3A_45 : i32
      %mul3A_47 = arith.constant 16 : i32
      %mul3A_48 = arith.muli %add3A_46, %mul3A_47 : i32
      %get3A_49 = arith.index_cast %mul3A_48 : i32 to index
      %get3A_50 = tpu.vector_load %arg4[%get3A_49] {strides = array<i32>} : memref<10000xi32, #tpu.memory_space<vmem>>, vector<16xi32>,
      %shift_right_arithmetic3A_51 = arith.constant 4 : i32
      %shift_right_arithmetic3A_52 = vector.broadcast %shift_right_arithmetic3A_51 : i32 to vector<16xi32>
      %shift_right_arithmetic3A_53 = arith.shrsi %get3A_50, %shift_right_arithmetic3A_52 : vector<16xi32>
      %and3A_54 = arith.constant 15 : i32
      %and3A_55 = vector.broadcast %and3A_54 : i32 to vector<16xi32>
      %and3A_56 = arith.andi %get3A_50, %and3A_55 : vector<16xi32>
      tpu.vector_store_idx %arg5[%shift_right_arithmetic3A_53, %and3A_56], %broadcast_in_dim3A_5 {add = true} : memref<625x16xf32, #tpu.memory_space<vmem>>[vector<16xi32>, vector<16xi32>], vector<16xf32>,
      %mul3A_57 = arith.constant 5 : i32
      %mul3A_58 = arith.muli %scan3A_17, %mul3A_57 : i32
      %add3A_59 = arith.constant 3 : i32
      %add3A_60 = arith.addi %mul3A_58, %add3A_59 : i32
      %mul3A_61 = arith.constant 16 : i32
      %mul3A_62 = arith.muli %add3A_60, %mul3A_61 : i32
      %get3A_63 = arith.index_cast %mul3A_62 : i32 to index
      %get3A_64 = tpu.vector_load %arg4[%get3A_63] {strides = array<i32>} : memref<10000xi32, #tpu.memory_space<vmem>>, vector<16xi32>,
      %shift_right_arithmetic3A_65 = arith.constant 4 : i32
      %shift_right_arithmetic3A_66 = vector.broadcast %shift_right_arithmetic3A_65 : i32 to vector<16xi32>
      %shift_right_arithmetic3A_67 = arith.shrsi %get3A_64, %shift_right_arithmetic3A_66 : vector<16xi32>
      %and3A_68 = arith.constant 15 : i32
      %and3A_69 = vector.broadcast %and3A_68 : i32 to vector<16xi32>
      %and3A_70 = arith.andi %get3A_64, %and3A_69 : vector<16xi32>
      tpu.vector_store_idx %arg5[%shift_right_arithmetic3A_67, %and3A_70], %broadcast_in_dim3A_5 {add = true} : memref<625x16xf32, #tpu.memory_space<vmem>>[vector<16xi32>, vector<16xi32>], vector<16xf32>,
      %mul3A_71 = arith.constant 5 : i32
      %mul3A_72 = arith.muli %scan3A_17, %mul3A_71 : i32
      %add3A_73 = arith.constant 4 : i32
      %add3A_74 = arith.addi %mul3A_72, %add3A_73 : i32
      %mul3A_75 = arith.constant 16 : i32
      %mul3A_76 = arith.muli %add3A_74, %mul3A_75 : i32
      %get3A_77 = arith.index_cast %mul3A_76 : i32 to index
      %get3A_78 = tpu.vector_load %arg4[%get3A_77] {strides = array<i32>} : memref<10000xi32, #tpu.memory_space<vmem>>, vector<16xi32>,
      %shift_right_arithmetic3A_79 = arith.constant 4 : i32
      %shift_right_arithmetic3A_80 = vector.broadcast %shift_right_arithmetic3A_79 : i32 to vector<16xi32>
      %shift_right_arithmetic3A_81 = arith.shrsi %get3A_78, %shift_right_arithmetic3A_80 : vector<16xi32>
      %and3A_82 = arith.constant 15 : i32
      %and3A_83 = vector.broadcast %and3A_82 : i32 to vector<16xi32>
      %and3A_84 = arith.andi %get3A_78, %and3A_83 : vector<16xi32>
      tpu.vector_store_idx %arg5[%shift_right_arithmetic3A_81, %and3A_84], %broadcast_in_dim3A_5 {add = true} : memref<625x16xf32, #tpu.memory_space<vmem>>[vector<16xi32>, vector<16xi32>], vector<16xf32>,
    }
    %scan3A_16 = arith.constant 125 : i32
    "tpu.region"() ({
      %run_scoped3A = tpu.sem_alloc : memref<!tpu.dma_semaphore, #tpu.memory_space<semaphore_mem>>
      %dma_start3A = arith.constant 0 : i32
      %dma_start3A_17 = arith.constant 0 : i32
      %dma_start3A_18 = tpu.memref_slice %arg3[%add3A, %dma_start3A, %dma_start3A_17] : memref<32x625x16xf32, #tpu.memory_space<hbm>> -> memref<1x625x16xf32, #tpu.memory_space<hbm>>
      %dma_start3A_19 = tpu.memref_squeeze %dma_start3A_18 : memref<1x625x16xf32, #tpu.memory_space<hbm>> -> memref<625x16xf32, #tpu.memory_space<hbm>>
      %dma_start3A_20 = arith.constant 0 : i32
      %dma_start3A_21 = arith.constant 0 : i32
      %dma_start3A_22 = tpu.memref_slice %arg3[%add3A, %dma_start3A_20, %dma_start3A_21] : memref<32x625x16xf32, #tpu.memory_space<hbm>> -> memref<1x625x16xf32, #tpu.memory_space<hbm>>
      %dma_start3A_23 = tpu.memref_squeeze %dma_start3A_22 : memref<1x625x16xf32, #tpu.memory_space<hbm>> -> memref<625x16xf32, #tpu.memory_space<hbm>>
      tpu.enqueue_dma source(%arg5 : memref<625x16xf32, #tpu.memory_space<vmem>>) target(%dma_start3A_23 : memref<625x16xf32, #tpu.memory_space<hbm>>) target_semaphore(%run_scoped3A : memref<!tpu.dma_semaphore, #tpu.memory_space<semaphore_mem>>)
      %dma_wait3A = arith.constant 0 : i32
      %dma_wait3A_24 = arith.constant 0 : i32
      %dma_wait3A_25 = tpu.memref_slice %arg3[%add3A, %dma_wait3A, %dma_wait3A_24] : memref<32x625x16xf32, #tpu.memory_space<hbm>> -> memref<1x625x16xf32, #tpu.memory_space<hbm>>
      %dma_wait3A_26 = tpu.memref_squeeze %dma_wait3A_25 : memref<1x625x16xf32, #tpu.memory_space<hbm>> -> memref<625x16xf32, #tpu.memory_space<hbm>>
      %dma_wait3A_27 = arith.constant 0 : i32
      %dma_wait3A_28 = arith.constant 0 : i32
      %dma_wait3A_29 = tpu.memref_slice %arg3[%add3A, %dma_wait3A_27, %dma_wait3A_28] : memref<32x625x16xf32, #tpu.memory_space<hbm>> -> memref<1x625x16xf32, #tpu.memory_space<hbm>>
      %dma_wait3A_30 = tpu.memref_squeeze %dma_wait3A_29 : memref<1x625x16xf32, #tpu.memory_space<hbm>> -> memref<625x16xf32, #tpu.memory_space<hbm>>
      tpu.wait_dma2 semaphore(%run_scoped3A : memref<!tpu.dma_semaphore, #tpu.memory_space<semaphore_mem>>) src(%arg5 : memref<625x16xf32, #tpu.memory_space<vmem>>) dst(%dma_wait3A_30 : memref<625x16xf32, #tpu.memory_space<hbm>>)
      tpu.yield
    }) : () -> ()
    return
  }
}

#map = affine_map<(d0, d1) -> (0, 0)>
#map1 = affine_map<(d0, d1) -> (0, 0, 0)>
module attributes {stable_mosaic.version = 14 : i64} {
  func.func @_edge_scatter(%arg0: i32, %arg1: i32, %arg2: memref<10000x128xf32, #tpu.memory_space<hbm>>, %arg3: memref<2x2560x125xi32, #tpu.memory_space<hbm>>, %arg4: memref<10000x128xf32, #tpu.memory_space<hbm>>, %arg5: memref<2x10000x128xf32, #tpu.memory_space<hbm>>, %arg6: memref<40x125xi32, #tpu.memory_space<vmem>>, %arg7: memref<40x125xi32, #tpu.memory_space<vmem>>, %arg8: memref<125x128xf32, #tpu.memory_space<vmem>>, %arg9: memref<125x128xf32, #tpu.memory_space<vmem>>, %arg10: memref<!tpu.dma_semaphore, #tpu.memory_space<semaphore_mem>>, %arg11: memref<!tpu.dma_semaphore, #tpu.memory_space<semaphore_mem>>, %arg12: memref<!tpu.dma_semaphore, #tpu.memory_space<semaphore_mem>>, %arg13: memref<!tpu.dma_semaphore, #tpu.memory_space<semaphore_mem>>, %arg14: memref<!tpu.dma_semaphore, #tpu.memory_space<semaphore_mem>>, %arg15: memref<10000x128xf32, #tpu.memory_space<vmem_shared>>) attributes {dimension_semantics = [#tpu.dimension_semantics<core_parallel>, #tpu.dimension_semantics<subcore_parallel>], iteration_bounds = array<i64: 2, 16>, scalar_prefetch = 0 : i64, scratch_operands = 10 : i64, tpu.core_type = #tpu.core_type<sc_vector_subcore>, window_params = [{transform_indices = #map}, {transform_indices = #map1}, {transform_indices = #map}, {transform_indices = #map1}]} {
    %mul3A = arith.constant 16 : i32
    %mul3A_0 = arith.muli %arg0, %mul3A : i32
    %add3A = arith.addi %mul3A_0, %arg1 : i32
    %mul3A_1 = arith.constant 624 : i32
    %mul3A_2 = arith.muli %arg1, %mul3A_1 : i32
    %mul3A_3 = arith.constant 624 : i32
    %mul3A_4 = arith.muli %arg1, %mul3A_3 : i32
    %dma_start3A = arith.constant 0 : i32
    %dma_start3A_5 = tpu.memref_slice %arg15[%mul3A_4, %dma_start3A] : memref<10000x128xf32, #tpu.memory_space<vmem_shared>> -> memref<624x128xf32, #tpu.memory_space<vmem_shared>>
    %dma_start3A_6 = arith.constant 0 : i32
    %dma_start3A_7 = tpu.memref_slice %arg4[%mul3A_2, %dma_start3A_6] : memref<10000x128xf32, #tpu.memory_space<hbm>> -> memref<624x128xf32, #tpu.memory_space<hbm>>
    tpu.enqueue_dma source(%dma_start3A_7 : memref<624x128xf32, #tpu.memory_space<hbm>>) target(%dma_start3A_5 : memref<624x128xf32, #tpu.memory_space<vmem_shared>>) target_semaphore(%arg14 : memref<!tpu.dma_semaphore, #tpu.memory_space<semaphore_mem>>)
    %dma_wait3A = arith.constant 0 : i32
    %dma_wait3A_8 = tpu.memref_slice %arg15[%mul3A_4, %dma_wait3A] : memref<10000x128xf32, #tpu.memory_space<vmem_shared>> -> memref<624x128xf32, #tpu.memory_space<vmem_shared>>
    %dma_wait3A_9 = arith.constant 0 : i32
    %dma_wait3A_10 = tpu.memref_slice %arg4[%mul3A_2, %dma_wait3A_9] : memref<10000x128xf32, #tpu.memory_space<hbm>> -> memref<624x128xf32, #tpu.memory_space<hbm>>
    tpu.wait_dma2 semaphore(%arg14 : memref<!tpu.dma_semaphore, #tpu.memory_space<semaphore_mem>>) src(%dma_wait3A_10 : memref<624x128xf32, #tpu.memory_space<hbm>>) dst(%dma_wait3A_8 : memref<624x128xf32, #tpu.memory_space<vmem_shared>>)
    %eq3A = arith.constant 0 : i32
    %eq3A_11 = arith.cmpi eq, %arg1, %eq3A : i32
    %convert_element_type3A = arith.extui %eq3A_11 : i1 to i32
    %cond3A = arith.constant 0 : i32
    %cond3A_12 = arith.cmpi ne, %convert_element_type3A, %cond3A : i32
    scf.if %cond3A_12 {
      "tpu.region"() ({
        %run_scoped3A_73 = tpu.sem_alloc : memref<!tpu.dma_semaphore, #tpu.memory_space<semaphore_mem>>
        %dma_start3A_74 = arith.constant 9984 : i32
        %dma_start3A_75 = arith.constant 0 : i32
        %dma_start3A_76 = tpu.memref_slice %arg15[%dma_start3A_74, %dma_start3A_75] : memref<10000x128xf32, #tpu.memory_space<vmem_shared>> -> memref<16x128xf32, #tpu.memory_space<vmem_shared>>
        %dma_start3A_77 = arith.constant 9984 : i32
        %dma_start3A_78 = arith.constant 0 : i32
        %dma_start3A_79 = tpu.memref_slice %arg4[%dma_start3A_77, %dma_start3A_78] : memref<10000x128xf32, #tpu.memory_space<hbm>> -> memref<16x128xf32, #tpu.memory_space<hbm>>
        tpu.enqueue_dma source(%dma_start3A_79 : memref<16x128xf32, #tpu.memory_space<hbm>>) target(%dma_start3A_76 : memref<16x128xf32, #tpu.memory_space<vmem_shared>>) target_semaphore(%run_scoped3A_73 : memref<!tpu.dma_semaphore, #tpu.memory_space<semaphore_mem>>)
        %dma_wait3A_80 = arith.constant 9984 : i32
        %dma_wait3A_81 = arith.constant 0 : i32
        %dma_wait3A_82 = tpu.memref_slice %arg15[%dma_wait3A_80, %dma_wait3A_81] : memref<10000x128xf32, #tpu.memory_space<vmem_shared>> -> memref<16x128xf32, #tpu.memory_space<vmem_shared>>
        %dma_wait3A_83 = arith.constant 9984 : i32
        %dma_wait3A_84 = arith.constant 0 : i32
        %dma_wait3A_85 = tpu.memref_slice %arg4[%dma_wait3A_83, %dma_wait3A_84] : memref<10000x128xf32, #tpu.memory_space<hbm>> -> memref<16x128xf32, #tpu.memory_space<hbm>>
        tpu.wait_dma2 semaphore(%run_scoped3A_73 : memref<!tpu.dma_semaphore, #tpu.memory_space<semaphore_mem>>) src(%dma_wait3A_85 : memref<16x128xf32, #tpu.memory_space<hbm>>) dst(%dma_wait3A_82 : memref<16x128xf32, #tpu.memory_space<vmem_shared>>)
        tpu.yield
      }) : () -> ()
    } else {
    }
    %barrier3A = arith.constant 0 : index
    tpu.barrier barrier_id(%barrier3A)
    %mul3A_13 = arith.constant 80 : i32
    %mul3A_14 = arith.muli %add3A, %mul3A_13 : i32
    %add3A_15 = arith.constant 0 : i32
    %add3A_16 = arith.addi %mul3A_14, %add3A_15 : i32
    %run_scoped3A = arith.constant 0 : i32
    "tpu.region"() ({
      %run_scoped3A_73 = tpu.sem_alloc : memref<!tpu.dma_semaphore, #tpu.memory_space<semaphore_mem>>
      %dma_start3A_74 = arith.constant 0 : i32
      %dma_start3A_75 = arith.constant 0 : i32
      %dma_start3A_76 = tpu.memref_slice %arg3[%run_scoped3A, %dma_start3A_74, %dma_start3A_75] : memref<2x2560x125xi32, #tpu.memory_space<hbm>> -> memref<1x2560x125xi32, #tpu.memory_space<hbm>>
      %dma_start3A_77 = tpu.memref_squeeze %dma_start3A_76 : memref<1x2560x125xi32, #tpu.memory_space<hbm>> -> memref<2560x125xi32, #tpu.memory_space<hbm>>
      %dma_start3A_78 = arith.constant 0 : i32
      %dma_start3A_79 = tpu.memref_slice %dma_start3A_77[%add3A_16, %dma_start3A_78] : memref<2560x125xi32, #tpu.memory_space<hbm>> -> memref<40x125xi32, #tpu.memory_space<hbm>>
      %dma_start3A_80 = arith.constant 0 : i32
      %dma_start3A_81 = arith.constant 0 : i32
      %dma_start3A_82 = tpu.memref_slice %arg3[%run_scoped3A, %dma_start3A_80, %dma_start3A_81] : memref<2x2560x125xi32, #tpu.memory_space<hbm>> -> memref<1x2560x125xi32, #tpu.memory_space<hbm>>
      %dma_start3A_83 = tpu.memref_squeeze %dma_start3A_82 : memref<1x2560x125xi32, #tpu.memory_space<hbm>> -> memref<2560x125xi32, #tpu.memory_space<hbm>>
      %dma_start3A_84 = arith.constant 0 : i32
      %dma_start3A_85 = tpu.memref_slice %dma_start3A_83[%add3A_16, %dma_start3A_84] : memref<2560x125xi32, #tpu.memory_space<hbm>> -> memref<40x125xi32, #tpu.memory_space<hbm>>
      tpu.enqueue_dma source(%dma_start3A_85 : memref<40x125xi32, #tpu.memory_space<hbm>>) target(%arg6 : memref<40x125xi32, #tpu.memory_space<vmem>>) target_semaphore(%run_scoped3A_73 : memref<!tpu.dma_semaphore, #tpu.memory_space<semaphore_mem>>)
      %dma_wait3A_86 = arith.constant 0 : i32
      %dma_wait3A_87 = arith.constant 0 : i32
      %dma_wait3A_88 = tpu.memref_slice %arg3[%run_scoped3A, %dma_wait3A_86, %dma_wait3A_87] : memref<2x2560x125xi32, #tpu.memory_space<hbm>> -> memref<1x2560x125xi32, #tpu.memory_space<hbm>>
      %dma_wait3A_89 = tpu.memref_squeeze %dma_wait3A_88 : memref<1x2560x125xi32, #tpu.memory_space<hbm>> -> memref<2560x125xi32, #tpu.memory_space<hbm>>
      %dma_wait3A_90 = arith.constant 0 : i32
      %dma_wait3A_91 = tpu.memref_slice %dma_wait3A_89[%add3A_16, %dma_wait3A_90] : memref<2560x125xi32, #tpu.memory_space<hbm>> -> memref<40x125xi32, #tpu.memory_space<hbm>>
      %dma_wait3A_92 = arith.constant 0 : i32
      %dma_wait3A_93 = arith.constant 0 : i32
      %dma_wait3A_94 = tpu.memref_slice %arg3[%run_scoped3A, %dma_wait3A_92, %dma_wait3A_93] : memref<2x2560x125xi32, #tpu.memory_space<hbm>> -> memref<1x2560x125xi32, #tpu.memory_space<hbm>>
      %dma_wait3A_95 = tpu.memref_squeeze %dma_wait3A_94 : memref<1x2560x125xi32, #tpu.memory_space<hbm>> -> memref<2560x125xi32, #tpu.memory_space<hbm>>
      %dma_wait3A_96 = arith.constant 0 : i32
      %dma_wait3A_97 = tpu.memref_slice %dma_wait3A_95[%add3A_16, %dma_wait3A_96] : memref<2560x125xi32, #tpu.memory_space<hbm>> -> memref<40x125xi32, #tpu.memory_space<hbm>>
      tpu.wait_dma2 semaphore(%run_scoped3A_73 : memref<!tpu.dma_semaphore, #tpu.memory_space<semaphore_mem>>) src(%dma_wait3A_97 : memref<40x125xi32, #tpu.memory_space<hbm>>) dst(%arg6 : memref<40x125xi32, #tpu.memory_space<vmem>>)
      tpu.yield
    }) : () -> ()
    %run_scoped3A_17 = arith.constant 1 : i32
    "tpu.region"() ({
      %run_scoped3A_73 = tpu.sem_alloc : memref<!tpu.dma_semaphore, #tpu.memory_space<semaphore_mem>>
      %dma_start3A_74 = arith.constant 0 : i32
      %dma_start3A_75 = arith.constant 0 : i32
      %dma_start3A_76 = tpu.memref_slice %arg3[%run_scoped3A_17, %dma_start3A_74, %dma_start3A_75] : memref<2x2560x125xi32, #tpu.memory_space<hbm>> -> memref<1x2560x125xi32, #tpu.memory_space<hbm>>
      %dma_start3A_77 = tpu.memref_squeeze %dma_start3A_76 : memref<1x2560x125xi32, #tpu.memory_space<hbm>> -> memref<2560x125xi32, #tpu.memory_space<hbm>>
      %dma_start3A_78 = arith.constant 0 : i32
      %dma_start3A_79 = tpu.memref_slice %dma_start3A_77[%add3A_16, %dma_start3A_78] : memref<2560x125xi32, #tpu.memory_space<hbm>> -> memref<40x125xi32, #tpu.memory_space<hbm>>
      %dma_start3A_80 = arith.constant 0 : i32
      %dma_start3A_81 = arith.constant 0 : i32
      %dma_start3A_82 = tpu.memref_slice %arg3[%run_scoped3A_17, %dma_start3A_80, %dma_start3A_81] : memref<2x2560x125xi32, #tpu.memory_space<hbm>> -> memref<1x2560x125xi32, #tpu.memory_space<hbm>>
      %dma_start3A_83 = tpu.memref_squeeze %dma_start3A_82 : memref<1x2560x125xi32, #tpu.memory_space<hbm>> -> memref<2560x125xi32, #tpu.memory_space<hbm>>
      %dma_start3A_84 = arith.constant 0 : i32
      %dma_start3A_85 = tpu.memref_slice %dma_start3A_83[%add3A_16, %dma_start3A_84] : memref<2560x125xi32, #tpu.memory_space<hbm>> -> memref<40x125xi32, #tpu.memory_space<hbm>>
      tpu.enqueue_dma source(%dma_start3A_85 : memref<40x125xi32, #tpu.memory_space<hbm>>) target(%arg7 : memref<40x125xi32, #tpu.memory_space<vmem>>) target_semaphore(%run_scoped3A_73 : memref<!tpu.dma_semaphore, #tpu.memory_space<semaphore_mem>>)
      %dma_wait3A_86 = arith.constant 0 : i32
      %dma_wait3A_87 = arith.constant 0 : i32
      %dma_wait3A_88 = tpu.memref_slice %arg3[%run_scoped3A_17, %dma_wait3A_86, %dma_wait3A_87] : memref<2x2560x125xi32, #tpu.memory_space<hbm>> -> memref<1x2560x125xi32, #tpu.memory_space<hbm>>
      %dma_wait3A_89 = tpu.memref_squeeze %dma_wait3A_88 : memref<1x2560x125xi32, #tpu.memory_space<hbm>> -> memref<2560x125xi32, #tpu.memory_space<hbm>>
      %dma_wait3A_90 = arith.constant 0 : i32
      %dma_wait3A_91 = tpu.memref_slice %dma_wait3A_89[%add3A_16, %dma_wait3A_90] : memref<2560x125xi32, #tpu.memory_space<hbm>> -> memref<40x125xi32, #tpu.memory_space<hbm>>
      %dma_wait3A_92 = arith.constant 0 : i32
      %dma_wait3A_93 = arith.constant 0 : i32
      %dma_wait3A_94 = tpu.memref_slice %arg3[%run_scoped3A_17, %dma_wait3A_92, %dma_wait3A_93] : memref<2x2560x125xi32, #tpu.memory_space<hbm>> -> memref<1x2560x125xi32, #tpu.memory_space<hbm>>
      %dma_wait3A_95 = tpu.memref_squeeze %dma_wait3A_94 : memref<1x2560x125xi32, #tpu.memory_space<hbm>> -> memref<2560x125xi32, #tpu.memory_space<hbm>>
      %dma_wait3A_96 = arith.constant 0 : i32
      %dma_wait3A_97 = tpu.memref_slice %dma_wait3A_95[%add3A_16, %dma_wait3A_96] : memref<2560x125xi32, #tpu.memory_space<hbm>> -> memref<40x125xi32, #tpu.memory_space<hbm>>
      tpu.wait_dma2 semaphore(%run_scoped3A_73 : memref<!tpu.dma_semaphore, #tpu.memory_space<semaphore_mem>>) src(%dma_wait3A_97 : memref<40x125xi32, #tpu.memory_space<hbm>>) dst(%arg7 : memref<40x125xi32, #tpu.memory_space<vmem>>)
      tpu.yield
    }) : () -> ()
    %dma_start3A_18 = arith.constant 0 : i32
    %dma_start3A_19 = arith.constant 0 : i32
    %dma_start3A_20 = tpu.memref_slice %arg6[%dma_start3A_18, %dma_start3A_19] : memref<40x125xi32, #tpu.memory_space<vmem>> -> memref<1x125xi32, #tpu.memory_space<vmem>>
    %dma_start3A_21 = tpu.memref_squeeze %dma_start3A_20 : memref<1x125xi32, #tpu.memory_space<vmem>> -> memref<125xi32, #tpu.memory_space<vmem>>
    %dma_start3A_22 = arith.constant 0 : i32
    %dma_start3A_23 = arith.constant 0 : i32
    %dma_start3A_24 = tpu.memref_slice %arg2[%dma_start3A_22, %dma_start3A_23] : memref<10000x128xf32, #tpu.memory_space<hbm>> -> memref<10000x128xf32, #tpu.memory_space<hbm>>
    tpu.enqueue_indirect_dma source(%dma_start3A_24 : memref<10000x128xf32, #tpu.memory_space<hbm>>) target(%arg8 : memref<125x128xf32, #tpu.memory_space<vmem>>) offsets(%dma_start3A_21 : memref<125xi32, #tpu.memory_space<vmem>>) semaphore(%arg10 : memref<!tpu.dma_semaphore, #tpu.memory_space<semaphore_mem>>)
    %dma_start3A_25 = arith.constant 1 : i32
    %dma_start3A_26 = arith.constant 0 : i32
    %dma_start3A_27 = tpu.memref_slice %arg6[%dma_start3A_25, %dma_start3A_26] : memref<40x125xi32, #tpu.memory_space<vmem>> -> memref<1x125xi32, #tpu.memory_space<vmem>>
    %dma_start3A_28 = tpu.memref_squeeze %dma_start3A_27 : memref<1x125xi32, #tpu.memory_space<vmem>> -> memref<125xi32, #tpu.memory_space<vmem>>
    %dma_start3A_29 = arith.constant 0 : i32
    %dma_start3A_30 = arith.constant 0 : i32
    %dma_start3A_31 = tpu.memref_slice %arg2[%dma_start3A_29, %dma_start3A_30] : memref<10000x128xf32, #tpu.memory_space<hbm>> -> memref<10000x128xf32, #tpu.memory_space<hbm>>
    tpu.enqueue_indirect_dma source(%dma_start3A_31 : memref<10000x128xf32, #tpu.memory_space<hbm>>) target(%arg9 : memref<125x128xf32, #tpu.memory_space<vmem>>) offsets(%dma_start3A_28 : memref<125xi32, #tpu.memory_space<vmem>>) semaphore(%arg11 : memref<!tpu.dma_semaphore, #tpu.memory_space<semaphore_mem>>)
    %scan3A = arith.constant 0 : i32
    %scan3A_32 = arith.constant 0 : i32
    %scan3A_33 = arith.constant 20 : i32
    %scan3A_34 = arith.addi %scan3A_32, %scan3A_33 : i32
    %scan3A_35 = arith.constant 1 : i32
    scf.for %scan3A_73 = %scan3A_32 to %scan3A_34 step %scan3A_35  : i32 {
      %mul3A_74 = arith.constant 2 : i32
      %mul3A_75 = arith.muli %scan3A_73, %mul3A_74 : i32
      %add3A_76 = arith.constant 0 : i32
      %add3A_77 = arith.addi %mul3A_75, %add3A_76 : i32
      %dma_wait3A_78 = arith.constant 0 : i32
      %dma_wait3A_79 = tpu.memref_slice %arg6[%add3A_77, %dma_wait3A_78] : memref<40x125xi32, #tpu.memory_space<vmem>> -> memref<1x125xi32, #tpu.memory_space<vmem>>
      %dma_wait3A_80 = tpu.memref_squeeze %dma_wait3A_79 : memref<1x125xi32, #tpu.memory_space<vmem>> -> memref<125xi32, #tpu.memory_space<vmem>>
      %dma_wait3A_81 = arith.constant 0 : i32
      %dma_wait3A_82 = arith.constant 0 : i32
      %dma_wait3A_83 = tpu.memref_slice %arg2[%dma_wait3A_81, %dma_wait3A_82] : memref<10000x128xf32, #tpu.memory_space<hbm>> -> memref<10000x128xf32, #tpu.memory_space<hbm>>
      tpu.wait_indirect_dma semaphore(%arg10 : memref<!tpu.dma_semaphore, #tpu.memory_space<semaphore_mem>>) src(%dma_wait3A_83 : memref<10000x128xf32, #tpu.memory_space<hbm>>) dst(%arg8 : memref<125x128xf32, #tpu.memory_space<vmem>>)
      %dma_start3A_84 = arith.constant 0 : i32
      %dma_start3A_85 = tpu.memref_slice %arg7[%add3A_77, %dma_start3A_84] : memref<40x125xi32, #tpu.memory_space<vmem>> -> memref<1x125xi32, #tpu.memory_space<vmem>>
      %dma_start3A_86 = tpu.memref_squeeze %dma_start3A_85 : memref<1x125xi32, #tpu.memory_space<vmem>> -> memref<125xi32, #tpu.memory_space<vmem>>
      %dma_start3A_87 = arith.constant 0 : i32
      %dma_start3A_88 = arith.constant 0 : i32
      %dma_start3A_89 = tpu.memref_slice %arg15[%dma_start3A_87, %dma_start3A_88] : memref<10000x128xf32, #tpu.memory_space<vmem_shared>> -> memref<10000x128xf32, #tpu.memory_space<vmem_shared>>
      tpu.enqueue_indirect_dma source(%arg8 : memref<125x128xf32, #tpu.memory_space<vmem>>) target(%dma_start3A_89 : memref<10000x128xf32, #tpu.memory_space<vmem_shared>>) offsets(%dma_start3A_86 : memref<125xi32, #tpu.memory_space<vmem>>) semaphore(%arg12 : memref<!tpu.dma_semaphore, #tpu.memory_space<semaphore_mem>>) {add = true}
      %dma_wait3A_90 = arith.constant 0 : i32
      %dma_wait3A_91 = tpu.memref_slice %arg7[%add3A_77, %dma_wait3A_90] : memref<40x125xi32, #tpu.memory_space<vmem>> -> memref<1x125xi32, #tpu.memory_space<vmem>>
      %dma_wait3A_92 = tpu.memref_squeeze %dma_wait3A_91 : memref<1x125xi32, #tpu.memory_space<vmem>> -> memref<125xi32, #tpu.memory_space<vmem>>
      %dma_wait3A_93 = arith.constant 0 : i32
      %dma_wait3A_94 = arith.constant 0 : i32
      %dma_wait3A_95 = tpu.memref_slice %arg15[%dma_wait3A_93, %dma_wait3A_94] : memref<10000x128xf32, #tpu.memory_space<vmem_shared>> -> memref<10000x128xf32, #tpu.memory_space<vmem_shared>>
      tpu.wait_indirect_dma semaphore(%arg12 : memref<!tpu.dma_semaphore, #tpu.memory_space<semaphore_mem>>) src(%arg8 : memref<125x128xf32, #tpu.memory_space<vmem>>) dst(%dma_wait3A_95 : memref<10000x128xf32, #tpu.memory_space<vmem_shared>>)
      %add3A_96 = arith.constant 2 : i32
      %add3A_97 = arith.addi %add3A_77, %add3A_96 : i32
      %lt3A = arith.constant 40 : i32
      %lt3A_98 = arith.cmpi slt, %add3A_97, %lt3A : i32
      %convert_element_type3A_99 = arith.extui %lt3A_98 : i1 to i32
      %cond3A_100 = arith.constant 0 : i32
      %cond3A_101 = arith.cmpi ne, %convert_element_type3A_99, %cond3A_100 : i32
      scf.if %cond3A_101 {
        %add3A_131 = arith.constant 2 : i32
        %add3A_132 = arith.addi %add3A_77, %add3A_131 : i32
        %dma_start3A_133 = arith.constant 0 : i32
        %dma_start3A_134 = tpu.memref_slice %arg6[%add3A_132, %dma_start3A_133] : memref<40x125xi32, #tpu.memory_space<vmem>> -> memref<1x125xi32, #tpu.memory_space<vmem>>
        %dma_start3A_135 = tpu.memref_squeeze %dma_start3A_134 : memref<1x125xi32, #tpu.memory_space<vmem>> -> memref<125xi32, #tpu.memory_space<vmem>>
        %dma_start3A_136 = arith.constant 0 : i32
        %dma_start3A_137 = arith.constant 0 : i32
        %dma_start3A_138 = tpu.memref_slice %arg2[%dma_start3A_136, %dma_start3A_137] : memref<10000x128xf32, #tpu.memory_space<hbm>> -> memref<10000x128xf32, #tpu.memory_space<hbm>>
        tpu.enqueue_indirect_dma source(%dma_start3A_138 : memref<10000x128xf32, #tpu.memory_space<hbm>>) target(%arg8 : memref<125x128xf32, #tpu.memory_space<vmem>>) offsets(%dma_start3A_135 : memref<125xi32, #tpu.memory_space<vmem>>) semaphore(%arg10 : memref<!tpu.dma_semaphore, #tpu.memory_space<semaphore_mem>>)
      } else {
      }
      %mul3A_102 = arith.constant 2 : i32
      %mul3A_103 = arith.muli %scan3A_73, %mul3A_102 : i32
      %add3A_104 = arith.constant 1 : i32
      %add3A_105 = arith.addi %mul3A_103, %add3A_104 : i32
      %dma_wait3A_106 = arith.constant 0 : i32
      %dma_wait3A_107 = tpu.memref_slice %arg6[%add3A_105, %dma_wait3A_106] : memref<40x125xi32, #tpu.memory_space<vmem>> -> memref<1x125xi32, #tpu.memory_space<vmem>>
      %dma_wait3A_108 = tpu.memref_squeeze %dma_wait3A_107 : memref<1x125xi32, #tpu.memory_space<vmem>> -> memref<125xi32, #tpu.memory_space<vmem>>
      %dma_wait3A_109 = arith.constant 0 : i32
      %dma_wait3A_110 = arith.constant 0 : i32
      %dma_wait3A_111 = tpu.memref_slice %arg2[%dma_wait3A_109, %dma_wait3A_110] : memref<10000x128xf32, #tpu.memory_space<hbm>> -> memref<10000x128xf32, #tpu.memory_space<hbm>>
      tpu.wait_indirect_dma semaphore(%arg11 : memref<!tpu.dma_semaphore, #tpu.memory_space<semaphore_mem>>) src(%dma_wait3A_111 : memref<10000x128xf32, #tpu.memory_space<hbm>>) dst(%arg9 : memref<125x128xf32, #tpu.memory_space<vmem>>)
      %dma_start3A_112 = arith.constant 0 : i32
      %dma_start3A_113 = tpu.memref_slice %arg7[%add3A_105, %dma_start3A_112] : memref<40x125xi32, #tpu.memory_space<vmem>> -> memref<1x125xi32, #tpu.memory_space<vmem>>
      %dma_start3A_114 = tpu.memref_squeeze %dma_start3A_113 : memref<1x125xi32, #tpu.memory_space<vmem>> -> memref<125xi32, #tpu.memory_space<vmem>>
      %dma_start3A_115 = arith.constant 0 : i32
      %dma_start3A_116 = arith.constant 0 : i32
      %dma_start3A_117 = tpu.memref_slice %arg15[%dma_start3A_115, %dma_start3A_116] : memref<10000x128xf32, #tpu.memory_space<vmem_shared>> -> memref<10000x128xf32, #tpu.memory_space<vmem_shared>>
      tpu.enqueue_indirect_dma source(%arg9 : memref<125x128xf32, #tpu.memory_space<vmem>>) target(%dma_start3A_117 : memref<10000x128xf32, #tpu.memory_space<vmem_shared>>) offsets(%dma_start3A_114 : memref<125xi32, #tpu.memory_space<vmem>>) semaphore(%arg13 : memref<!tpu.dma_semaphore, #tpu.memory_space<semaphore_mem>>) {add = true}
      %dma_wait3A_118 = arith.constant 0 : i32
      %dma_wait3A_119 = tpu.memref_slice %arg7[%add3A_105, %dma_wait3A_118] : memref<40x125xi32, #tpu.memory_space<vmem>> -> memref<1x125xi32, #tpu.memory_space<vmem>>
      %dma_wait3A_120 = tpu.memref_squeeze %dma_wait3A_119 : memref<1x125xi32, #tpu.memory_space<vmem>> -> memref<125xi32, #tpu.memory_space<vmem>>
      %dma_wait3A_121 = arith.constant 0 : i32
      %dma_wait3A_122 = arith.constant 0 : i32
      %dma_wait3A_123 = tpu.memref_slice %arg15[%dma_wait3A_121, %dma_wait3A_122] : memref<10000x128xf32, #tpu.memory_space<vmem_shared>> -> memref<10000x128xf32, #tpu.memory_space<vmem_shared>>
      tpu.wait_indirect_dma semaphore(%arg13 : memref<!tpu.dma_semaphore, #tpu.memory_space<semaphore_mem>>) src(%arg9 : memref<125x128xf32, #tpu.memory_space<vmem>>) dst(%dma_wait3A_123 : memref<10000x128xf32, #tpu.memory_space<vmem_shared>>)
      %add3A_124 = arith.constant 2 : i32
      %add3A_125 = arith.addi %add3A_105, %add3A_124 : i32
      %lt3A_126 = arith.constant 40 : i32
      %lt3A_127 = arith.cmpi slt, %add3A_125, %lt3A_126 : i32
      %convert_element_type3A_128 = arith.extui %lt3A_127 : i1 to i32
      %cond3A_129 = arith.constant 0 : i32
      %cond3A_130 = arith.cmpi ne, %convert_element_type3A_128, %cond3A_129 : i32
      scf.if %cond3A_130 {
        %add3A_131 = arith.constant 2 : i32
        %add3A_132 = arith.addi %add3A_105, %add3A_131 : i32
        %dma_start3A_133 = arith.constant 0 : i32
        %dma_start3A_134 = tpu.memref_slice %arg6[%add3A_132, %dma_start3A_133] : memref<40x125xi32, #tpu.memory_space<vmem>> -> memref<1x125xi32, #tpu.memory_space<vmem>>
        %dma_start3A_135 = tpu.memref_squeeze %dma_start3A_134 : memref<1x125xi32, #tpu.memory_space<vmem>> -> memref<125xi32, #tpu.memory_space<vmem>>
        %dma_start3A_136 = arith.constant 0 : i32
        %dma_start3A_137 = arith.constant 0 : i32
        %dma_start3A_138 = tpu.memref_slice %arg2[%dma_start3A_136, %dma_start3A_137] : memref<10000x128xf32, #tpu.memory_space<hbm>> -> memref<10000x128xf32, #tpu.memory_space<hbm>>
        tpu.enqueue_indirect_dma source(%dma_start3A_138 : memref<10000x128xf32, #tpu.memory_space<hbm>>) target(%arg9 : memref<125x128xf32, #tpu.memory_space<vmem>>) offsets(%dma_start3A_135 : memref<125xi32, #tpu.memory_space<vmem>>) semaphore(%arg11 : memref<!tpu.dma_semaphore, #tpu.memory_space<semaphore_mem>>)
      } else {
      }
    }
    %scan3A_36 = arith.constant 20 : i32
    %mul3A_37 = arith.constant 80 : i32
    %mul3A_38 = arith.muli %add3A, %mul3A_37 : i32
    %add3A_39 = arith.constant 40 : i32
    %add3A_40 = arith.addi %mul3A_38, %add3A_39 : i32
    %run_scoped3A_41 = arith.constant 0 : i32
    "tpu.region"() ({
      %run_scoped3A_73 = tpu.sem_alloc : memref<!tpu.dma_semaphore, #tpu.memory_space<semaphore_mem>>
      %dma_start3A_74 = arith.constant 0 : i32
      %dma_start3A_75 = arith.constant 0 : i32
      %dma_start3A_76 = tpu.memref_slice %arg3[%run_scoped3A_41, %dma_start3A_74, %dma_start3A_75] : memref<2x2560x125xi32, #tpu.memory_space<hbm>> -> memref<1x2560x125xi32, #tpu.memory_space<hbm>>
      %dma_start3A_77 = tpu.memref_squeeze %dma_start3A_76 : memref<1x2560x125xi32, #tpu.memory_space<hbm>> -> memref<2560x125xi32, #tpu.memory_space<hbm>>
      %dma_start3A_78 = arith.constant 0 : i32
      %dma_start3A_79 = tpu.memref_slice %dma_start3A_77[%add3A_40, %dma_start3A_78] : memref<2560x125xi32, #tpu.memory_space<hbm>> -> memref<40x125xi32, #tpu.memory_space<hbm>>
      %dma_start3A_80 = arith.constant 0 : i32
      %dma_start3A_81 = arith.constant 0 : i32
      %dma_start3A_82 = tpu.memref_slice %arg3[%run_scoped3A_41, %dma_start3A_80, %dma_start3A_81] : memref<2x2560x125xi32, #tpu.memory_space<hbm>> -> memref<1x2560x125xi32, #tpu.memory_space<hbm>>
      %dma_start3A_83 = tpu.memref_squeeze %dma_start3A_82 : memref<1x2560x125xi32, #tpu.memory_space<hbm>> -> memref<2560x125xi32, #tpu.memory_space<hbm>>
      %dma_start3A_84 = arith.constant 0 : i32
      %dma_start3A_85 = tpu.memref_slice %dma_start3A_83[%add3A_40, %dma_start3A_84] : memref<2560x125xi32, #tpu.memory_space<hbm>> -> memref<40x125xi32, #tpu.memory_space<hbm>>
      tpu.enqueue_dma source(%dma_start3A_85 : memref<40x125xi32, #tpu.memory_space<hbm>>) target(%arg6 : memref<40x125xi32, #tpu.memory_space<vmem>>) target_semaphore(%run_scoped3A_73 : memref<!tpu.dma_semaphore, #tpu.memory_space<semaphore_mem>>)
      %dma_wait3A_86 = arith.constant 0 : i32
      %dma_wait3A_87 = arith.constant 0 : i32
      %dma_wait3A_88 = tpu.memref_slice %arg3[%run_scoped3A_41, %dma_wait3A_86, %dma_wait3A_87] : memref<2x2560x125xi32, #tpu.memory_space<hbm>> -> memref<1x2560x125xi32, #tpu.memory_space<hbm>>
      %dma_wait3A_89 = tpu.memref_squeeze %dma_wait3A_88 : memref<1x2560x125xi32, #tpu.memory_space<hbm>> -> memref<2560x125xi32, #tpu.memory_space<hbm>>
      %dma_wait3A_90 = arith.constant 0 : i32
      %dma_wait3A_91 = tpu.memref_slice %dma_wait3A_89[%add3A_40, %dma_wait3A_90] : memref<2560x125xi32, #tpu.memory_space<hbm>> -> memref<40x125xi32, #tpu.memory_space<hbm>>
      %dma_wait3A_92 = arith.constant 0 : i32
      %dma_wait3A_93 = arith.constant 0 : i32
      %dma_wait3A_94 = tpu.memref_slice %arg3[%run_scoped3A_41, %dma_wait3A_92, %dma_wait3A_93] : memref<2x2560x125xi32, #tpu.memory_space<hbm>> -> memref<1x2560x125xi32, #tpu.memory_space<hbm>>
      %dma_wait3A_95 = tpu.memref_squeeze %dma_wait3A_94 : memref<1x2560x125xi32, #tpu.memory_space<hbm>> -> memref<2560x125xi32, #tpu.memory_space<hbm>>
      %dma_wait3A_96 = arith.constant 0 : i32
      %dma_wait3A_97 = tpu.memref_slice %dma_wait3A_95[%add3A_40, %dma_wait3A_96] : memref<2560x125xi32, #tpu.memory_space<hbm>> -> memref<40x125xi32, #tpu.memory_space<hbm>>
      tpu.wait_dma2 semaphore(%run_scoped3A_73 : memref<!tpu.dma_semaphore, #tpu.memory_space<semaphore_mem>>) src(%dma_wait3A_97 : memref<40x125xi32, #tpu.memory_space<hbm>>) dst(%arg6 : memref<40x125xi32, #tpu.memory_space<vmem>>)
      tpu.yield
    }) : () -> ()
    %run_scoped3A_42 = arith.constant 1 : i32
    "tpu.region"() ({
      %run_scoped3A_73 = tpu.sem_alloc : memref<!tpu.dma_semaphore, #tpu.memory_space<semaphore_mem>>
      %dma_start3A_74 = arith.constant 0 : i32
      %dma_start3A_75 = arith.constant 0 : i32
      %dma_start3A_76 = tpu.memref_slice %arg3[%run_scoped3A_42, %dma_start3A_74, %dma_start3A_75] : memref<2x2560x125xi32, #tpu.memory_space<hbm>> -> memref<1x2560x125xi32, #tpu.memory_space<hbm>>
      %dma_start3A_77 = tpu.memref_squeeze %dma_start3A_76 : memref<1x2560x125xi32, #tpu.memory_space<hbm>> -> memref<2560x125xi32, #tpu.memory_space<hbm>>
      %dma_start3A_78 = arith.constant 0 : i32
      %dma_start3A_79 = tpu.memref_slice %dma_start3A_77[%add3A_40, %dma_start3A_78] : memref<2560x125xi32, #tpu.memory_space<hbm>> -> memref<40x125xi32, #tpu.memory_space<hbm>>
      %dma_start3A_80 = arith.constant 0 : i32
      %dma_start3A_81 = arith.constant 0 : i32
      %dma_start3A_82 = tpu.memref_slice %arg3[%run_scoped3A_42, %dma_start3A_80, %dma_start3A_81] : memref<2x2560x125xi32, #tpu.memory_space<hbm>> -> memref<1x2560x125xi32, #tpu.memory_space<hbm>>
      %dma_start3A_83 = tpu.memref_squeeze %dma_start3A_82 : memref<1x2560x125xi32, #tpu.memory_space<hbm>> -> memref<2560x125xi32, #tpu.memory_space<hbm>>
      %dma_start3A_84 = arith.constant 0 : i32
      %dma_start3A_85 = tpu.memref_slice %dma_start3A_83[%add3A_40, %dma_start3A_84] : memref<2560x125xi32, #tpu.memory_space<hbm>> -> memref<40x125xi32, #tpu.memory_space<hbm>>
      tpu.enqueue_dma source(%dma_start3A_85 : memref<40x125xi32, #tpu.memory_space<hbm>>) target(%arg7 : memref<40x125xi32, #tpu.memory_space<vmem>>) target_semaphore(%run_scoped3A_73 : memref<!tpu.dma_semaphore, #tpu.memory_space<semaphore_mem>>)
      %dma_wait3A_86 = arith.constant 0 : i32
      %dma_wait3A_87 = arith.constant 0 : i32
      %dma_wait3A_88 = tpu.memref_slice %arg3[%run_scoped3A_42, %dma_wait3A_86, %dma_wait3A_87] : memref<2x2560x125xi32, #tpu.memory_space<hbm>> -> memref<1x2560x125xi32, #tpu.memory_space<hbm>>
      %dma_wait3A_89 = tpu.memref_squeeze %dma_wait3A_88 : memref<1x2560x125xi32, #tpu.memory_space<hbm>> -> memref<2560x125xi32, #tpu.memory_space<hbm>>
      %dma_wait3A_90 = arith.constant 0 : i32
      %dma_wait3A_91 = tpu.memref_slice %dma_wait3A_89[%add3A_40, %dma_wait3A_90] : memref<2560x125xi32, #tpu.memory_space<hbm>> -> memref<40x125xi32, #tpu.memory_space<hbm>>
      %dma_wait3A_92 = arith.constant 0 : i32
      %dma_wait3A_93 = arith.constant 0 : i32
      %dma_wait3A_94 = tpu.memref_slice %arg3[%run_scoped3A_42, %dma_wait3A_92, %dma_wait3A_93] : memref<2x2560x125xi32, #tpu.memory_space<hbm>> -> memref<1x2560x125xi32, #tpu.memory_space<hbm>>
      %dma_wait3A_95 = tpu.memref_squeeze %dma_wait3A_94 : memref<1x2560x125xi32, #tpu.memory_space<hbm>> -> memref<2560x125xi32, #tpu.memory_space<hbm>>
      %dma_wait3A_96 = arith.constant 0 : i32
      %dma_wait3A_97 = tpu.memref_slice %dma_wait3A_95[%add3A_40, %dma_wait3A_96] : memref<2560x125xi32, #tpu.memory_space<hbm>> -> memref<40x125xi32, #tpu.memory_space<hbm>>
      tpu.wait_dma2 semaphore(%run_scoped3A_73 : memref<!tpu.dma_semaphore, #tpu.memory_space<semaphore_mem>>) src(%dma_wait3A_97 : memref<40x125xi32, #tpu.memory_space<hbm>>) dst(%arg7 : memref<40x125xi32, #tpu.memory_space<vmem>>)
      tpu.yield
    }) : () -> ()
    %dma_start3A_43 = arith.constant 0 : i32
    %dma_start3A_44 = arith.constant 0 : i32
    %dma_start3A_45 = tpu.memref_slice %arg6[%dma_start3A_43, %dma_start3A_44] : memref<40x125xi32, #tpu.memory_space<vmem>> -> memref<1x125xi32, #tpu.memory_space<vmem>>
    %dma_start3A_46 = tpu.memref_squeeze %dma_start3A_45 : memref<1x125xi32, #tpu.memory_space<vmem>> -> memref<125xi32, #tpu.memory_space<vmem>>
    %dma_start3A_47 = arith.constant 0 : i32
    %dma_start3A_48 = arith.constant 0 : i32
    %dma_start3A_49 = tpu.memref_slice %arg2[%dma_start3A_47, %dma_start3A_48] : memref<10000x128xf32, #tpu.memory_space<hbm>> -> memref<10000x128xf32, #tpu.memory_space<hbm>>
    tpu.enqueue_indirect_dma source(%dma_start3A_49 : memref<10000x128xf32, #tpu.memory_space<hbm>>) target(%arg8 : memref<125x128xf32, #tpu.memory_space<vmem>>) offsets(%dma_start3A_46 : memref<125xi32, #tpu.memory_space<vmem>>) semaphore(%arg10 : memref<!tpu.dma_semaphore, #tpu.memory_space<semaphore_mem>>)
    %dma_start3A_50 = arith.constant 1 : i32
    %dma_start3A_51 = arith.constant 0 : i32
    %dma_start3A_52 = tpu.memref_slice %arg6[%dma_start3A_50, %dma_start3A_51] : memref<40x125xi32, #tpu.memory_space<vmem>> -> memref<1x125xi32, #tpu.memory_space<vmem>>
    %dma_start3A_53 = tpu.memref_squeeze %dma_start3A_52 : memref<1x125xi32, #tpu.memory_space<vmem>> -> memref<125xi32, #tpu.memory_space<vmem>>
    %dma_start3A_54 = arith.constant 0 : i32
    %dma_start3A_55 = arith.constant 0 : i32
    %dma_start3A_56 = tpu.memref_slice %arg2[%dma_start3A_54, %dma_start3A_55] : memref<10000x128xf32, #tpu.memory_space<hbm>> -> memref<10000x128xf32, #tpu.memory_space<hbm>>
    tpu.enqueue_indirect_dma source(%dma_start3A_56 : memref<10000x128xf32, #tpu.memory_space<hbm>>) target(%arg9 : memref<125x128xf32, #tpu.memory_space<vmem>>) offsets(%dma_start3A_53 : memref<125xi32, #tpu.memory_space<vmem>>) semaphore(%arg11 : memref<!tpu.dma_semaphore, #tpu.memory_space<semaphore_mem>>)
    %scan3A_57 = arith.constant 0 : i32
    %scan3A_58 = arith.constant 0 : i32
    %scan3A_59 = arith.constant 20 : i32
    %scan3A_60 = arith.addi %scan3A_58, %scan3A_59 : i32
    %scan3A_61 = arith.constant 1 : i32
    scf.for %scan3A_73 = %scan3A_58 to %scan3A_60 step %scan3A_61  : i32 {
      %mul3A_74 = arith.constant 2 : i32
      %mul3A_75 = arith.muli %scan3A_73, %mul3A_74 : i32
      %add3A_76 = arith.constant 0 : i32
      %add3A_77 = arith.addi %mul3A_75, %add3A_76 : i32
      %dma_wait3A_78 = arith.constant 0 : i32
      %dma_wait3A_79 = tpu.memref_slice %arg6[%add3A_77, %dma_wait3A_78] : memref<40x125xi32, #tpu.memory_space<vmem>> -> memref<1x125xi32, #tpu.memory_space<vmem>>
      %dma_wait3A_80 = tpu.memref_squeeze %dma_wait3A_79 : memref<1x125xi32, #tpu.memory_space<vmem>> -> memref<125xi32, #tpu.memory_space<vmem>>
      %dma_wait3A_81 = arith.constant 0 : i32
      %dma_wait3A_82 = arith.constant 0 : i32
      %dma_wait3A_83 = tpu.memref_slice %arg2[%dma_wait3A_81, %dma_wait3A_82] : memref<10000x128xf32, #tpu.memory_space<hbm>> -> memref<10000x128xf32, #tpu.memory_space<hbm>>
      tpu.wait_indirect_dma semaphore(%arg10 : memref<!tpu.dma_semaphore, #tpu.memory_space<semaphore_mem>>) src(%dma_wait3A_83 : memref<10000x128xf32, #tpu.memory_space<hbm>>) dst(%arg8 : memref<125x128xf32, #tpu.memory_space<vmem>>)
      %dma_start3A_84 = arith.constant 0 : i32
      %dma_start3A_85 = tpu.memref_slice %arg7[%add3A_77, %dma_start3A_84] : memref<40x125xi32, #tpu.memory_space<vmem>> -> memref<1x125xi32, #tpu.memory_space<vmem>>
      %dma_start3A_86 = tpu.memref_squeeze %dma_start3A_85 : memref<1x125xi32, #tpu.memory_space<vmem>> -> memref<125xi32, #tpu.memory_space<vmem>>
      %dma_start3A_87 = arith.constant 0 : i32
      %dma_start3A_88 = arith.constant 0 : i32
      %dma_start3A_89 = tpu.memref_slice %arg15[%dma_start3A_87, %dma_start3A_88] : memref<10000x128xf32, #tpu.memory_space<vmem_shared>> -> memref<10000x128xf32, #tpu.memory_space<vmem_shared>>
      tpu.enqueue_indirect_dma source(%arg8 : memref<125x128xf32, #tpu.memory_space<vmem>>) target(%dma_start3A_89 : memref<10000x128xf32, #tpu.memory_space<vmem_shared>>) offsets(%dma_start3A_86 : memref<125xi32, #tpu.memory_space<vmem>>) semaphore(%arg12 : memref<!tpu.dma_semaphore, #tpu.memory_space<semaphore_mem>>) {add = true}
      %dma_wait3A_90 = arith.constant 0 : i32
      %dma_wait3A_91 = tpu.memref_slice %arg7[%add3A_77, %dma_wait3A_90] : memref<40x125xi32, #tpu.memory_space<vmem>> -> memref<1x125xi32, #tpu.memory_space<vmem>>
      %dma_wait3A_92 = tpu.memref_squeeze %dma_wait3A_91 : memref<1x125xi32, #tpu.memory_space<vmem>> -> memref<125xi32, #tpu.memory_space<vmem>>
      %dma_wait3A_93 = arith.constant 0 : i32
      %dma_wait3A_94 = arith.constant 0 : i32
      %dma_wait3A_95 = tpu.memref_slice %arg15[%dma_wait3A_93, %dma_wait3A_94] : memref<10000x128xf32, #tpu.memory_space<vmem_shared>> -> memref<10000x128xf32, #tpu.memory_space<vmem_shared>>
      tpu.wait_indirect_dma semaphore(%arg12 : memref<!tpu.dma_semaphore, #tpu.memory_space<semaphore_mem>>) src(%arg8 : memref<125x128xf32, #tpu.memory_space<vmem>>) dst(%dma_wait3A_95 : memref<10000x128xf32, #tpu.memory_space<vmem_shared>>)
      %add3A_96 = arith.constant 2 : i32
      %add3A_97 = arith.addi %add3A_77, %add3A_96 : i32
      %lt3A = arith.constant 40 : i32
      %lt3A_98 = arith.cmpi slt, %add3A_97, %lt3A : i32
      %convert_element_type3A_99 = arith.extui %lt3A_98 : i1 to i32
      %cond3A_100 = arith.constant 0 : i32
      %cond3A_101 = arith.cmpi ne, %convert_element_type3A_99, %cond3A_100 : i32
      scf.if %cond3A_101 {
        %add3A_131 = arith.constant 2 : i32
        %add3A_132 = arith.addi %add3A_77, %add3A_131 : i32
        %dma_start3A_133 = arith.constant 0 : i32
        %dma_start3A_134 = tpu.memref_slice %arg6[%add3A_132, %dma_start3A_133] : memref<40x125xi32, #tpu.memory_space<vmem>> -> memref<1x125xi32, #tpu.memory_space<vmem>>
        %dma_start3A_135 = tpu.memref_squeeze %dma_start3A_134 : memref<1x125xi32, #tpu.memory_space<vmem>> -> memref<125xi32, #tpu.memory_space<vmem>>
        %dma_start3A_136 = arith.constant 0 : i32
        %dma_start3A_137 = arith.constant 0 : i32
        %dma_start3A_138 = tpu.memref_slice %arg2[%dma_start3A_136, %dma_start3A_137] : memref<10000x128xf32, #tpu.memory_space<hbm>> -> memref<10000x128xf32, #tpu.memory_space<hbm>>
        tpu.enqueue_indirect_dma source(%dma_start3A_138 : memref<10000x128xf32, #tpu.memory_space<hbm>>) target(%arg8 : memref<125x128xf32, #tpu.memory_space<vmem>>) offsets(%dma_start3A_135 : memref<125xi32, #tpu.memory_space<vmem>>) semaphore(%arg10 : memref<!tpu.dma_semaphore, #tpu.memory_space<semaphore_mem>>)
      } else {
      }
      %mul3A_102 = arith.constant 2 : i32
      %mul3A_103 = arith.muli %scan3A_73, %mul3A_102 : i32
      %add3A_104 = arith.constant 1 : i32
      %add3A_105 = arith.addi %mul3A_103, %add3A_104 : i32
      %dma_wait3A_106 = arith.constant 0 : i32
      %dma_wait3A_107 = tpu.memref_slice %arg6[%add3A_105, %dma_wait3A_106] : memref<40x125xi32, #tpu.memory_space<vmem>> -> memref<1x125xi32, #tpu.memory_space<vmem>>
      %dma_wait3A_108 = tpu.memref_squeeze %dma_wait3A_107 : memref<1x125xi32, #tpu.memory_space<vmem>> -> memref<125xi32, #tpu.memory_space<vmem>>
      %dma_wait3A_109 = arith.constant 0 : i32
      %dma_wait3A_110 = arith.constant 0 : i32
      %dma_wait3A_111 = tpu.memref_slice %arg2[%dma_wait3A_109, %dma_wait3A_110] : memref<10000x128xf32, #tpu.memory_space<hbm>> -> memref<10000x128xf32, #tpu.memory_space<hbm>>
      tpu.wait_indirect_dma semaphore(%arg11 : memref<!tpu.dma_semaphore, #tpu.memory_space<semaphore_mem>>) src(%dma_wait3A_111 : memref<10000x128xf32, #tpu.memory_space<hbm>>) dst(%arg9 : memref<125x128xf32, #tpu.memory_space<vmem>>)
      %dma_start3A_112 = arith.constant 0 : i32
      %dma_start3A_113 = tpu.memref_slice %arg7[%add3A_105, %dma_start3A_112] : memref<40x125xi32, #tpu.memory_space<vmem>> -> memref<1x125xi32, #tpu.memory_space<vmem>>
      %dma_start3A_114 = tpu.memref_squeeze %dma_start3A_113 : memref<1x125xi32, #tpu.memory_space<vmem>> -> memref<125xi32, #tpu.memory_space<vmem>>
      %dma_start3A_115 = arith.constant 0 : i32
      %dma_start3A_116 = arith.constant 0 : i32
      %dma_start3A_117 = tpu.memref_slice %arg15[%dma_start3A_115, %dma_start3A_116] : memref<10000x128xf32, #tpu.memory_space<vmem_shared>> -> memref<10000x128xf32, #tpu.memory_space<vmem_shared>>
      tpu.enqueue_indirect_dma source(%arg9 : memref<125x128xf32, #tpu.memory_space<vmem>>) target(%dma_start3A_117 : memref<10000x128xf32, #tpu.memory_space<vmem_shared>>) offsets(%dma_start3A_114 : memref<125xi32, #tpu.memory_space<vmem>>) semaphore(%arg13 : memref<!tpu.dma_semaphore, #tpu.memory_space<semaphore_mem>>) {add = true}
      %dma_wait3A_118 = arith.constant 0 : i32
      %dma_wait3A_119 = tpu.memref_slice %arg7[%add3A_105, %dma_wait3A_118] : memref<40x125xi32, #tpu.memory_space<vmem>> -> memref<1x125xi32, #tpu.memory_space<vmem>>
      %dma_wait3A_120 = tpu.memref_squeeze %dma_wait3A_119 : memref<1x125xi32, #tpu.memory_space<vmem>> -> memref<125xi32, #tpu.memory_space<vmem>>
      %dma_wait3A_121 = arith.constant 0 : i32
      %dma_wait3A_122 = arith.constant 0 : i32
      %dma_wait3A_123 = tpu.memref_slice %arg15[%dma_wait3A_121, %dma_wait3A_122] : memref<10000x128xf32, #tpu.memory_space<vmem_shared>> -> memref<10000x128xf32, #tpu.memory_space<vmem_shared>>
      tpu.wait_indirect_dma semaphore(%arg13 : memref<!tpu.dma_semaphore, #tpu.memory_space<semaphore_mem>>) src(%arg9 : memref<125x128xf32, #tpu.memory_space<vmem>>) dst(%dma_wait3A_123 : memref<10000x128xf32, #tpu.memory_space<vmem_shared>>)
      %add3A_124 = arith.constant 2 : i32
      %add3A_125 = arith.addi %add3A_105, %add3A_124 : i32
      %lt3A_126 = arith.constant 40 : i32
      %lt3A_127 = arith.cmpi slt, %add3A_125, %lt3A_126 : i32
      %convert_element_type3A_128 = arith.extui %lt3A_127 : i1 to i32
      %cond3A_129 = arith.constant 0 : i32
      %cond3A_130 = arith.cmpi ne, %convert_element_type3A_128, %cond3A_129 : i32
      scf.if %cond3A_130 {
        %add3A_131 = arith.constant 2 : i32
        %add3A_132 = arith.addi %add3A_105, %add3A_131 : i32
        %dma_start3A_133 = arith.constant 0 : i32
        %dma_start3A_134 = tpu.memref_slice %arg6[%add3A_132, %dma_start3A_133] : memref<40x125xi32, #tpu.memory_space<vmem>> -> memref<1x125xi32, #tpu.memory_space<vmem>>
        %dma_start3A_135 = tpu.memref_squeeze %dma_start3A_134 : memref<1x125xi32, #tpu.memory_space<vmem>> -> memref<125xi32, #tpu.memory_space<vmem>>
        %dma_start3A_136 = arith.constant 0 : i32
        %dma_start3A_137 = arith.constant 0 : i32
        %dma_start3A_138 = tpu.memref_slice %arg2[%dma_start3A_136, %dma_start3A_137] : memref<10000x128xf32, #tpu.memory_space<hbm>> -> memref<10000x128xf32, #tpu.memory_space<hbm>>
        tpu.enqueue_indirect_dma source(%dma_start3A_138 : memref<10000x128xf32, #tpu.memory_space<hbm>>) target(%arg9 : memref<125x128xf32, #tpu.memory_space<vmem>>) offsets(%dma_start3A_135 : memref<125xi32, #tpu.memory_space<vmem>>) semaphore(%arg11 : memref<!tpu.dma_semaphore, #tpu.memory_space<semaphore_mem>>)
      } else {
      }
    }
    %scan3A_62 = arith.constant 20 : i32
    %barrier3A_63 = arith.constant 0 : index
    tpu.barrier barrier_id(%barrier3A_63)
    %mul3A_64 = arith.constant 624 : i32
    %mul3A_65 = arith.muli %arg1, %mul3A_64 : i32
    %mul3A_66 = arith.constant 624 : i32
    %mul3A_67 = arith.muli %arg1, %mul3A_66 : i32
    "tpu.region"() ({
      %run_scoped3A_73 = tpu.sem_alloc : memref<!tpu.dma_semaphore, #tpu.memory_space<semaphore_mem>>
      %dma_start3A_74 = arith.constant 0 : i32
      %dma_start3A_75 = arith.constant 0 : i32
      %dma_start3A_76 = tpu.memref_slice %arg5[%arg0, %dma_start3A_74, %dma_start3A_75] : memref<2x10000x128xf32, #tpu.memory_space<hbm>> -> memref<1x10000x128xf32, #tpu.memory_space<hbm>>
      %dma_start3A_77 = tpu.memref_squeeze %dma_start3A_76 : memref<1x10000x128xf32, #tpu.memory_space<hbm>> -> memref<10000x128xf32, #tpu.memory_space<hbm>>
      %dma_start3A_78 = arith.constant 0 : i32
      %dma_start3A_79 = tpu.memref_slice %dma_start3A_77[%mul3A_67, %dma_start3A_78] : memref<10000x128xf32, #tpu.memory_space<hbm>> -> memref<624x128xf32, #tpu.memory_space<hbm>>
      %dma_start3A_80 = arith.constant 0 : i32
      %dma_start3A_81 = tpu.memref_slice %arg15[%mul3A_65, %dma_start3A_80] : memref<10000x128xf32, #tpu.memory_space<vmem_shared>> -> memref<624x128xf32, #tpu.memory_space<vmem_shared>>
      tpu.enqueue_dma source(%dma_start3A_81 : memref<624x128xf32, #tpu.memory_space<vmem_shared>>) target(%dma_start3A_79 : memref<624x128xf32, #tpu.memory_space<hbm>>) target_semaphore(%run_scoped3A_73 : memref<!tpu.dma_semaphore, #tpu.memory_space<semaphore_mem>>)
      %dma_wait3A_82 = arith.constant 0 : i32
      %dma_wait3A_83 = arith.constant 0 : i32
      %dma_wait3A_84 = tpu.memref_slice %arg5[%arg0, %dma_wait3A_82, %dma_wait3A_83] : memref<2x10000x128xf32, #tpu.memory_space<hbm>> -> memref<1x10000x128xf32, #tpu.memory_space<hbm>>
      %dma_wait3A_85 = tpu.memref_squeeze %dma_wait3A_84 : memref<1x10000x128xf32, #tpu.memory_space<hbm>> -> memref<10000x128xf32, #tpu.memory_space<hbm>>
      %dma_wait3A_86 = arith.constant 0 : i32
      %dma_wait3A_87 = tpu.memref_slice %dma_wait3A_85[%mul3A_67, %dma_wait3A_86] : memref<10000x128xf32, #tpu.memory_space<hbm>> -> memref<624x128xf32, #tpu.memory_space<hbm>>
      %dma_wait3A_88 = arith.constant 0 : i32
      %dma_wait3A_89 = tpu.memref_slice %arg15[%mul3A_65, %dma_wait3A_88] : memref<10000x128xf32, #tpu.memory_space<vmem_shared>> -> memref<624x128xf32, #tpu.memory_space<vmem_shared>>
      tpu.wait_dma2 semaphore(%run_scoped3A_73 : memref<!tpu.dma_semaphore, #tpu.memory_space<semaphore_mem>>) src(%dma_wait3A_89 : memref<624x128xf32, #tpu.memory_space<vmem_shared>>) dst(%dma_wait3A_87 : memref<624x128xf32, #tpu.memory_space<hbm>>)
      tpu.yield
    }) : () -> ()
    %eq3A_68 = arith.constant 0 : i32
    %eq3A_69 = arith.cmpi eq, %arg1, %eq3A_68 : i32
    %convert_element_type3A_70 = arith.extui %eq3A_69 : i1 to i32
    %cond3A_71 = arith.constant 0 : i32
    %cond3A_72 = arith.cmpi ne, %convert_element_type3A_70, %cond3A_71 : i32
    scf.if %cond3A_72 {
      "tpu.region"() ({
        %run_scoped3A_73 = tpu.sem_alloc : memref<!tpu.dma_semaphore, #tpu.memory_space<semaphore_mem>>
        %dma_start3A_74 = arith.constant 0 : i32
        %dma_start3A_75 = arith.constant 0 : i32
        %dma_start3A_76 = tpu.memref_slice %arg5[%arg0, %dma_start3A_74, %dma_start3A_75] : memref<2x10000x128xf32, #tpu.memory_space<hbm>> -> memref<1x10000x128xf32, #tpu.memory_space<hbm>>
        %dma_start3A_77 = tpu.memref_squeeze %dma_start3A_76 : memref<1x10000x128xf32, #tpu.memory_space<hbm>> -> memref<10000x128xf32, #tpu.memory_space<hbm>>
        %dma_start3A_78 = arith.constant 9984 : i32
        %dma_start3A_79 = arith.constant 0 : i32
        %dma_start3A_80 = tpu.memref_slice %dma_start3A_77[%dma_start3A_78, %dma_start3A_79] : memref<10000x128xf32, #tpu.memory_space<hbm>> -> memref<16x128xf32, #tpu.memory_space<hbm>>
        %dma_start3A_81 = arith.constant 9984 : i32
        %dma_start3A_82 = arith.constant 0 : i32
        %dma_start3A_83 = tpu.memref_slice %arg15[%dma_start3A_81, %dma_start3A_82] : memref<10000x128xf32, #tpu.memory_space<vmem_shared>> -> memref<16x128xf32, #tpu.memory_space<vmem_shared>>
        tpu.enqueue_dma source(%dma_start3A_83 : memref<16x128xf32, #tpu.memory_space<vmem_shared>>) target(%dma_start3A_80 : memref<16x128xf32, #tpu.memory_space<hbm>>) target_semaphore(%run_scoped3A_73 : memref<!tpu.dma_semaphore, #tpu.memory_space<semaphore_mem>>)
        %dma_wait3A_84 = arith.constant 0 : i32
        %dma_wait3A_85 = arith.constant 0 : i32
        %dma_wait3A_86 = tpu.memref_slice %arg5[%arg0, %dma_wait3A_84, %dma_wait3A_85] : memref<2x10000x128xf32, #tpu.memory_space<hbm>> -> memref<1x10000x128xf32, #tpu.memory_space<hbm>>
        %dma_wait3A_87 = tpu.memref_squeeze %dma_wait3A_86 : memref<1x10000x128xf32, #tpu.memory_space<hbm>> -> memref<10000x128xf32, #tpu.memory_space<hbm>>
        %dma_wait3A_88 = arith.constant 9984 : i32
        %dma_wait3A_89 = arith.constant 0 : i32
        %dma_wait3A_90 = tpu.memref_slice %dma_wait3A_87[%dma_wait3A_88, %dma_wait3A_89] : memref<10000x128xf32, #tpu.memory_space<hbm>> -> memref<16x128xf32, #tpu.memory_space<hbm>>
        %dma_wait3A_91 = arith.constant 9984 : i32
        %dma_wait3A_92 = arith.constant 0 : i32
        %dma_wait3A_93 = tpu.memref_slice %arg15[%dma_wait3A_91, %dma_wait3A_92] : memref<10000x128xf32, #tpu.memory_space<vmem_shared>> -> memref<16x128xf32, #tpu.memory_space<vmem_shared>>
        tpu.wait_dma2 semaphore(%run_scoped3A_73 : memref<!tpu.dma_semaphore, #tpu.memory_space<semaphore_mem>>) src(%dma_wait3A_93 : memref<16x128xf32, #tpu.memory_space<vmem_shared>>) dst(%dma_wait3A_90 : memref<16x128xf32, #tpu.memory_space<hbm>>)
        tpu.yield
      }) : () -> ()
    } else {
    }
    return
  }
}

module attributes {stable_mosaic.version = 14 : i64} {
  func.func @_prep_body(%arg0: i32, %arg1: memref<2000x128xf32, #tpu.memory_space<vmem>>, %arg2: memref<128x128xf32, #tpu.memory_space<vmem>>, %arg3: memref<32x625x16xf32, #tpu.memory_space<vmem>>, %arg4: memref<2000x128xf32, #tpu.memory_space<vmem>>, %arg5: memref<2000x128xf32, #tpu.memory_space<vmem>>, %arg6: memref<625x16xf32, #tpu.memory_space<vmem>>) attributes {dimension_semantics = [#tpu.dimension_semantics<arbitrary>], iteration_bounds = array<i64: 5>, scalar_prefetch = 0 : i64, scratch_operands = 1 : i64, tpu.core_type = #tpu.core_type<tc>, window_params = [{transform_indices = @transform_0, window_bounds = array<i64: 2000, 128>}, {pipeline_mode = #tpu.pipeline_mode<synchronous>, transform_indices = @transform_1, window_bounds = array<i64: 128, 128>}, {pipeline_mode = #tpu.pipeline_mode<synchronous>, transform_indices = @transform_2, window_bounds = array<i64: 32, 625, 16>}, {transform_indices = @transform_3, window_bounds = array<i64: 2000, 128>}, {transform_indices = @transform_4, window_bounds = array<i64: 2000, 128>}]} {
    %eq3A = arith.constant 0 : i32
    %eq3A_0 = arith.cmpi eq, %arg0, %eq3A : i32
    %convert_element_type3A = arith.extui %eq3A_0 : i1 to i32
    %cond3A = arith.constant 0 : i32
    %cond3A_1 = arith.cmpi ne, %convert_element_type3A, %cond3A : i32
    scf.if %cond3A_1 {
      %get3A_82 = arith.constant 0 : index
      %get3A_83 = arith.constant 0 : index
      %get3A_84 = arith.constant 0 : index
      %get3A_85 = vector.load %arg3[%get3A_82, %get3A_83, %get3A_84] : memref<32x625x16xf32, #tpu.memory_space<vmem>>, vector<32x625x16xf32>
      %reduce_sum3A_86 = arith.constant dense<0.000000e+00> : vector<625x16xf32>
      %reduce_sum3A_87 = vector.multi_reduction <add>, %get3A_85, %reduce_sum3A_86 [0] : vector<32x625x16xf32> to vector<625x16xf32>
      %add3A_88 = arith.constant 2.000000e+00 : f32
      %add3A_89 = vector.broadcast %add3A_88 : f32 to vector<625x16xf32>
      %add3A_90 = arith.addf %reduce_sum3A_87, %add3A_89 : vector<625x16xf32>
      %rsqrt3A = math.rsqrt %add3A_90 : vector<625x16xf32>
      %swap3A_91 = arith.constant 0 : index
      %swap3A_92 = arith.constant 0 : index
      %swap3A_93 = vector.load %arg6[%swap3A_91, %swap3A_92] : memref<625x16xf32, #tpu.memory_space<vmem>>, vector<625x16xf32>
      tpu.vector_store %arg6[%swap3A_91, %swap3A_92], %rsqrt3A {strides = array<i32>} : memref<625x16xf32, #tpu.memory_space<vmem>>, vector<625x16xf32>,
    } else {
    }
    %mul3A = arith.constant 125 : i32
    %mul3A_2 = arith.muli %arg0, %mul3A : i32
    %get3A = arith.index_cast %mul3A_2 : i32 to index
    %get3A_3 = arith.constant 0 : index
    %get3A_4 = vector.load %arg6[%get3A, %get3A_3] : memref<625x16xf32, #tpu.memory_space<vmem>>, vector<125x16xf32>
    %iota3A = tpu.iota {dimensions = array<i32: 0>} : vector<2000x125xi32>
    %iota3A_5 = tpu.iota {dimensions = array<i32: 1>} : vector<2000x125xi32>
    %jit3A = arith.constant 16 : i32
    %div3A = vector.broadcast %jit3A : i32 to vector<2000x125xi32>
    %div3A_6 = arith.divsi %iota3A, %div3A : vector<2000x125xi32>
    %sign3A = arith.constant 0 : i32
    %sign3A_7 = vector.broadcast %sign3A : i32 to vector<2000x125xi32>
    %sign3A_8 = arith.cmpi sgt, %iota3A, %sign3A_7 : vector<2000x125xi32>
    %sign3A_9 = arith.extui %sign3A_8 : vector<2000x125xi1> to vector<2000x125xi32>
    %sign3A_10 = arith.constant 0 : i32
    %sign3A_11 = vector.broadcast %sign3A_10 : i32 to vector<2000x125xi32>
    %sign3A_12 = arith.cmpi slt, %iota3A, %sign3A_11 : vector<2000x125xi32>
    %sign3A_13 = arith.extui %sign3A_12 : vector<2000x125xi1> to vector<2000x125xi32>
    %sign3A_14 = arith.subi %sign3A_9, %sign3A_13 : vector<2000x125xi32>
    %sign3A_15 = arith.constant 0 : i32
    %sign3A_16 = arith.cmpi sgt, %jit3A, %sign3A_15 : i32
    %sign3A_17 = arith.extui %sign3A_16 : i1 to i32
    %sign3A_18 = arith.constant 0 : i32
    %sign3A_19 = arith.cmpi slt, %jit3A, %sign3A_18 : i32
    %sign3A_20 = arith.extui %sign3A_19 : i1 to i32
    %sign3A_21 = arith.subi %sign3A_17, %sign3A_20 : i32
    %ne3A = vector.broadcast %sign3A_21 : i32 to vector<2000x125xi32>
    %ne3A_22 = arith.cmpi ne, %sign3A_14, %ne3A : vector<2000x125xi32>
    %rem3A = vector.broadcast %jit3A : i32 to vector<2000x125xi32>
    %rem3A_23 = arith.remsi %iota3A, %rem3A : vector<2000x125xi32>
    %ne3A_24 = arith.constant 0 : i32
    %ne3A_25 = vector.broadcast %ne3A_24 : i32 to vector<2000x125xi32>
    %ne3A_26 = arith.cmpi ne, %rem3A_23, %ne3A_25 : vector<2000x125xi32>
    %and3A = arith.andi %ne3A_22, %ne3A_26 : vector<2000x125xi1>
    %sub3A = arith.constant 1 : i32
    %sub3A_27 = vector.broadcast %sub3A : i32 to vector<2000x125xi32>
    %sub3A_28 = arith.subi %div3A_6, %sub3A_27 : vector<2000x125xi32>
    %select_n3A = arith.select %and3A, %sub3A_28, %div3A_6 : vector<2000x125xi1>, vector<2000x125xi32>
    %eq3A_29 = arith.cmpi eq, %select_n3A, %iota3A_5 : vector<2000x125xi32>
    %jit3A_30 = arith.constant 1.000000e+00 : f32
    %jit3A_31 = arith.constant 0.000000e+00 : f32
    %broadcast_in_dim3A = vector.broadcast %jit3A_30 : f32 to vector<2000x125xf32>
    %broadcast_in_dim3A_32 = vector.broadcast %jit3A_31 : f32 to vector<2000x125xf32>
    %select_n3A_33 = arith.select %eq3A_29, %broadcast_in_dim3A, %broadcast_in_dim3A_32 : vector<2000x125xi1>, vector<2000x125xf32>
    %dot_general3A = arith.constant dense<0.000000e+00> : vector<2000x16xf32>
    %dot_general3A_34 = tpu.matmul %select_n3A_33, %get3A_4, %dot_general3A {dimension_numbers = #tpu.dot_dimension_numbers<[1], [0], [0], [1], [0, 0, 1, 1], [], []>, precision = #tpu.contract_precision<fp32>, transpose_lhs_hint = false} : vector<2000x125xf32>, vector<125x16xf32>, vector<2000x16xf32> -> vector<2000x16xf32>
    %iota3A_35 = tpu.iota {dimensions = array<i32: 0>} : vector<2000x16xi32>
    %jit3A_36 = arith.constant 16 : i32
    %eq3A_37 = arith.constant 0 : i32
    %eq3A_38 = arith.cmpi eq, %jit3A_36, %eq3A_37 : i32
    %jit3A_39 = arith.constant 1 : i32
    %select_n3A_40 = arith.select %eq3A_38, %jit3A_39, %jit3A_36 : i32
    %rem3A_41 = vector.broadcast %select_n3A_40 : i32 to vector<2000x16xi32>
    %rem3A_42 = arith.remsi %iota3A_35, %rem3A_41 : vector<2000x16xi32>
    %ne3A_43 = arith.constant 0 : i32
    %ne3A_44 = vector.broadcast %ne3A_43 : i32 to vector<2000x16xi32>
    %ne3A_45 = arith.cmpi ne, %rem3A_42, %ne3A_44 : vector<2000x16xi32>
    %lt3A = arith.constant 0 : i32
    %lt3A_46 = vector.broadcast %lt3A : i32 to vector<2000x16xi32>
    %lt3A_47 = arith.cmpi slt, %rem3A_42, %lt3A_46 : vector<2000x16xi32>
    %lt3A_48 = arith.constant 0 : i32
    %lt3A_49 = arith.cmpi slt, %select_n3A_40, %lt3A_48 : i32
    %ne3A_50 = vector.broadcast %lt3A_49 : i1 to vector<2000x16xi1>
    %ne3A_51 = vector.broadcast %ne3A_50 : vector<2000x16xi1> to vector<2000x16xi1>
    %ne3A_52 = arith.xori %lt3A_47, %ne3A_51 : vector<2000x16xi1>
    %and3A_53 = arith.andi %ne3A_52, %ne3A_45 : vector<2000x16xi1>
    %add3A = vector.broadcast %select_n3A_40 : i32 to vector<2000x16xi32>
    %add3A_54 = arith.addi %rem3A_42, %add3A : vector<2000x16xi32>
    %select_n3A_55 = arith.select %and3A_53, %add3A_54, %rem3A_42 : vector<2000x16xi1>, vector<2000x16xi32>
    %iota3A_56 = tpu.iota {dimensions = array<i32: 1>} : vector<2000x16xi32>
    %eq3A_57 = arith.cmpi eq, %select_n3A_55, %iota3A_56 : vector<2000x16xi32>
    %jit3A_58 = arith.constant 1.000000e+00 : f32
    %jit3A_59 = arith.constant 0.000000e+00 : f32
    %broadcast_in_dim3A_60 = vector.broadcast %jit3A_58 : f32 to vector<2000x16xf32>
    %broadcast_in_dim3A_61 = vector.broadcast %jit3A_59 : f32 to vector<2000x16xf32>
    %select_n3A_62 = arith.select %eq3A_57, %broadcast_in_dim3A_60, %broadcast_in_dim3A_61 : vector<2000x16xi1>, vector<2000x16xf32>
    %mul3A_63 = arith.mulf %dot_general3A_34, %select_n3A_62 : vector<2000x16xf32>
    %reduce_sum3A = arith.constant dense<0.000000e+00> : vector<2000xf32>
    %reduce_sum3A_64 = vector.multi_reduction <add>, %mul3A_63, %reduce_sum3A [1] : vector<2000x16xf32> to vector<2000xf32>
    %broadcast_in_dim3A_65 = vector.shape_cast %reduce_sum3A_64 : vector<2000xf32> to vector<2000x1xf32>
    %broadcast_in_dim3A_66 = vector.shape_cast %broadcast_in_dim3A_65 : vector<2000x1xf32> to vector<2000x1xf32>
    %broadcast_in_dim3A_67 = vector.broadcast %broadcast_in_dim3A_66 : vector<2000x1xf32> to vector<2000x128xf32>
    %get3A_68 = arith.constant 0 : index
    %get3A_69 = arith.constant 0 : index
    %get3A_70 = vector.load %arg1[%get3A_68, %get3A_69] : memref<2000x128xf32, #tpu.memory_space<vmem>>, vector<2000x128xf32>
    %get3A_71 = arith.constant 0 : index
    %get3A_72 = arith.constant 0 : index
    %get3A_73 = vector.load %arg2[%get3A_71, %get3A_72] : memref<128x128xf32, #tpu.memory_space<vmem>>, vector<128x128xf32>
    %dot_general3A_74 = arith.constant dense<0.000000e+00> : vector<2000x128xf32>
    %dot_general3A_75 = tpu.matmul %get3A_70, %get3A_73, %dot_general3A_74 {dimension_numbers = #tpu.dot_dimension_numbers<[1], [0], [0], [1], [0, 0, 1, 1], [], []>, precision = #tpu.contract_precision<fp32>, transpose_lhs_hint = false} : vector<2000x128xf32>, vector<128x128xf32>, vector<2000x128xf32> -> vector<2000x128xf32>
    %mul3A_76 = arith.mulf %dot_general3A_75, %broadcast_in_dim3A_67 : vector<2000x128xf32>
    %swap3A = arith.constant 0 : index
    %swap3A_77 = arith.constant 0 : index
    %swap3A_78 = vector.load %arg4[%swap3A, %swap3A_77] : memref<2000x128xf32, #tpu.memory_space<vmem>>, vector<2000x128xf32>
    tpu.vector_store %arg4[%swap3A, %swap3A_77], %mul3A_76 {strides = array<i32>} : memref<2000x128xf32, #tpu.memory_space<vmem>>, vector<2000x128xf32>,
    %swap3A_79 = arith.constant 0 : index
    %swap3A_80 = arith.constant 0 : index
    %swap3A_81 = vector.load %arg5[%swap3A_79, %swap3A_80] : memref<2000x128xf32, #tpu.memory_space<vmem>>, vector<2000x128xf32>
    tpu.vector_store %arg5[%swap3A_79, %swap3A_80], %broadcast_in_dim3A_67 {strides = array<i32>} : memref<2000x128xf32, #tpu.memory_space<vmem>>, vector<2000x128xf32>,
    return
  }
  func.func @transform_0(%arg0: i32) -> (i32, i32) {
    %c0_i32 = arith.constant 0 : i32
    %c0_i32_0 = arith.constant 0 : i32
    return %arg0, %c0_i32 : i32, i32
  }
  func.func @transform_1(%arg0: i32) -> (i32, i32) {
    %c0_i32 = arith.constant 0 : i32
    %c0_i32_0 = arith.constant 0 : i32
    %c0_i32_1 = arith.constant 0 : i32
    return %c0_i32, %c0_i32_0 : i32, i32
  }
  func.func @transform_2(%arg0: i32) -> (i32, i32, i32) {
    %c0_i32 = arith.constant 0 : i32
    %c0_i32_0 = arith.constant 0 : i32
    %c0_i32_1 = arith.constant 0 : i32
    %c0_i32_2 = arith.constant 0 : i32
    return %c0_i32, %c0_i32_0, %c0_i32_1 : i32, i32, i32
  }
  func.func @transform_3(%arg0: i32) -> (i32, i32) {
    %c0_i32 = arith.constant 0 : i32
    %c0_i32_0 = arith.constant 0 : i32
    return %arg0, %c0_i32 : i32, i32
  }
  func.func @transform_4(%arg0: i32) -> (i32, i32) {
    %c0_i32 = arith.constant 0 : i32
    %c0_i32_0 = arith.constant 0 : i32
    return %arg0, %c0_i32 : i32, i32
  }
}

module attributes {stable_mosaic.version = 14 : i64} {
  func.func @_mid_body(%arg0: i32, %arg1: memref<2x1000x128xf32, #tpu.memory_space<vmem>>, %arg2: memref<1000x128xf32, #tpu.memory_space<vmem>>, %arg3: memref<1000x128xf32, #tpu.memory_space<vmem>>, %arg4: memref<1000x128xf32, #tpu.memory_space<vmem>>, %arg5: memref<1x128xf32, #tpu.memory_space<vmem>>, %arg6: memref<1x128xf32, #tpu.memory_space<vmem>>, %arg7: memref<128x128xf32, #tpu.memory_space<vmem>>, %arg8: memref<1000x128xf32, #tpu.memory_space<vmem>>, %arg9: memref<1000x128xf32, #tpu.memory_space<vmem>>, %arg10: memref<10000x128xf32, #tpu.memory_space<vmem>>, %arg11: memref<8x128xf32, #tpu.memory_space<vmem>>) attributes {dimension_semantics = [#tpu.dimension_semantics<arbitrary>], iteration_bounds = array<i64: 20>, scalar_prefetch = 0 : i64, scratch_operands = 2 : i64, tpu.core_type = #tpu.core_type<tc>, window_params = [{transform_indices = @transform_0, window_bounds = array<i64: 2, 1000, 128>}, {transform_indices = @transform_1, window_bounds = array<i64: 1000, 128>}, {transform_indices = @transform_2, window_bounds = array<i64: 1000, 128>}, {transform_indices = @transform_3, window_bounds = array<i64: 1000, 128>}, {pipeline_mode = #tpu.pipeline_mode<synchronous>, transform_indices = @transform_4, window_bounds = array<i64: 1, 128>}, {pipeline_mode = #tpu.pipeline_mode<synchronous>, transform_indices = @transform_5, window_bounds = array<i64: 1, 128>}, {pipeline_mode = #tpu.pipeline_mode<synchronous>, transform_indices = @transform_6, window_bounds = array<i64: 128, 128>}, {transform_indices = @transform_7, window_bounds = array<i64: 1000, 128>}, {transform_indices = @transform_8, window_bounds = array<i64: 1000, 128>}]} {
    %eq3A = arith.constant 0 : i32
    %eq3A_0 = arith.cmpi eq, %arg0, %eq3A : i32
    %convert_element_type3A = arith.extui %eq3A_0 : i1 to i32
    %cond3A = arith.constant 0 : i32
    %cond3A_1 = arith.cmpi ne, %convert_element_type3A, %cond3A : i32
    scf.if %cond3A_1 {
      %broadcast_in_dim3A = arith.constant 0.000000e+00 : f32
      %broadcast_in_dim3A_10 = vector.broadcast %broadcast_in_dim3A : f32 to vector<8x128xf32>
      %swap3A = arith.constant 0 : index
      %swap3A_11 = arith.constant 0 : index
      %swap3A_12 = vector.load %arg11[%swap3A, %swap3A_11] : memref<8x128xf32, #tpu.memory_space<vmem>>, vector<8x128xf32>
      tpu.vector_store %arg11[%swap3A, %swap3A_11], %broadcast_in_dim3A_10 {strides = array<i32>} : memref<8x128xf32, #tpu.memory_space<vmem>>, vector<8x128xf32>,
    } else {
    }
    %lt3A = arith.constant 10 : i32
    %lt3A_2 = arith.cmpi slt, %arg0, %lt3A : i32
    %convert_element_type3A_3 = arith.extui %lt3A_2 : i1 to i32
    %cond3A_4 = arith.constant 0 : i32
    %cond3A_5 = arith.cmpi ne, %convert_element_type3A_3, %cond3A_4 : i32
    scf.if %cond3A_5 {
      %get3A = arith.constant 0 : index
      %get3A_10 = arith.constant 0 : index
      %get3A_11 = vector.load %arg3[%get3A, %get3A_10] : memref<1000x128xf32, #tpu.memory_space<vmem>>, vector<1000x128xf32>
      %get3A_12 = arith.constant 0 : index
      %get3A_13 = arith.constant 0 : index
      %get3A_14 = arith.constant 0 : index
      %get3A_15 = vector.load %arg1[%get3A_12, %get3A_13, %get3A_14] : memref<2x1000x128xf32, #tpu.memory_space<vmem>>, vector<1x1000x128xf32>
      %get3A_16 = vector.shape_cast %get3A_15 : vector<1x1000x128xf32> to vector<1000x128xf32>
      %get3A_17 = arith.constant 1 : index
      %get3A_18 = arith.constant 0 : index
      %get3A_19 = arith.constant 0 : index
      %get3A_20 = vector.load %arg1[%get3A_17, %get3A_18, %get3A_19] : memref<2x1000x128xf32, #tpu.memory_space<vmem>>, vector<1x1000x128xf32>
      %get3A_21 = vector.shape_cast %get3A_20 : vector<1x1000x128xf32> to vector<1000x128xf32>
      %add3A = arith.addf %get3A_16, %get3A_21 : vector<1000x128xf32>
      %get3A_22 = arith.constant 0 : index
      %get3A_23 = arith.constant 0 : index
      %get3A_24 = vector.load %arg2[%get3A_22, %get3A_23] : memref<1000x128xf32, #tpu.memory_space<vmem>>, vector<1000x128xf32>
      %mul3A = arith.constant 2.000000e+00 : f32
      %mul3A_25 = vector.broadcast %mul3A : f32 to vector<1000x128xf32>
      %mul3A_26 = arith.mulf %mul3A_25, %get3A_24 : vector<1000x128xf32>
      %add3A_27 = arith.addf %add3A, %mul3A_26 : vector<1000x128xf32>
      %mul3A_28 = arith.mulf %get3A_11, %add3A_27 : vector<1000x128xf32>
      %mul3A_29 = arith.constant 1000 : i32
      %mul3A_30 = arith.muli %arg0, %mul3A_29 : i32
      %multiple_of3A = tpu.assume_multiple %mul3A_30, 8 : i32
      %swap3A = arith.index_cast %multiple_of3A : i32 to index
      %swap3A_31 = arith.constant 0 : index
      %swap3A_32 = vector.load %arg10[%swap3A, %swap3A_31] : memref<10000x128xf32, #tpu.memory_space<vmem>>, vector<1000x128xf32>
      tpu.vector_store %arg10[%swap3A, %swap3A_31], %mul3A_28 {strides = array<i32>} : memref<10000x128xf32, #tpu.memory_space<vmem>>, vector<1000x128xf32>,
      %get3A_33 = arith.constant 0 : index
      %get3A_34 = arith.constant 0 : index
      %get3A_35 = vector.load %arg11[%get3A_33, %get3A_34] : memref<8x128xf32, #tpu.memory_space<vmem>>, vector<1x128xf32>
      %reduce_sum3A = arith.constant dense<0.000000e+00> : vector<128xf32>
      %reduce_sum3A_36 = vector.multi_reduction <add>, %mul3A_28, %reduce_sum3A [0] : vector<1000x128xf32> to vector<128xf32>
      %broadcast_in_dim3A = vector.shape_cast %reduce_sum3A_36 : vector<128xf32> to vector<1x128xf32>
      %add3A_37 = arith.addf %get3A_35, %broadcast_in_dim3A : vector<1x128xf32>
      %swap3A_38 = arith.constant 0 : index
      %swap3A_39 = arith.constant 0 : index
      %swap3A_40 = vector.load %arg11[%swap3A_38, %swap3A_39] : memref<8x128xf32, #tpu.memory_space<vmem>>, vector<1x128xf32>
      tpu.vector_store %arg11[%swap3A_38, %swap3A_39], %add3A_37 {strides = array<i32>} : memref<8x128xf32, #tpu.memory_space<vmem>>, vector<1x128xf32>,
      %get3A_41 = arith.constant 1 : index
      %get3A_42 = arith.constant 0 : index
      %get3A_43 = vector.load %arg11[%get3A_41, %get3A_42] : memref<8x128xf32, #tpu.memory_space<vmem>>, vector<1x128xf32>
      %mul3A_44 = arith.mulf %mul3A_28, %mul3A_28 : vector<1000x128xf32>
      %reduce_sum3A_45 = arith.constant dense<0.000000e+00> : vector<128xf32>
      %reduce_sum3A_46 = vector.multi_reduction <add>, %mul3A_44, %reduce_sum3A_45 [0] : vector<1000x128xf32> to vector<128xf32>
      %broadcast_in_dim3A_47 = vector.shape_cast %reduce_sum3A_46 : vector<128xf32> to vector<1x128xf32>
      %add3A_48 = arith.addf %get3A_43, %broadcast_in_dim3A_47 : vector<1x128xf32>
      %swap3A_49 = arith.constant 1 : index
      %swap3A_50 = arith.constant 0 : index
      %swap3A_51 = vector.load %arg11[%swap3A_49, %swap3A_50] : memref<8x128xf32, #tpu.memory_space<vmem>>, vector<1x128xf32>
      tpu.vector_store %arg11[%swap3A_49, %swap3A_50], %add3A_48 {strides = array<i32>} : memref<8x128xf32, #tpu.memory_space<vmem>>, vector<1x128xf32>,
    } else {
    }
    %ge3A = arith.constant 10 : i32
    %ge3A_6 = arith.cmpi sge, %arg0, %ge3A : i32
    %convert_element_type3A_7 = arith.extui %ge3A_6 : i1 to i32
    %cond3A_8 = arith.constant 0 : i32
    %cond3A_9 = arith.cmpi ne, %convert_element_type3A_7, %cond3A_8 : i32
    scf.if %cond3A_9 {
      %sub3A = arith.constant 10 : i32
      %sub3A_10 = arith.subi %arg0, %sub3A : i32
      %mul3A = arith.constant 1000 : i32
      %mul3A_11 = arith.muli %sub3A_10, %mul3A : i32
      %multiple_of3A = tpu.assume_multiple %mul3A_11, 8 : i32
      %get3A = arith.index_cast %multiple_of3A : i32 to index
      %get3A_12 = arith.constant 0 : index
      %get3A_13 = vector.load %arg10[%get3A, %get3A_12] : memref<10000x128xf32, #tpu.memory_space<vmem>>, vector<1000x128xf32>
      %get3A_14 = arith.constant 0 : index
      %get3A_15 = arith.constant 0 : index
      %get3A_16 = vector.load %arg11[%get3A_14, %get3A_15] : memref<8x128xf32, #tpu.memory_space<vmem>>, vector<1x128xf32>
      %mul3A_17 = arith.constant 9.99999974E-5 : f32
      %mul3A_18 = vector.broadcast %mul3A_17 : f32 to vector<1x128xf32>
      %mul3A_19 = arith.mulf %get3A_16, %mul3A_18 : vector<1x128xf32>
      %get3A_20 = arith.constant 1 : index
      %get3A_21 = arith.constant 0 : index
      %get3A_22 = vector.load %arg11[%get3A_20, %get3A_21] : memref<8x128xf32, #tpu.memory_space<vmem>>, vector<1x128xf32>
      %mul3A_23 = arith.constant 9.99999974E-5 : f32
      %mul3A_24 = vector.broadcast %mul3A_23 : f32 to vector<1x128xf32>
      %mul3A_25 = arith.mulf %get3A_22, %mul3A_24 : vector<1x128xf32>
      %mul3A_26 = arith.mulf %mul3A_19, %mul3A_19 : vector<1x128xf32>
      %sub3A_27 = arith.subf %mul3A_25, %mul3A_26 : vector<1x128xf32>
      %add3A = arith.constant 9.99999974E-6 : f32
      %add3A_28 = vector.broadcast %add3A : f32 to vector<1x128xf32>
      %add3A_29 = arith.addf %sub3A_27, %add3A_28 : vector<1x128xf32>
      %rsqrt3A = math.rsqrt %add3A_29 : vector<1x128xf32>
      %get3A_30 = arith.constant 0 : index
      %get3A_31 = arith.constant 0 : index
      %get3A_32 = vector.load %arg5[%get3A_30, %get3A_31] : memref<1x128xf32, #tpu.memory_space<vmem>>, vector<1x128xf32>
      %mul3A_33 = arith.mulf %rsqrt3A, %get3A_32 : vector<1x128xf32>
      %sub3A_34 = vector.broadcast %mul3A_19 : vector<1x128xf32> to vector<1000x128xf32>
      %sub3A_35 = arith.subf %get3A_13, %sub3A_34 : vector<1000x128xf32>
      %mul3A_36 = vector.broadcast %mul3A_33 : vector<1x128xf32> to vector<1000x128xf32>
      %mul3A_37 = arith.mulf %sub3A_35, %mul3A_36 : vector<1000x128xf32>
      %get3A_38 = arith.constant 0 : index
      %get3A_39 = arith.constant 0 : index
      %get3A_40 = vector.load %arg6[%get3A_38, %get3A_39] : memref<1x128xf32, #tpu.memory_space<vmem>>, vector<1x128xf32>
      %add3A_41 = vector.broadcast %get3A_40 : vector<1x128xf32> to vector<1000x128xf32>
      %add3A_42 = arith.addf %mul3A_37, %add3A_41 : vector<1000x128xf32>
      %max3A = arith.constant 0.000000e+00 : f32
      %max3A_43 = vector.broadcast %max3A : f32 to vector<1000x128xf32>
      %max3A_44 = arith.maximumf %add3A_42, %max3A_43 : vector<1000x128xf32>
      %get3A_45 = arith.constant 0 : index
      %get3A_46 = arith.constant 0 : index
      %get3A_47 = vector.load %arg4[%get3A_45, %get3A_46] : memref<1000x128xf32, #tpu.memory_space<vmem>>, vector<1000x128xf32>
      %add3A_48 = arith.addf %max3A_44, %get3A_47 : vector<1000x128xf32>
      %swap3A = arith.constant 0 : index
      %swap3A_49 = arith.constant 0 : index
      %swap3A_50 = vector.load %arg8[%swap3A, %swap3A_49] : memref<1000x128xf32, #tpu.memory_space<vmem>>, vector<1000x128xf32>
      tpu.vector_store %arg8[%swap3A, %swap3A_49], %add3A_48 {strides = array<i32>} : memref<1000x128xf32, #tpu.memory_space<vmem>>, vector<1000x128xf32>,
      %get3A_51 = arith.constant 0 : index
      %get3A_52 = arith.constant 0 : index
      %get3A_53 = vector.load %arg7[%get3A_51, %get3A_52] : memref<128x128xf32, #tpu.memory_space<vmem>>, vector<128x128xf32>
      %dot_general3A = arith.constant dense<0.000000e+00> : vector<1000x128xf32>
      %dot_general3A_54 = tpu.matmul %add3A_48, %get3A_53, %dot_general3A {dimension_numbers = #tpu.dot_dimension_numbers<[1], [0], [0], [1], [0, 0, 1, 1], [], []>, precision = #tpu.contract_precision<fp32>, transpose_lhs_hint = false} : vector<1000x128xf32>, vector<128x128xf32>, vector<1000x128xf32> -> vector<1000x128xf32>
      %get3A_55 = arith.constant 0 : index
      %get3A_56 = arith.constant 0 : index
      %get3A_57 = vector.load %arg3[%get3A_55, %get3A_56] : memref<1000x128xf32, #tpu.memory_space<vmem>>, vector<1000x128xf32>
      %mul3A_58 = arith.mulf %dot_general3A_54, %get3A_57 : vector<1000x128xf32>
      %swap3A_59 = arith.constant 0 : index
      %swap3A_60 = arith.constant 0 : index
      %swap3A_61 = vector.load %arg9[%swap3A_59, %swap3A_60] : memref<1000x128xf32, #tpu.memory_space<vmem>>, vector<1000x128xf32>
      tpu.vector_store %arg9[%swap3A_59, %swap3A_60], %mul3A_58 {strides = array<i32>} : memref<1000x128xf32, #tpu.memory_space<vmem>>, vector<1000x128xf32>,
    } else {
    }
    return
  }
  func.func @transform_0(%arg0: i32) -> (i32, i32, i32) {
    %lt3A = arith.constant 10 : i32
    %lt3A_0 = arith.cmpi slt, %arg0, %lt3A : i32
    %jit3A = arith.constant 9 : i32
    %select_n3A = arith.select %lt3A_0, %arg0, %jit3A : i32
    %c0_i32 = arith.constant 0 : i32
    %c0_i32_1 = arith.constant 0 : i32
    %c0_i32_2 = arith.constant 0 : i32
    return %c0_i32, %select_n3A, %c0_i32_1 : i32, i32, i32
  }
  func.func @transform_1(%arg0: i32) -> (i32, i32) {
    %lt3A = arith.constant 10 : i32
    %lt3A_0 = arith.cmpi slt, %arg0, %lt3A : i32
    %jit3A = arith.constant 9 : i32
    %select_n3A = arith.select %lt3A_0, %arg0, %jit3A : i32
    %c0_i32 = arith.constant 0 : i32
    %c0_i32_1 = arith.constant 0 : i32
    return %select_n3A, %c0_i32 : i32, i32
  }
  func.func @transform_2(%arg0: i32) -> (i32, i32) {
    %lt3A = arith.constant 10 : i32
    %lt3A_0 = arith.cmpi slt, %arg0, %lt3A : i32
    %sub3A = arith.constant 10 : i32
    %sub3A_1 = arith.subi %arg0, %sub3A : i32
    %select_n3A = arith.select %lt3A_0, %arg0, %sub3A_1 : i32
    %c0_i32 = arith.constant 0 : i32
    %c0_i32_2 = arith.constant 0 : i32
    return %select_n3A, %c0_i32 : i32, i32
  }
  func.func @transform_3(%arg0: i32) -> (i32, i32) {
    %lt3A = arith.constant 10 : i32
    %lt3A_0 = arith.cmpi slt, %arg0, %lt3A : i32
    %sub3A = arith.constant 10 : i32
    %sub3A_1 = arith.subi %arg0, %sub3A : i32
    %jit3A = arith.constant 0 : i32
    %select_n3A = arith.select %lt3A_0, %jit3A, %sub3A_1 : i32
    %c0_i32 = arith.constant 0 : i32
    %c0_i32_2 = arith.constant 0 : i32
    return %select_n3A, %c0_i32 : i32, i32
  }
  func.func @transform_4(%arg0: i32) -> (i32, i32) {
    %c0_i32 = arith.constant 0 : i32
    %c0_i32_0 = arith.constant 0 : i32
    %c0_i32_1 = arith.constant 0 : i32
    return %c0_i32, %c0_i32_0 : i32, i32
  }
  func.func @transform_5(%arg0: i32) -> (i32, i32) {
    %c0_i32 = arith.constant 0 : i32
    %c0_i32_0 = arith.constant 0 : i32
    %c0_i32_1 = arith.constant 0 : i32
    return %c0_i32, %c0_i32_0 : i32, i32
  }
  func.func @transform_6(%arg0: i32) -> (i32, i32) {
    %c0_i32 = arith.constant 0 : i32
    %c0_i32_0 = arith.constant 0 : i32
    %c0_i32_1 = arith.constant 0 : i32
    return %c0_i32, %c0_i32_0 : i32, i32
  }
  func.func @transform_7(%arg0: i32) -> (i32, i32) {
    %lt3A = arith.constant 10 : i32
    %lt3A_0 = arith.cmpi slt, %arg0, %lt3A : i32
    %sub3A = arith.constant 10 : i32
    %sub3A_1 = arith.subi %arg0, %sub3A : i32
    %jit3A = arith.constant 0 : i32
    %select_n3A = arith.select %lt3A_0, %jit3A, %sub3A_1 : i32
    %c0_i32 = arith.constant 0 : i32
    %c0_i32_2 = arith.constant 0 : i32
    return %select_n3A, %c0_i32 : i32, i32
  }
  func.func @transform_8(%arg0: i32) -> (i32, i32) {
    %lt3A = arith.constant 10 : i32
    %lt3A_0 = arith.cmpi slt, %arg0, %lt3A : i32
    %sub3A = arith.constant 10 : i32
    %sub3A_1 = arith.subi %arg0, %sub3A : i32
    %jit3A = arith.constant 0 : i32
    %select_n3A = arith.select %lt3A_0, %jit3A, %sub3A_1 : i32
    %c0_i32 = arith.constant 0 : i32
    %c0_i32_2 = arith.constant 0 : i32
    return %select_n3A, %c0_i32 : i32, i32
  }
}

module attributes {stable_mosaic.version = 14 : i64} {
  func.func @_head_body(%arg0: i32, %arg1: memref<2x1000x128xf32, #tpu.memory_space<vmem>>, %arg2: memref<1000x128xf32, #tpu.memory_space<vmem>>, %arg3: memref<1000x128xf32, #tpu.memory_space<vmem>>, %arg4: memref<1000x128xf32, #tpu.memory_space<vmem>>, %arg5: memref<1x128xf32, #tpu.memory_space<vmem>>, %arg6: memref<1x128xf32, #tpu.memory_space<vmem>>, %arg7: memref<128x128xf32, #tpu.memory_space<vmem>>, %arg8: memref<1x128xf32, #tpu.memory_space<vmem>>, %arg9: memref<1000x128xf32, #tpu.memory_space<vmem>>, %arg10: memref<10000x128xf32, #tpu.memory_space<vmem>>, %arg11: memref<8x128xf32, #tpu.memory_space<vmem>>) attributes {dimension_semantics = [#tpu.dimension_semantics<arbitrary>], iteration_bounds = array<i64: 20>, scalar_prefetch = 0 : i64, scratch_operands = 2 : i64, tpu.core_type = #tpu.core_type<tc>, window_params = [{transform_indices = @transform_0, window_bounds = array<i64: 2, 1000, 128>}, {transform_indices = @transform_1, window_bounds = array<i64: 1000, 128>}, {transform_indices = @transform_2, window_bounds = array<i64: 1000, 128>}, {transform_indices = @transform_3, window_bounds = array<i64: 1000, 128>}, {pipeline_mode = #tpu.pipeline_mode<synchronous>, transform_indices = @transform_4, window_bounds = array<i64: 1, 128>}, {pipeline_mode = #tpu.pipeline_mode<synchronous>, transform_indices = @transform_5, window_bounds = array<i64: 1, 128>}, {pipeline_mode = #tpu.pipeline_mode<synchronous>, transform_indices = @transform_6, window_bounds = array<i64: 128, 128>}, {pipeline_mode = #tpu.pipeline_mode<synchronous>, transform_indices = @transform_7, window_bounds = array<i64: 1, 128>}, {transform_indices = @transform_8, window_bounds = array<i64: 1000, 128>}]} {
    %eq3A = arith.constant 0 : i32
    %eq3A_0 = arith.cmpi eq, %arg0, %eq3A : i32
    %convert_element_type3A = arith.extui %eq3A_0 : i1 to i32
    %cond3A = arith.constant 0 : i32
    %cond3A_1 = arith.cmpi ne, %convert_element_type3A, %cond3A : i32
    scf.if %cond3A_1 {
      %broadcast_in_dim3A = arith.constant 0.000000e+00 : f32
      %broadcast_in_dim3A_10 = vector.broadcast %broadcast_in_dim3A : f32 to vector<8x128xf32>
      %swap3A = arith.constant 0 : index
      %swap3A_11 = arith.constant 0 : index
      %swap3A_12 = vector.load %arg11[%swap3A, %swap3A_11] : memref<8x128xf32, #tpu.memory_space<vmem>>, vector<8x128xf32>
      tpu.vector_store %arg11[%swap3A, %swap3A_11], %broadcast_in_dim3A_10 {strides = array<i32>} : memref<8x128xf32, #tpu.memory_space<vmem>>, vector<8x128xf32>,
    } else {
    }
    %lt3A = arith.constant 10 : i32
    %lt3A_2 = arith.cmpi slt, %arg0, %lt3A : i32
    %convert_element_type3A_3 = arith.extui %lt3A_2 : i1 to i32
    %cond3A_4 = arith.constant 0 : i32
    %cond3A_5 = arith.cmpi ne, %convert_element_type3A_3, %cond3A_4 : i32
    scf.if %cond3A_5 {
      %get3A = arith.constant 0 : index
      %get3A_10 = arith.constant 0 : index
      %get3A_11 = vector.load %arg3[%get3A, %get3A_10] : memref<1000x128xf32, #tpu.memory_space<vmem>>, vector<1000x128xf32>
      %get3A_12 = arith.constant 0 : index
      %get3A_13 = arith.constant 0 : index
      %get3A_14 = arith.constant 0 : index
      %get3A_15 = vector.load %arg1[%get3A_12, %get3A_13, %get3A_14] : memref<2x1000x128xf32, #tpu.memory_space<vmem>>, vector<1x1000x128xf32>
      %get3A_16 = vector.shape_cast %get3A_15 : vector<1x1000x128xf32> to vector<1000x128xf32>
      %get3A_17 = arith.constant 1 : index
      %get3A_18 = arith.constant 0 : index
      %get3A_19 = arith.constant 0 : index
      %get3A_20 = vector.load %arg1[%get3A_17, %get3A_18, %get3A_19] : memref<2x1000x128xf32, #tpu.memory_space<vmem>>, vector<1x1000x128xf32>
      %get3A_21 = vector.shape_cast %get3A_20 : vector<1x1000x128xf32> to vector<1000x128xf32>
      %add3A = arith.addf %get3A_16, %get3A_21 : vector<1000x128xf32>
      %get3A_22 = arith.constant 0 : index
      %get3A_23 = arith.constant 0 : index
      %get3A_24 = vector.load %arg2[%get3A_22, %get3A_23] : memref<1000x128xf32, #tpu.memory_space<vmem>>, vector<1000x128xf32>
      %mul3A = arith.constant 2.000000e+00 : f32
      %mul3A_25 = vector.broadcast %mul3A : f32 to vector<1000x128xf32>
      %mul3A_26 = arith.mulf %mul3A_25, %get3A_24 : vector<1000x128xf32>
      %add3A_27 = arith.addf %add3A, %mul3A_26 : vector<1000x128xf32>
      %mul3A_28 = arith.mulf %get3A_11, %add3A_27 : vector<1000x128xf32>
      %mul3A_29 = arith.constant 1000 : i32
      %mul3A_30 = arith.muli %arg0, %mul3A_29 : i32
      %multiple_of3A = tpu.assume_multiple %mul3A_30, 8 : i32
      %swap3A = arith.index_cast %multiple_of3A : i32 to index
      %swap3A_31 = arith.constant 0 : index
      %swap3A_32 = vector.load %arg10[%swap3A, %swap3A_31] : memref<10000x128xf32, #tpu.memory_space<vmem>>, vector<1000x128xf32>
      tpu.vector_store %arg10[%swap3A, %swap3A_31], %mul3A_28 {strides = array<i32>} : memref<10000x128xf32, #tpu.memory_space<vmem>>, vector<1000x128xf32>,
      %get3A_33 = arith.constant 0 : index
      %get3A_34 = arith.constant 0 : index
      %get3A_35 = vector.load %arg11[%get3A_33, %get3A_34] : memref<8x128xf32, #tpu.memory_space<vmem>>, vector<1x128xf32>
      %reduce_sum3A = arith.constant dense<0.000000e+00> : vector<128xf32>
      %reduce_sum3A_36 = vector.multi_reduction <add>, %mul3A_28, %reduce_sum3A [0] : vector<1000x128xf32> to vector<128xf32>
      %broadcast_in_dim3A = vector.shape_cast %reduce_sum3A_36 : vector<128xf32> to vector<1x128xf32>
      %add3A_37 = arith.addf %get3A_35, %broadcast_in_dim3A : vector<1x128xf32>
      %swap3A_38 = arith.constant 0 : index
      %swap3A_39 = arith.constant 0 : index
      %swap3A_40 = vector.load %arg11[%swap3A_38, %swap3A_39] : memref<8x128xf32, #tpu.memory_space<vmem>>, vector<1x128xf32>
      tpu.vector_store %arg11[%swap3A_38, %swap3A_39], %add3A_37 {strides = array<i32>} : memref<8x128xf32, #tpu.memory_space<vmem>>, vector<1x128xf32>,
      %get3A_41 = arith.constant 1 : index
      %get3A_42 = arith.constant 0 : index
      %get3A_43 = vector.load %arg11[%get3A_41, %get3A_42] : memref<8x128xf32, #tpu.memory_space<vmem>>, vector<1x128xf32>
      %mul3A_44 = arith.mulf %mul3A_28, %mul3A_28 : vector<1000x128xf32>
      %reduce_sum3A_45 = arith.constant dense<0.000000e+00> : vector<128xf32>
      %reduce_sum3A_46 = vector.multi_reduction <add>, %mul3A_44, %reduce_sum3A_45 [0] : vector<1000x128xf32> to vector<128xf32>
      %broadcast_in_dim3A_47 = vector.shape_cast %reduce_sum3A_46 : vector<128xf32> to vector<1x128xf32>
      %add3A_48 = arith.addf %get3A_43, %broadcast_in_dim3A_47 : vector<1x128xf32>
      %swap3A_49 = arith.constant 1 : index
      %swap3A_50 = arith.constant 0 : index
      %swap3A_51 = vector.load %arg11[%swap3A_49, %swap3A_50] : memref<8x128xf32, #tpu.memory_space<vmem>>, vector<1x128xf32>
      tpu.vector_store %arg11[%swap3A_49, %swap3A_50], %add3A_48 {strides = array<i32>} : memref<8x128xf32, #tpu.memory_space<vmem>>, vector<1x128xf32>,
    } else {
    }
    %ge3A = arith.constant 10 : i32
    %ge3A_6 = arith.cmpi sge, %arg0, %ge3A : i32
    %convert_element_type3A_7 = arith.extui %ge3A_6 : i1 to i32
    %cond3A_8 = arith.constant 0 : i32
    %cond3A_9 = arith.cmpi ne, %convert_element_type3A_7, %cond3A_8 : i32
    scf.if %cond3A_9 {
      %sub3A = arith.constant 10 : i32
      %sub3A_10 = arith.subi %arg0, %sub3A : i32
      %mul3A = arith.constant 1000 : i32
      %mul3A_11 = arith.muli %sub3A_10, %mul3A : i32
      %multiple_of3A = tpu.assume_multiple %mul3A_11, 8 : i32
      %get3A = arith.index_cast %multiple_of3A : i32 to index
      %get3A_12 = arith.constant 0 : index
      %get3A_13 = vector.load %arg10[%get3A, %get3A_12] : memref<10000x128xf32, #tpu.memory_space<vmem>>, vector<1000x128xf32>
      %get3A_14 = arith.constant 0 : index
      %get3A_15 = arith.constant 0 : index
      %get3A_16 = vector.load %arg11[%get3A_14, %get3A_15] : memref<8x128xf32, #tpu.memory_space<vmem>>, vector<1x128xf32>
      %mul3A_17 = arith.constant 9.99999974E-5 : f32
      %mul3A_18 = vector.broadcast %mul3A_17 : f32 to vector<1x128xf32>
      %mul3A_19 = arith.mulf %get3A_16, %mul3A_18 : vector<1x128xf32>
      %get3A_20 = arith.constant 1 : index
      %get3A_21 = arith.constant 0 : index
      %get3A_22 = vector.load %arg11[%get3A_20, %get3A_21] : memref<8x128xf32, #tpu.memory_space<vmem>>, vector<1x128xf32>
      %mul3A_23 = arith.constant 9.99999974E-5 : f32
      %mul3A_24 = vector.broadcast %mul3A_23 : f32 to vector<1x128xf32>
      %mul3A_25 = arith.mulf %get3A_22, %mul3A_24 : vector<1x128xf32>
      %mul3A_26 = arith.mulf %mul3A_19, %mul3A_19 : vector<1x128xf32>
      %sub3A_27 = arith.subf %mul3A_25, %mul3A_26 : vector<1x128xf32>
      %add3A = arith.constant 9.99999974E-6 : f32
      %add3A_28 = vector.broadcast %add3A : f32 to vector<1x128xf32>
      %add3A_29 = arith.addf %sub3A_27, %add3A_28 : vector<1x128xf32>
      %rsqrt3A = math.rsqrt %add3A_29 : vector<1x128xf32>
      %get3A_30 = arith.constant 0 : index
      %get3A_31 = arith.constant 0 : index
      %get3A_32 = vector.load %arg5[%get3A_30, %get3A_31] : memref<1x128xf32, #tpu.memory_space<vmem>>, vector<1x128xf32>
      %mul3A_33 = arith.mulf %rsqrt3A, %get3A_32 : vector<1x128xf32>
      %sub3A_34 = vector.broadcast %mul3A_19 : vector<1x128xf32> to vector<1000x128xf32>
      %sub3A_35 = arith.subf %get3A_13, %sub3A_34 : vector<1000x128xf32>
      %mul3A_36 = vector.broadcast %mul3A_33 : vector<1x128xf32> to vector<1000x128xf32>
      %mul3A_37 = arith.mulf %sub3A_35, %mul3A_36 : vector<1000x128xf32>
      %get3A_38 = arith.constant 0 : index
      %get3A_39 = arith.constant 0 : index
      %get3A_40 = vector.load %arg6[%get3A_38, %get3A_39] : memref<1x128xf32, #tpu.memory_space<vmem>>, vector<1x128xf32>
      %add3A_41 = vector.broadcast %get3A_40 : vector<1x128xf32> to vector<1000x128xf32>
      %add3A_42 = arith.addf %mul3A_37, %add3A_41 : vector<1000x128xf32>
      %max3A = arith.constant 0.000000e+00 : f32
      %max3A_43 = vector.broadcast %max3A : f32 to vector<1000x128xf32>
      %max3A_44 = arith.maximumf %add3A_42, %max3A_43 : vector<1000x128xf32>
      %get3A_45 = arith.constant 0 : index
      %get3A_46 = arith.constant 0 : index
      %get3A_47 = vector.load %arg4[%get3A_45, %get3A_46] : memref<1000x128xf32, #tpu.memory_space<vmem>>, vector<1000x128xf32>
      %add3A_48 = arith.addf %max3A_44, %get3A_47 : vector<1000x128xf32>
      %get3A_49 = arith.constant 0 : index
      %get3A_50 = arith.constant 0 : index
      %get3A_51 = vector.load %arg7[%get3A_49, %get3A_50] : memref<128x128xf32, #tpu.memory_space<vmem>>, vector<128x128xf32>
      %dot_general3A = arith.constant dense<0.000000e+00> : vector<1000x128xf32>
      %dot_general3A_52 = tpu.matmul %add3A_48, %get3A_51, %dot_general3A {dimension_numbers = #tpu.dot_dimension_numbers<[1], [0], [0], [1], [0, 0, 1, 1], [], []>, precision = #tpu.contract_precision<fp32>, transpose_lhs_hint = false} : vector<1000x128xf32>, vector<128x128xf32>, vector<1000x128xf32> -> vector<1000x128xf32>
      %get3A_53 = arith.constant 0 : index
      %get3A_54 = arith.constant 0 : index
      %get3A_55 = vector.load %arg8[%get3A_53, %get3A_54] : memref<1x128xf32, #tpu.memory_space<vmem>>, vector<1x128xf32>
      %add3A_56 = vector.broadcast %get3A_55 : vector<1x128xf32> to vector<1000x128xf32>
      %add3A_57 = arith.addf %dot_general3A_52, %add3A_56 : vector<1000x128xf32>
      %swap3A = arith.constant 0 : index
      %swap3A_58 = arith.constant 0 : index
      %swap3A_59 = vector.load %arg9[%swap3A, %swap3A_58] : memref<1000x128xf32, #tpu.memory_space<vmem>>, vector<1000x128xf32>
      tpu.vector_store %arg9[%swap3A, %swap3A_58], %add3A_57 {strides = array<i32>} : memref<1000x128xf32, #tpu.memory_space<vmem>>, vector<1000x128xf32>,
    } else {
    }
    return
  }
  func.func @transform_0(%arg0: i32) -> (i32, i32, i32) {
    %lt3A = arith.constant 10 : i32
    %lt3A_0 = arith.cmpi slt, %arg0, %lt3A : i32
    %jit3A = arith.constant 9 : i32
    %select_n3A = arith.select %lt3A_0, %arg0, %jit3A : i32
    %c0_i32 = arith.constant 0 : i32
    %c0_i32_1 = arith.constant 0 : i32
    %c0_i32_2 = arith.constant 0 : i32
    return %c0_i32, %select_n3A, %c0_i32_1 : i32, i32, i32
  }
  func.func @transform_1(%arg0: i32) -> (i32, i32) {
    %lt3A = arith.constant 10 : i32
    %lt3A_0 = arith.cmpi slt, %arg0, %lt3A : i32
    %jit3A = arith.constant 9 : i32
    %select_n3A = arith.select %lt3A_0, %arg0, %jit3A : i32
    %c0_i32 = arith.constant 0 : i32
    %c0_i32_1 = arith.constant 0 : i32
    return %select_n3A, %c0_i32 : i32, i32
  }
  func.func @transform_2(%arg0: i32) -> (i32, i32) {
    %lt3A = arith.constant 10 : i32
    %lt3A_0 = arith.cmpi slt, %arg0, %lt3A : i32
    %sub3A = arith.constant 10 : i32
    %sub3A_1 = arith.subi %arg0, %sub3A : i32
    %select_n3A = arith.select %lt3A_0, %arg0, %sub3A_1 : i32
    %c0_i32 = arith.constant 0 : i32
    %c0_i32_2 = arith.constant 0 : i32
    return %select_n3A, %c0_i32 : i32, i32
  }
  func.func @transform_3(%arg0: i32) -> (i32, i32) {
    %lt3A = arith.constant 10 : i32
    %lt3A_0 = arith.cmpi slt, %arg0, %lt3A : i32
    %sub3A = arith.constant 10 : i32
    %sub3A_1 = arith.subi %arg0, %sub3A : i32
    %jit3A = arith.constant 0 : i32
    %select_n3A = arith.select %lt3A_0, %jit3A, %sub3A_1 : i32
    %c0_i32 = arith.constant 0 : i32
    %c0_i32_2 = arith.constant 0 : i32
    return %select_n3A, %c0_i32 : i32, i32
  }
  func.func @transform_4(%arg0: i32) -> (i32, i32) {
    %c0_i32 = arith.constant 0 : i32
    %c0_i32_0 = arith.constant 0 : i32
    %c0_i32_1 = arith.constant 0 : i32
    return %c0_i32, %c0_i32_0 : i32, i32
  }
  func.func @transform_5(%arg0: i32) -> (i32, i32) {
    %c0_i32 = arith.constant 0 : i32
    %c0_i32_0 = arith.constant 0 : i32
    %c0_i32_1 = arith.constant 0 : i32
    return %c0_i32, %c0_i32_0 : i32, i32
  }
  func.func @transform_6(%arg0: i32) -> (i32, i32) {
    %c0_i32 = arith.constant 0 : i32
    %c0_i32_0 = arith.constant 0 : i32
    %c0_i32_1 = arith.constant 0 : i32
    return %c0_i32, %c0_i32_0 : i32, i32
  }
  func.func @transform_7(%arg0: i32) -> (i32, i32) {
    %c0_i32 = arith.constant 0 : i32
    %c0_i32_0 = arith.constant 0 : i32
    %c0_i32_1 = arith.constant 0 : i32
    return %c0_i32, %c0_i32_0 : i32, i32
  }
  func.func @transform_8(%arg0: i32) -> (i32, i32) {
    %lt3A = arith.constant 10 : i32
    %lt3A_0 = arith.cmpi slt, %arg0, %lt3A : i32
    %sub3A = arith.constant 10 : i32
    %sub3A_1 = arith.subi %arg0, %sub3A : i32
    %jit3A = arith.constant 0 : i32
    %select_n3A = arith.select %lt3A_0, %jit3A, %sub3A_1 : i32
    %c0_i32 = arith.constant 0 : i32
    %c0_i32_2 = arith.constant 0 : i32
    return %select_n3A, %c0_i32 : i32, i32
  }
}

</mosaic_0001>

<sc_bundles>
// kernel: kernel.11.cloned.1.call-start
scs
__scs_entry_jumppad:
0x0: {  	(pc) =	sbr.rel $0x88, $3  }
0x1: {  	(tag) =	ssettag $0x0;
	lr =	simm.s32 $0x1  }
0x2: {  	[smem:$0x3F97] =	sst lr;
	_ =	strace $0xD0000000  }
0x3: {  	_ = 	snop  }
0x4: {  	_ = 	snop  }
0x5: {  	_ = 	snop  }
0x6: {  	_ = 	snop  }
0x7: {  	_ = 	snop  }
__scs_overlays_trampoline_lowered:
0x8: {  	[smem:$0x3FA6] =	sst s0  }
0x9: {  	[smem:$0x3FA7] =	sst s1  }
0xa: {  	[smem:$0x3FA8] =	sst s2  }
0xb: {  	[smem:$0x3FA9] =	sst s3  }
0xc: {  	[smem:$0x3FAA] =	sst s4  }
0xd: {  	[smem:$0x3FAB] =	sst s5  }
0xe: {  	[smem:$0x3FAC] =	sst s6  }
0xf: {  	[smem:$0x3FAD] =	sst s7  }
0x10: {  	[smem:$0x3FAE] =	sst s8  }
0x11: {  	[smem:$0x3FAF] =	sst s9;
	s0 =	simm.s32 @!p0 $0x0  }
0x12: {  	s1 =	sld [smem:$0x3F95];
	s0 =	simm.s32 @p0 $0x1  }
0x13: {  	[smem:$0x3FB0] =	sst s0;
	s0 =	simm.s32 @!p1 $0x0  }
0x14: {  	s2 =	sld [smem:$0x3F94];
	s0 =	simm.s32 @p1 $0x1  }
0x15: {  	[smem:$0x3FB1] =	sst s0;
	s0 =	simm.s32 @!p2 $0x0  }
0x16: {  	s3 =	sld [smem:$0x3FDB];
	s0 =	simm.s32 @p2 $0x1  }
0x17: {  	s4 =	simm.s32 $0x1BF5;
	[smem:$0x3FB3] =	sst s0  }
0x18: {  	s0 =	sld [smem:$0x3F96];
	_ =	swait.ge [sflag:s4], $0x0  }
0x19: {  	s7 =	sld [smem:$0x3F97]  }
0x1a: {  	s8 =	sadd.s32 $0xFFFFE003, lr  }
0x1b: {  	s9 =	sadd.s32 $0xFFFFFEF7, lr;
	s5 =	simm.s32 $0xFFFFFFFF;
	p2 =	slt.u32 s8, $0xFFFFF086  }
0x1c: {  	p1 =	slt.u32 s9, $0xF7A;
	s5 =	simm.s32 @!p2 $0x0  }
0x1d: {  	s5 =	simm.s32 @p1 $0x1;
	p0 =	seq.s32 s7, s2  }
0x1e: {  	s7 =	smul.u32 @!p0 $0xF7A, s2;
	p2 =	seq.s32 @!p0 s5, $0x0  }
0x1f: {  	s9 =	smul.u32 $0xF7A, s1;
	s8 =	simm.s32 @!p0 $0x1BF5;
	p2 =	por !p2, p0  }
0x20: {  	[sflag:s8] =	ssyncset.s32 @!p0 $0xFFFFF086;
	s6 =	sadd.s32 @!p0 s3, s7;
	s7 =	simm.s32 @!p0 $0x108  }
0x21: {  	s3 =	sadd.s32 s3, s9;
	s6 =	sadd.s32 @!p0 $0x88, s6;
	s7 =	simm.s32 @p2 $0x1082  }
0x22: {  	[simem:s7], [sflag:s8] =	dma.local @!p0 [hbm:s6], $0xF7A  }
0x23: {  	s9 =	sor.u32 $0xD0000000, s2;
	s6 =	simm.s32 $0x108;
	_ =	swait.ge @!p0 [sflag:s8], $0x0  }
0x24: {  	s3 =	sadd.s32 $0x88, s3;
	s6 =	simm.s32 @!p1 $0x1082;
	[sflag:s4] =	ssyncset.s32 $0xFFFFF086  }
0x25: {  	[simem:s6], [sflag:s4] =	dma.local [hbm:s3], $0xF7A  }
0x26: {  	[smem:$0x3F97] =	sst s1;
	(tag) =	ssettag s2;
	_ =	strace s9  }
0x27: {  	s1 =	sld [smem:$0x3FA7]  }
0x28: {  	s2 =	sld [smem:$0x3FA8]  }
0x29: {  	s4 =	sld [smem:$0x3FAA]  }
0x2a: {  	p0 =	seq.s32 s5, $0x0;
	s5 =	sld [smem:$0x3FAB]  }
0x2b: {  	s6 =	sld [smem:$0x3FAC]  }
0x2c: {  	s7 =	sld [smem:$0x3FAD]  }
0x2d: {  	s3 =	simm.s32 $0x108;
	s8 =	sld [smem:$0x3FAE]  }
0x2e: {  	s3 =	simm.s32 @!p0 $0x1082;
	s9 =	sld [smem:$0x3FAF]  }
0x2f: {  	lr =	sadd.s32 s0, s3;
	s0 =	sld [smem:$0x3FA6]  }
0x30: {  	s3 =	sld [smem:$0x3FA9]  }
0x31: {  	[smem:$0x3FB2] =	sst s10  }
0x32: {  	s10 =	sld [smem:$0x3FB0];
	_ =	sdelay $0x3  }
0x33: {  	p0 =	seq.s32 s10, $0x1;
	s10 =	sld [smem:$0x3FB2];
	_ =	sdelay $0x3  }
0x34: {  	[smem:$0x3FB2] =	sst s10  }
0x35: {  	s10 =	sld [smem:$0x3FB1];
	_ =	sdelay $0x3  }
0x36: {  	p1 =	seq.s32 s10, $0x1;
	s10 =	sld [smem:$0x3FB2];
	_ =	sdelay $0x3  }
0x37: {  	[smem:$0x3FB2] =	sst s10  }
0x38: {  	s10 =	sld [smem:$0x3FB3]  }
0x39: {  	_ = 	snop;
	(pc) =	sbr.ind lr, $3  }
0x3a: {  	_ = 	snop  }
0x3b: {  	_ = 	snop  }
0x3c: {  	p2 =	seq.s32 s10, $0x1;
	s10 =	sld [smem:$0x3FB2]  }
0x3d: {  	_ =	shalt  }
0x3e: {  	_ =	shalt  }
0x3f: {  	_ =	shalt  }
0x40: {  	_ =	shalt  }
0x41: {  	_ =	shalt  }
0x42: {  	_ =	shalt  }
0x43: {  	_ =	shalt  }
0x44: {  	_ =	shalt  }
0x45: {  	_ =	shalt  }
0x46: {  	_ =	shalt  }
0x47: {  	_ =	shalt  }
0x48: {  	_ =	shalt  }
0x49: {  	_ =	shalt  }
0x4a: {  	_ =	shalt  }
0x4b: {  	_ =	shalt  }
0x4c: {  	_ =	shalt  }
0x4d: {  	_ =	shalt  }
0x4e: {  	_ =	shalt  }
0x4f: {  	_ =	shalt  }
0x50: {  	_ =	shalt  }
0x51: {  	_ =	shalt  }
0x52: {  	_ =	shalt  }
0x53: {  	_ =	shalt  }
0x54: {  	_ =	shalt  }
0x55: {  	_ =	shalt  }
0x56: {  	_ =	shalt  }
0x57: {  	_ =	shalt  }
0x58: {  	_ =	shalt  }
0x59: {  	_ =	shalt  }
0x5a: {  	_ =	shalt  }
0x5b: {  	_ =	shalt  }
0x5c: {  	_ =	shalt  }
0x5d: {  	_ =	shalt  }
0x5e: {  	_ =	shalt  }
0x5f: {  	_ =	shalt  }
0x60: {  	_ =	shalt  }
0x61: {  	_ =	shalt  }
0x62: {  	_ =	shalt  }
0x63: {  	_ =	shalt  }
0x64: {  	_ =	shalt  }
0x65: {  	_ =	shalt  }
0x66: {  	_ =	shalt  }
0x67: {  	_ =	shalt  }
0x68: {  	_ =	shalt  }
0x69: {  	_ =	shalt  }
0x6a: {  	_ =	shalt  }
0x6b: {  	_ =	shalt  }
0x6c: {  	_ =	shalt  }
0x6d: {  	_ =	shalt  }
0x6e: {  	_ =	shalt  }
0x6f: {  	_ =	shalt  }
0x70: {  	_ =	shalt  }
0x71: {  	_ =	shalt  }
0x72: {  	_ =	shalt  }
0x73: {  	_ =	shalt  }
0x74: {  	_ =	shalt  }
0x75: {  	_ =	shalt  }
0x76: {  	_ =	shalt  }
0x77: {  	_ =	shalt  }
0x78: {  	_ =	shalt  }
0x79: {  	_ =	shalt  }
0x7a: {  	_ =	shalt  }
0x7b: {  	_ =	shalt  }
0x7c: {  	_ =	shalt  }
0x7d: {  	_ =	shalt  }
0x7e: {  	_ =	shalt  }
0x7f: {  	_ =	shalt  }
0x80: {  	_ =	shalt  }
0x81: {  	_ =	shalt  }
0x82: {  	_ =	shalt  }
0x83: {  	_ =	shalt  }
0x84: {  	_ =	shalt  }
0x85: {  	_ =	shalt  }
0x86: {  	_ =	shalt  }
0x87: {  	_ =	shalt  }
.Lfunc_end0:
.L_simem_size_0:
called_computation.1_lowered:
.L_overlay_start_0:
0x88: {  	s2 =	sld [smem:$0x3FD9]  }
0x89: {  	s3 =	sld [smem:$0x3FFE];
	_ =	sdelay $0x1  }
0x8a: {  	s1 =	srdreg.scid  }
0x8b: {  	s0 =	sand.u32 $0x1, s1  }
0x8c: {  	s17 =	sshll.u32 s0, $0xA;
	s2 =	sadd.s32 s3, s2  }
0x8d: {  	s2 =	sadd.s32 s2, s17  }
0x8e: {  	[smem:$0x3FBE] =	sst s2  }
0x8f: {  	_ = 	snop  }
0x90: {  	s2 =	sld [smem:$0x3FD0];
	(tm) =	ssettm $0x1  }
0x91: {  	s18 =	sld [smem:$0x3FFB];
	_ =	sdelay $0x3  }
0x92: {  	_ =	strace s18  }
0x93: {  	s3 =	sld [smem:$0x3FFC];
	_ =	sdelay $0x3  }
0x94: {  	_ =	strace s3  }
0x95: {  	s3 =	sld [smem:$0x3FFD];
	_ =	sdelay $0x3  }
0x96: {  	_ =	strace s3  }
0x97: {  	_ =	strace $0x8FFFFFFF  }
0x98: {  	s19 =	sld [smem:$0x3FDB];
	_ =	sdelay $0x1  }
0x99: {  	s4 =	simm.s32 $_scs_section_size  }
0x9a: {  	s5 =	simm.s32 $_size__tile_overlayer_lowered;
	s6 =	simm.s32 $_tile_overlayer_lowered  }
0x9b: {  	s22 =	simm.s32 $0x1BFF;
	s21 =	sshll.u32 s6, $0x1;
	s3 =	sadd.s32 s4, s19  }
0x9c: {  	s7 =	simm.s32 $0x0;
	s20 =	sshll.u32 s5, $0x1;
	s5 =	sadd.s32 s21, s3  }
0x9d: {  	[timem:s7], [sflag:s22] =	dma.local [hbm:s5], s20  }
0x9e: {  	_ =	swait.ge [sflag:s22], s20  }
0x9f: {  	s4 =	ssub.s32 $0x0, s20;
	[sflag:s22] =	ssyncset.done $0x0  }
0xa0: {  	[sflag:s22] =	ssyncadd.s32 s4;
	_ =	sdelay $0x1  }
0xa1: {  	s23 =	simm.s32 $0x1B8B  }
0xa2: {  	_ =	swait.ge [sflag:s23], $0x1  }
0xa3: {  	[sflag:s23] =	ssyncset.done $0x0  }
0xa4: {  	s25 =	simm.s32 $0x1B8E;
	s24 =	sld [smem:$0x3FFE];
	[sflag:s23] =	ssyncadd.s32 $0xFFFFFFFF  }
0xa5: {  	s26 =	simm.s32 $execute0_lowered;
	[smem:$0x3FD2] =	sst s25  }
0xa6: {  	s5 =	sshll.u32 s26, $0x1;
	_ =	strace $0x80000049;
	[dreg:$0x1] =	wrdreg $0xFFFFFFFF  }
0xa7: {  	s28 =	simm.s32 $_size_execute0_lowered;
	s3 =	sadd.s32 s3, s5;
	[dreg:$0x0] =	wrdreg $0x0  }
0xa8: {  	s5 =	sshll.u32 s28, $0x1;
	[dreg:$0x2] =	wrdreg s3  }
0xa9: {  	[dreg:$0x3] =	wrdreg s5  }
0xaa: {  	[dreg:$0x4] =	wrdreg $0xC0  }
0xab: {  	_ =	task [dreg:s7], $0x5FFFF  }
0xac: {  	[dreg:$0x1] =	wrdreg $0xFFFFFFFF  }
0xad: {  	[dreg:$0x0] =	wrdreg $0x60  }
0xae: {  	[dreg:$0x2] =	wrdreg s2  }
0xaf: {  	[dreg:$0x3] =	wrdreg s24  }
0xb0: {  	[dreg:$0x4] =	wrdreg $0xA8000  }
0xb1: {  	[dreg:$0x5] =	wrdreg $0x9  }
0xb2: {  	_ =	task.clear_ibuf [dreg:s7], $0x6FFFF;
	_ =	strace $0x90000049  }
0xb3: {  	s29 =	simm.s32 $0x9;
	_ =	strace $0x8000004B  }
0xb4: {  	_ =	swait.ge [sflag:s29], $0x1  }
0xb5: {  	[sflag:s29] =	ssyncadd.s32 $0xFFFFFFFF  }
0xb6: {  	_ =	strace $0x9000004B  }
0xb7: {  	_ =	sfence  }
0xb8: {  	s30 =	sld [smem:$0x0];
	_ =	sdelay $0x2  }
0xb9: {  	s31 =	sshll.u32 s1, $0xD;
	s1 =	sshrl.u32 s1, $0x2  }
0xba: {  	s3 =	sand.u32 $0x4000, s31;
	s1 =	sadd.s32 s1, s30  }
0xbb: {  	s0 =	sor.u32 s3, s0;
	s1 =	sshll.u32 s1, $0x11  }
0xbc: {  	s0 =	sor.u32 s1, s0  }
0xbd: {  	s0 =	sadd.s32 $0x8F2B, s0  }
0xbe: {  	[sflag:s0] =	ssyncadd.remote.s32 $0x1  }
0xbf: {  	_ =	sfence.sel $0xFFFF  }
0xc0: {  	[dreg:$0x0] =	wrdreg $0xFFFFFFFF;
	(pc) =	sbr.abs _section_cstart, $3  }
0xc1: {  	[dreg:$0x1] =	wrdreg $0xFFFFFFFF  }
0xc2: {  	_ =	task.clear_ibuf [dreg:s7], $0x2FFFF;
	_ =	strace $0x9FFFFFFF  }
0xc3: {  	(tm) =	ssettm $0x7FFFFFFF  }
tec
execute0_lowered:
.L_overlay_start_1:
0x0: {  	(tag) =	ssettag $0x1  }
0x1: {  	s1 =	rddreg [dreg:$0x0]  }
0x2: {  	s0 =	rddreg [dreg:$0x1]  }
0x3: {  	s2 =	rddreg [dreg:$0x2]  }
0x4: {  	s3 =	simm.s32 $0x0;
	s4 =	stileid.u32;
	s5 =	srdreg.scid  }
0x5: {  	s16 =	simm.s32 $0x5;
	s18 =	simm.s32 $0x6;
	s20 =	simm.s32 $0x1400  }
0x6: {  	s28 =	simm.s32 $0x2;
	s29 =	simm.s32 $0x4;
	s30 =	simm.s32 $0x2700  }
0x7: {  	s31 =	simm.s32 $0x2780;
	[smem:$0x7FF] =	sst s3;
	s8 =	smul.u32 $0x2700, s4  }
0x8: {  	s5 =	sand.u32 $0x1, s5;
	s6 =	sadd.s32 $0x51E00, s0;
	s10 =	smul.u32 $0x4E000, s4  }
0x9: {  	s17 =	sadd.s32 $0x138000, s2;
	p0 =	sne.s32 s4, $0x0;
	_ =	strace $0x8000004A  }
0xa: {  	s7 =	smul.u32 $0x27100, s5;
	s9 =	ssub.s32 $0x2, s5;
	s5 =	sshll.u32 s5, $0x4  }
0xb: {  	s17 =	sshrl.u32 @!p0 s17, $0x3;
	[dreg:$0x4] =	wrdreg s8;
	s8 =	sadd.s32 s8, s0  }
0xc: {  	s21 =	sshrl.u32 s9, $0x1;
	s22 =	sor.u32 s4, s5;
	s23 =	sshrl.u32 s10, $0x2  }
0xd: {  	s5 =	sshll.u32 s4, $0x6;
	s10 =	sadd.s32 $0x5BE00, s0;
	s13 =	sadd.s32 s7, s0  }
0xe: {  	s14 =	ssub.s32 s9, s21;
	s15 =	sadd.s32 s23, s2;
	s24 =	smul.u32 $0x2800, s22  }
0xf: {  	s25 =	sadd.s32 $0x2E00, s8;
	s26 =	sor.u32 $0x1C05, s5;
	s19 =	smul.u32 $0x500, s22  }
0x10: {  	s8 =	sadd.s32 $0x29E00, s0;
	s21 =	simm.s32 $0x7D;
	s22 =	simm.s32 $0x2800  }
0x11: {  	s23 =	simm.s32 $0x80;
	s0 =	simm.s32 $0x0;
	[dreg:$0x5] =	wrdreg s25  }
0x12: {  	[dreg:$0x6] =	wrdreg s26;
	s13 =	sadd.s32 $0x65E00, s13;
	s14 =	smax.u32 s14, $0x1  }
0x13: {  	s15 =	sshrl.u32 s15, $0x3;
	s25 =	simm.s32 $0x1;
	s11 =	sshrl.u32 s24, $0x3  }
0x14: {  	s26 =	simm.s32 $0x3;
	s9 =	sadd.s32 s6, s19;
	s11 =	sadd.s32 $0x280, s11  }
0x15: {  	s19 =	sadd.s32 s19, s10;
	s24 =	simm.s32 $0x6800;
	s12 =	sadd.s32 s6, s11  }
.LBB2_1:
0x16: {  	s4 =	rddreg [dreg:$0x5]  }
0x17: {  	s6 =	rddreg [dreg:$0x6]  }
0x18: {  	[spmem:s15], [sflag:s6] =	dma.local [hbm:s4], $0x2700  }
0x19: {  	_ =	swait.ge [sflag:s16], $0x2700  }
0x1a: {  	[sflag:s16] =	ssyncset.done $0x0  }
0x1b: {  	s4 =	simm.s32 @!p0 $0x1C06;
	[sflag:s16] =	ssyncadd.s32 $0xFFFFD900  }
0x1c: {  	[spmem:s17], [sflag:s4] =	dma.local @!p0 [hbm:s8], $0x100  }
0x1d: {  	s4 =	simm.s32 @!p0 $0x6  }
0x1e: {  	_ =	swait.ge @!p0 [sflag:s4], $0x100  }
0x1f: {  	[sflag:s4] =	ssyncset.done @!p0 $0x0  }
0x20: {  	[sflag:s4] =	ssyncadd.s32 @!p0 $0xFFFFFF00  }
0x21: {  	[bflag:$0x0] =	sbarrier.arrive $0xFFFF  }
0x22: {  	[tilespmem:s3], [sflag:$0x6] =	stream.linear.gather [hbm4b:s9+s3], $0x1400, $0x38;
	[tilespmem:$0x1E080] =	vst v63  }
0x23: {  	_ =	swait.ge [sflag:s18], $0x1400  }
0x24: {  	[sflag:s18] =	ssyncset.done $0x0  }
0x25: {  	[sflag:s18] =	ssyncadd.s32 $0xFFFFEC00  }
0x26: {  	[tilespmem:s20], [sflag:$0x6] =	stream.linear.gather [hbm4b:s19+s3], $0x1400, $0x38;
	[tilespmem:$0x1E080] =	vst v63  }
0x27: {  	_ =	swait.ge [sflag:s18], $0x1400  }
0x28: {  	[sflag:s18] =	ssyncset.done $0x0  }
0x29: {  	[sflag:s18] =	ssyncadd.s32 $0xFFFFEC00  }
0x2a: {  	[tilespmem:s22], [sflag:$0x1] =	stream.indirect.gather [hbm4b:s1+s21], $0x80, s3, s21, $0xb8;
	[tilespmem:$0x1E080] =	vst v63  }
0x2b: {  	_ = 	snop  }
0x2c: {  	[tilespmem:s24], [sflag:$0x2] =	stream.indirect.gather [hbm4b:s1+s21], $0x80, s23, s21, $0xb8;
	[tilespmem:$0x1E080] =	vst v63  }
0x2d: {  	_ =	swait.ge [sflag:s25], $0x3E80  }
0x2e: {  	[sflag:s25] =	ssyncset.done $0x0  }
0x2f: {  	s7 =	simm.s32 $0x1400;
	[sflag:s25] =	ssyncadd.s32 $0xFFFFC180  }
0x30: {  	[spmem:s2] =	stream.indirect.scatter.add.f32 [tilespmem:s22], [sflag:$0x3], $0x80, s7, s21, $0xb8;
	[tilespmem:$0x1E080] =	vst v63  }
0x31: {  	_ =	swait.ge [sflag:s26], $0x3E80  }
0x32: {  	[sflag:s26] =	ssyncset.done $0x0  }
0x33: {  	s6 =	simm.s32 $0x100;
	[sflag:s26] =	ssyncadd.s32 $0xFFFFC180  }
0x34: {  	[tilespmem:s22], [sflag:$0x1] =	stream.indirect.gather [hbm4b:s1+s21], $0x80, s6, s21, $0xb8;
	[tilespmem:$0x1E080] =	vst v63  }
0x35: {  	_ =	swait.ge [sflag:s28], $0x3E80  }
0x36: {  	[sflag:s28] =	ssyncset.done $0x0  }
0x37: {  	s7 =	simm.s32 $0x1480;
	[sflag:s28] =	ssyncadd.s32 $0xFFFFC180  }
0x38: {  	[spmem:s2] =	stream.indirect.scatter.add.f32 [tilespmem:s24], [sflag:$0x4], $0x80, s7, s21, $0xb8;
	[tilespmem:$0x1E080] =	vst v63  }
0x39: {  	_ =	swait.ge [sflag:s29], $0x3E80  }
0x3a: {  	[sflag:s29] =	ssyncset.done $0x0  }
0x3b: {  	s4 =	simm.s32 $0x400;
	s6 =	simm.s32 $0x180;
	[sflag:s29] =	ssyncadd.s32 $0xFFFFC180  }
.LBB2_2:
0x3c: {  	[tilespmem:s24], [sflag:$0x2] =	stream.indirect.gather [hbm4b:s1+s21], $0x80, s6, s21, $0xb8;
	[tilespmem:$0x1E080] =	vst v63  }
0x3d: {  	s6 =	smov.u32 s4  }
0x3e: {  	p1 =	sne.s32 s4, $0x4800;
	s4 =	sadd.s32 $0x400, s4;
	_ =	swait.ge [sflag:s25], $0x3E80  }
0x3f: {  	s6 =	sshra.s32 s6, $0x2;
	[sflag:s25] =	ssyncset.done $0x0  }
0x40: {  	s7 =	sadd.s32 $0x1400, s6;
	[sflag:s25] =	ssyncadd.s32 $0xFFFFC180  }
0x41: {  	[spmem:s2] =	stream.indirect.scatter.add.f32 [tilespmem:s22], [sflag:$0x3], $0x80, s7, s21, $0xb8;
	[tilespmem:$0x1E080] =	vst v63  }
0x42: {  	_ =	swait.ge [sflag:s26], $0x3E80  }
0x43: {  	[sflag:s26] =	ssyncset.done $0x0  }
0x44: {  	s7 =	sadd.s32 $0x100, s6;
	[sflag:s26] =	ssyncadd.s32 $0xFFFFC180  }
0x45: {  	[tilespmem:s22], [sflag:$0x1] =	stream.indirect.gather [hbm4b:s1+s21], $0x80, s7, s21, $0xb8;
	[tilespmem:$0x1E080] =	vst v63  }
0x46: {  	_ =	swait.ge [sflag:s28], $0x3E80  }
0x47: {  	[sflag:s28] =	ssyncset.done $0x0  }
.Ltmp0:
0x48: {  	s7 =	sadd.s32 $0x1480, s6;
	[sflag:s28] =	ssyncadd.s32 $0xFFFFC180;
	(pc) =	sbr.rel @p1 .LBB2_2-.Ltmp0, $4  }
0x49: {  	[spmem:s2] =	stream.indirect.scatter.add.f32 [tilespmem:s24], [sflag:$0x4], $0x80, s7, s21, $0xb8;
	[tilespmem:$0x1E080] =	vst v63  }
0x4a: {  	_ =	swait.ge [sflag:s29], $0x3E80  }
0x4b: {  	[sflag:s29] =	ssyncset.done $0x0  }
0x4c: {  	s6 =	sadd.s32 $0x180, s6;
	[sflag:s29] =	ssyncadd.s32 $0xFFFFC180  }
0x4d: {  	[tilespmem:s24], [sflag:$0x2] =	stream.indirect.gather [hbm4b:s1+s21], $0x80, s6, s21, $0xb8;
	[tilespmem:$0x1E080] =	vst v63  }
0x4e: {  	_ =	swait.ge [sflag:s25], $0x3E80  }
0x4f: {  	[sflag:s25] =	ssyncset.done $0x0  }
0x50: {  	[sflag:s25] =	ssyncadd.s32 $0xFFFFC180  }
0x51: {  	[spmem:s2] =	stream.indirect.scatter.add.f32 [tilespmem:s22], [sflag:$0x3], $0x80, s30, s21, $0xb8;
	[tilespmem:$0x1E080] =	vst v63  }
0x52: {  	_ =	swait.ge [sflag:s26], $0x3E80  }
0x53: {  	[sflag:s26] =	ssyncset.done $0x0  }
0x54: {  	[sflag:s26] =	ssyncadd.s32 $0xFFFFC180  }
0x55: {  	_ =	swait.ge [sflag:s28], $0x3E80  }
0x56: {  	[sflag:s28] =	ssyncset.done $0x0  }
0x57: {  	[sflag:s28] =	ssyncadd.s32 $0xFFFFC180  }
0x58: {  	[spmem:s2] =	stream.indirect.scatter.add.f32 [tilespmem:s24], [sflag:$0x4], $0x80, s31, s21, $0xb8;
	[tilespmem:$0x1E080] =	vst v63  }
0x59: {  	_ =	swait.ge [sflag:s29], $0x3E80  }
0x5a: {  	[sflag:s29] =	ssyncset.done $0x0  }
0x5b: {  	s4 =	simm.s32 $0x0;
	[sflag:s29] =	ssyncadd.s32 $0xFFFFC180  }
0x5c: {  	[tilespmem:s4], [sflag:$0x6] =	stream.linear.gather [hbm4b:s12+s4], $0x1400, $0x38;
	[tilespmem:$0x1E080] =	vst v63  }
0x5d: {  	_ =	swait.ge [sflag:s18], $0x1400  }
0x5e: {  	[sflag:s18] =	ssyncset.done $0x0  }
0x5f: {  	s7 =	sadd.s32 s11, s10;
	[sflag:s18] =	ssyncadd.s32 $0xFFFFEC00  }
0x60: {  	[tilespmem:s20], [sflag:$0x6] =	stream.linear.gather [hbm4b:s7+s4], $0x1400, $0x38;
	[tilespmem:$0x1E080] =	vst v63  }
0x61: {  	_ =	swait.ge [sflag:s18], $0x1400  }
0x62: {  	[sflag:s18] =	ssyncset.done $0x0  }
0x63: {  	[sflag:s18] =	ssyncadd.s32 $0xFFFFEC00  }
0x64: {  	[tilespmem:s22], [sflag:$0x1] =	stream.indirect.gather [hbm4b:s1+s21], $0x80, s4, s21, $0xb8;
	[tilespmem:$0x1E080] =	vst v63  }
0x65: {  	_ = 	snop  }
0x66: {  	[tilespmem:s24], [sflag:$0x2] =	stream.indirect.gather [hbm4b:s1+s21], $0x80, s23, s21, $0xb8;
	[tilespmem:$0x1E080] =	vst v63  }
0x67: {  	_ =	swait.ge [sflag:s25], $0x3E80  }
0x68: {  	[sflag:s25] =	ssyncset.done $0x0  }
0x69: {  	s7 =	simm.s32 $0x1400;
	[sflag:s25] =	ssyncadd.s32 $0xFFFFC180  }
0x6a: {  	[spmem:s2] =	stream.indirect.scatter.add.f32 [tilespmem:s22], [sflag:$0x3], $0x80, s7, s21, $0xb8;
	[tilespmem:$0x1E080] =	vst v63  }
0x6b: {  	_ =	swait.ge [sflag:s26], $0x3E80  }
0x6c: {  	[sflag:s26] =	ssyncset.done $0x0  }
0x6d: {  	s6 =	simm.s32 $0x100;
	[sflag:s26] =	ssyncadd.s32 $0xFFFFC180  }
0x6e: {  	[tilespmem:s22], [sflag:$0x1] =	stream.indirect.gather [hbm4b:s1+s21], $0x80, s6, s21, $0xb8;
	[tilespmem:$0x1E080] =	vst v63  }
0x6f: {  	_ =	swait.ge [sflag:s28], $0x3E80  }
0x70: {  	[sflag:s28] =	ssyncset.done $0x0  }
0x71: {  	s7 =	simm.s32 $0x1480;
	[sflag:s28] =	ssyncadd.s32 $0xFFFFC180  }
0x72: {  	[spmem:s2] =	stream.indirect.scatter.add.f32 [tilespmem:s24], [sflag:$0x4], $0x80, s7, s21, $0xb8;
	[tilespmem:$0x1E080] =	vst v63  }
0x73: {  	_ =	swait.ge [sflag:s29], $0x3E80  }
0x74: {  	[sflag:s29] =	ssyncset.done $0x0  }
0x75: {  	s4 =	simm.s32 $0x400;
	s6 =	simm.s32 $0x180;
	[sflag:s29] =	ssyncadd.s32 $0xFFFFC180  }
.LBB2_4:
0x76: {  	[tilespmem:s24], [sflag:$0x2] =	stream.indirect.gather [hbm4b:s1+s21], $0x80, s6, s21, $0xb8;
	[tilespmem:$0x1E080] =	vst v63  }
0x77: {  	s6 =	smov.u32 s4  }
0x78: {  	p1 =	sne.s32 s4, $0x4800;
	s4 =	sadd.s32 $0x400, s4;
	_ =	swait.ge [sflag:s25], $0x3E80  }
0x79: {  	s6 =	sshra.s32 s6, $0x2;
	[sflag:s25] =	ssyncset.done $0x0  }
0x7a: {  	s7 =	sadd.s32 $0x1400, s6;
	[sflag:s25] =	ssyncadd.s32 $0xFFFFC180  }
0x7b: {  	[spmem:s2] =	stream.indirect.scatter.add.f32 [tilespmem:s22], [sflag:$0x3], $0x80, s7, s21, $0xb8;
	[tilespmem:$0x1E080] =	vst v63  }
0x7c: {  	_ =	swait.ge [sflag:s26], $0x3E80  }
0x7d: {  	[sflag:s26] =	ssyncset.done $0x0  }
0x7e: {  	s7 =	sadd.s32 $0x100, s6;
	[sflag:s26] =	ssyncadd.s32 $0xFFFFC180  }
0x7f: {  	[tilespmem:s22], [sflag:$0x1] =	stream.indirect.gather [hbm4b:s1+s21], $0x80, s7, s21, $0xb8;
	[tilespmem:$0x1E080] =	vst v63  }
0x80: {  	_ =	swait.ge [sflag:s28], $0x3E80  }
0x81: {  	[sflag:s28] =	ssyncset.done $0x0  }
.Ltmp1:
0x82: {  	s7 =	sadd.s32 $0x1480, s6;
	[sflag:s28] =	ssyncadd.s32 $0xFFFFC180;
	(pc) =	sbr.rel @p1 .LBB2_4-.Ltmp1, $4  }
0x83: {  	[spmem:s2] =	stream.indirect.scatter.add.f32 [tilespmem:s24], [sflag:$0x4], $0x80, s7, s21, $0xb8;
	[tilespmem:$0x1E080] =	vst v63  }
0x84: {  	_ =	swait.ge [sflag:s29], $0x3E80  }
0x85: {  	[sflag:s29] =	ssyncset.done $0x0  }
0x86: {  	s6 =	sadd.s32 $0x180, s6;
	[sflag:s29] =	ssyncadd.s32 $0xFFFFC180  }
0x87: {  	[tilespmem:s24], [sflag:$0x2] =	stream.indirect.gather [hbm4b:s1+s21], $0x80, s6, s21, $0xb8;
	[tilespmem:$0x1E080] =	vst v63  }
0x88: {  	_ =	swait.ge [sflag:s25], $0x3E80  }
0x89: {  	[sflag:s25] =	ssyncset.done $0x0  }
0x8a: {  	[sflag:s25] =	ssyncadd.s32 $0xFFFFC180  }
0x8b: {  	[spmem:s2] =	stream.indirect.scatter.add.f32 [tilespmem:s22], [sflag:$0x3], $0x80, s30, s21, $0xb8;
	[tilespmem:$0x1E080] =	vst v63  }
0x8c: {  	_ =	swait.ge [sflag:s26], $0x3E80  }
0x8d: {  	[sflag:s26] =	ssyncset.done $0x0  }
0x8e: {  	[sflag:s26] =	ssyncadd.s32 $0xFFFFC180  }
0x8f: {  	_ =	swait.ge [sflag:s28], $0x3E80  }
0x90: {  	[sflag:s28] =	ssyncset.done $0x0  }
0x91: {  	[sflag:s28] =	ssyncadd.s32 $0xFFFFC180  }
0x92: {  	[spmem:s2] =	stream.indirect.scatter.add.f32 [tilespmem:s24], [sflag:$0x4], $0x80, s31, s21, $0xb8;
	[tilespmem:$0x1E080] =	vst v63  }
0x93: {  	_ =	swait.ge [sflag:s29], $0x3E80  }
0x94: {  	[sflag:s29] =	ssyncset.done $0x0  }
0x95: {  	[sflag:s29] =	ssyncadd.s32 $0xFFFFC180  }
0x96: {  	[bflag:$0x0] =	sbarrier.arrive $0xFFFF  }
0x97: {  	s4 =	rddreg [dreg:$0x4]  }
0x98: {  	s6 =	sor.u32 $0x1C06, s5;
	s4 =	sadd.s32 s4, s13  }
0x99: {  	[hbm:s4], [sflag:s6] =	dma.local [spmem:s15], $0x2700  }
0x9a: {  	_ =	swait.ge [sflag:s18], $0x2700  }
0x9b: {  	s0 =	sadd.s32 $0x1, s0;
	[sflag:s18] =	ssyncset.done $0x0  }
0x9c: {  	p1 =	sne.s32 s0, s14;
	s4 =	sadd.s32 @!p0 $0x27000, s13;
	[sflag:s18] =	ssyncadd.s32 $0xFFFFD900  }
0x9d: {  	[hbm:s4], [sflag:s6] =	dma.local @!p0 [spmem:s17], $0x100  }
.Ltmp2:
0x9e: {  	_ = 	snop;
	(pc) =	sbr.rel @p1 .LBB2_1-.Ltmp2, $4  }
0x9f: {  	s4 =	simm.s32 @!p0 $0x6  }
0xa0: {  	_ =	swait.ge @!p0 [sflag:s4], $0x100  }
0xa1: {  	[sflag:s4] =	ssyncset.done @!p0 $0x0  }
0xa2: {  	[sflag:s4] =	ssyncadd.s32 @!p0 $0xFFFFFF00  }
0xa3: {  	_ =	sfence.sel $0x180000  }
0xa4: {  	[bflag:$0x0] =	sbarrier.arrive $0xFFFF  }
0xa5: {  	_ =	strace $0x9000004A  }
0xa6: {  	[bflag:$0x2] =	sbarrier.arrive $0xFFFF  }
0xa7: {  	s0 =	rddreg [dreg:$0x3]  }
0xa8: {  	s0 =	sadd.s32 @!p0 $0x100000, s0  }
0xa9: {  	[sflag:s0] =	ssyncadd.tile.s32 @!p0 $0x1;
	_ =	shalt  }
.Lfunc_end2:
_tile_overlayer_lowered:
.L_overlay_start_2:
0xaa: {  	(tag) =	ssettag $0x2  }
0xab: {  	s0 =	rddreg [dreg:$0x0];
	s2 =	stileid.u32  }
0xac: {  	s1 =	rddreg [dreg:$0x1];
	p0 =	sne.s32 s2, $0x0  }
0xad: {  	s3 =	rddreg [dreg:$0x2];
	[bflag:$0x3] =	sbarrier.arrive $0xFFFF;
	s2 =	simm.s32 @!p0 $0x1C06  }
0xae: {  	[timem:s3], [sflag:s2] =	dma.local @!p0 [hbm:s0], s1  }
0xaf: {  	s0 =	simm.s32 @!p0 $0x6  }
0xb0: {  	_ =	swait.ge @!p0 [sflag:s0], s1  }
0xb1: {  	s1 =	ssub.s32 @!p0 $0x0, s1;
	[sflag:s0] =	ssyncset.done @!p0 $0x0  }
0xb2: {  	[sflag:s0] =	ssyncadd.s32 @!p0 s1  }
0xb3: {  	[bflag:$0x3] =	sbarrier.arrive $0xFFFF  }
0xb4: {  	_ =	shalt  }

// kernel: kernel.14.cloned.1.call-start
scs
__scs_entry_jumppad:
0x0: {  	(pc) =	sbr.rel $0x88, $3  }
0x1: {  	(tag) =	ssettag $0x0;
	lr =	simm.s32 $0x1  }
0x2: {  	[smem:$0x3F97] =	sst lr;
	_ =	strace $0xD0000000  }
0x3: {  	_ = 	snop  }
0x4: {  	_ = 	snop  }
0x5: {  	_ = 	snop  }
0x6: {  	_ = 	snop  }
0x7: {  	_ = 	snop  }
__scs_overlays_trampoline_lowered:
0x8: {  	[smem:$0x3FA6] =	sst s0  }
0x9: {  	[smem:$0x3FA7] =	sst s1  }
0xa: {  	[smem:$0x3FA8] =	sst s2  }
0xb: {  	[smem:$0x3FA9] =	sst s3  }
0xc: {  	[smem:$0x3FAA] =	sst s4  }
0xd: {  	[smem:$0x3FAB] =	sst s5  }
0xe: {  	[smem:$0x3FAC] =	sst s6  }
0xf: {  	[smem:$0x3FAD] =	sst s7  }
0x10: {  	[smem:$0x3FAE] =	sst s8  }
0x11: {  	[smem:$0x3FAF] =	sst s9;
	s0 =	simm.s32 @!p0 $0x0  }
0x12: {  	s1 =	sld [smem:$0x3F95];
	s0 =	simm.s32 @p0 $0x1  }
0x13: {  	[smem:$0x3FB0] =	sst s0;
	s0 =	simm.s32 @!p1 $0x0  }
0x14: {  	s2 =	sld [smem:$0x3F94];
	s0 =	simm.s32 @p1 $0x1  }
0x15: {  	[smem:$0x3FB1] =	sst s0;
	s0 =	simm.s32 @!p2 $0x0  }
0x16: {  	s3 =	sld [smem:$0x3FDB];
	s0 =	simm.s32 @p2 $0x1  }
0x17: {  	s4 =	simm.s32 $0x1BF5;
	[smem:$0x3FB3] =	sst s0  }
0x18: {  	s0 =	sld [smem:$0x3F96];
	_ =	swait.ge [sflag:s4], $0x0  }
0x19: {  	s7 =	sld [smem:$0x3F97]  }
0x1a: {  	s8 =	sadd.s32 $0xFFFFE003, lr  }
0x1b: {  	s9 =	sadd.s32 $0xFFFFFEF7, lr;
	s5 =	simm.s32 $0xFFFFFFFF;
	p2 =	slt.u32 s8, $0xFFFFF086  }
0x1c: {  	p1 =	slt.u32 s9, $0xF7A;
	s5 =	simm.s32 @!p2 $0x0  }
0x1d: {  	s5 =	simm.s32 @p1 $0x1;
	p0 =	seq.s32 s7, s2  }
0x1e: {  	s7 =	smul.u32 @!p0 $0xF7A, s2;
	p2 =	seq.s32 @!p0 s5, $0x0  }
0x1f: {  	s9 =	smul.u32 $0xF7A, s1;
	s8 =	simm.s32 @!p0 $0x1BF5;
	p2 =	por !p2, p0  }
0x20: {  	[sflag:s8] =	ssyncset.s32 @!p0 $0xFFFFF086;
	s6 =	sadd.s32 @!p0 s3, s7;
	s7 =	simm.s32 @!p0 $0x108  }
0x21: {  	s3 =	sadd.s32 s3, s9;
	s6 =	sadd.s32 @!p0 $0x88, s6;
	s7 =	simm.s32 @p2 $0x1082  }
0x22: {  	[simem:s7], [sflag:s8] =	dma.local @!p0 [hbm:s6], $0xF7A  }
0x23: {  	s9 =	sor.u32 $0xD0000000, s2;
	s6 =	simm.s32 $0x108;
	_ =	swait.ge @!p0 [sflag:s8], $0x0  }
0x24: {  	s3 =	sadd.s32 $0x88, s3;
	s6 =	simm.s32 @!p1 $0x1082;
	[sflag:s4] =	ssyncset.s32 $0xFFFFF086  }
0x25: {  	[simem:s6], [sflag:s4] =	dma.local [hbm:s3], $0xF7A  }
0x26: {  	[smem:$0x3F97] =	sst s1;
	(tag) =	ssettag s2;
	_ =	strace s9  }
0x27: {  	s1 =	sld [smem:$0x3FA7]  }
0x28: {  	s2 =	sld [smem:$0x3FA8]  }
0x29: {  	s4 =	sld [smem:$0x3FAA]  }
0x2a: {  	p0 =	seq.s32 s5, $0x0;
	s5 =	sld [smem:$0x3FAB]  }
0x2b: {  	s6 =	sld [smem:$0x3FAC]  }
0x2c: {  	s7 =	sld [smem:$0x3FAD]  }
0x2d: {  	s3 =	simm.s32 $0x108;
	s8 =	sld [smem:$0x3FAE]  }
0x2e: {  	s3 =	simm.s32 @!p0 $0x1082;
	s9 =	sld [smem:$0x3FAF]  }
0x2f: {  	lr =	sadd.s32 s0, s3;
	s0 =	sld [smem:$0x3FA6]  }
0x30: {  	s3 =	sld [smem:$0x3FA9]  }
0x31: {  	[smem:$0x3FB2] =	sst s10  }
0x32: {  	s10 =	sld [smem:$0x3FB0];
	_ =	sdelay $0x3  }
0x33: {  	p0 =	seq.s32 s10, $0x1;
	s10 =	sld [smem:$0x3FB2];
	_ =	sdelay $0x3  }
0x34: {  	[smem:$0x3FB2] =	sst s10  }
0x35: {  	s10 =	sld [smem:$0x3FB1];
	_ =	sdelay $0x3  }
0x36: {  	p1 =	seq.s32 s10, $0x1;
	s10 =	sld [smem:$0x3FB2];
	_ =	sdelay $0x3  }
0x37: {  	[smem:$0x3FB2] =	sst s10  }
0x38: {  	s10 =	sld [smem:$0x3FB3]  }
0x39: {  	_ = 	snop;
	(pc) =	sbr.ind lr, $3  }
0x3a: {  	_ = 	snop  }
0x3b: {  	_ = 	snop  }
0x3c: {  	p2 =	seq.s32 s10, $0x1;
	s10 =	sld [smem:$0x3FB2]  }
0x3d: {  	_ =	shalt  }
0x3e: {  	_ =	shalt  }
0x3f: {  	_ =	shalt  }
0x40: {  	_ =	shalt  }
0x41: {  	_ =	shalt  }
0x42: {  	_ =	shalt  }
0x43: {  	_ =	shalt  }
0x44: {  	_ =	shalt  }
0x45: {  	_ =	shalt  }
0x46: {  	_ =	shalt  }
0x47: {  	_ =	shalt  }
0x48: {  	_ =	shalt  }
0x49: {  	_ =	shalt  }
0x4a: {  	_ =	shalt  }
0x4b: {  	_ =	shalt  }
0x4c: {  	_ =	shalt  }
0x4d: {  	_ =	shalt  }
0x4e: {  	_ =	shalt  }
0x4f: {  	_ =	shalt  }
0x50: {  	_ =	shalt  }
0x51: {  	_ =	shalt  }
0x52: {  	_ =	shalt  }
0x53: {  	_ =	shalt  }
0x54: {  	_ =	shalt  }
0x55: {  	_ =	shalt  }
0x56: {  	_ =	shalt  }
0x57: {  	_ =	shalt  }
0x58: {  	_ =	shalt  }
0x59: {  	_ =	shalt  }
0x5a: {  	_ =	shalt  }
0x5b: {  	_ =	shalt  }
0x5c: {  	_ =	shalt  }
0x5d: {  	_ =	shalt  }
0x5e: {  	_ =	shalt  }
0x5f: {  	_ =	shalt  }
0x60: {  	_ =	shalt  }
0x61: {  	_ =	shalt  }
0x62: {  	_ =	shalt  }
0x63: {  	_ =	shalt  }
0x64: {  	_ =	shalt  }
0x65: {  	_ =	shalt  }
0x66: {  	_ =	shalt  }
0x67: {  	_ =	shalt  }
0x68: {  	_ =	shalt  }
0x69: {  	_ =	shalt  }
0x6a: {  	_ =	shalt  }
0x6b: {  	_ =	shalt  }
0x6c: {  	_ =	shalt  }
0x6d: {  	_ =	shalt  }
0x6e: {  	_ =	shalt  }
0x6f: {  	_ =	shalt  }
0x70: {  	_ =	shalt  }
0x71: {  	_ =	shalt  }
0x72: {  	_ =	shalt  }
0x73: {  	_ =	shalt  }
0x74: {  	_ =	shalt  }
0x75: {  	_ =	shalt  }
0x76: {  	_ =	shalt  }
0x77: {  	_ =	shalt  }
0x78: {  	_ =	shalt  }
0x79: {  	_ =	shalt  }
0x7a: {  	_ =	shalt  }
0x7b: {  	_ =	shalt  }
0x7c: {  	_ =	shalt  }
0x7d: {  	_ =	shalt  }
0x7e: {  	_ =	shalt  }
0x7f: {  	_ =	shalt  }
0x80: {  	_ =	shalt  }
0x81: {  	_ =	shalt  }
0x82: {  	_ =	shalt  }
0x83: {  	_ =	shalt  }
0x84: {  	_ =	shalt  }
0x85: {  	_ =	shalt  }
0x86: {  	_ =	shalt  }
0x87: {  	_ =	shalt  }
.Lfunc_end0:
.L_simem_size_0:
called_computation.2_lowered:
.L_overlay_start_0:
0x88: {  	s2 =	sld [smem:$0x3FD9]  }
0x89: {  	s3 =	sld [smem:$0x3FFE];
	_ =	sdelay $0x1  }
0x8a: {  	s1 =	srdreg.scid  }
0x8b: {  	s0 =	sand.u32 $0x1, s1  }
0x8c: {  	s17 =	sshll.u32 s0, $0xA;
	s2 =	sadd.s32 s3, s2  }
0x8d: {  	s2 =	sadd.s32 s2, s17  }
0x8e: {  	[smem:$0x3FBE] =	sst s2  }
0x8f: {  	_ = 	snop  }
0x90: {  	s2 =	sld [smem:$0x3FD0];
	(tm) =	ssettm $0x1  }
0x91: {  	s18 =	sld [smem:$0x3FFB];
	_ =	sdelay $0x3  }
0x92: {  	_ =	strace s18  }
0x93: {  	s3 =	sld [smem:$0x3FFC];
	_ =	sdelay $0x3  }
0x94: {  	_ =	strace s3  }
0x95: {  	s3 =	sld [smem:$0x3FFD];
	_ =	sdelay $0x3  }
0x96: {  	_ =	strace s3  }
0x97: {  	_ =	strace $0x8FFFFFFF  }
0x98: {  	s19 =	sld [smem:$0x3FDB];
	_ =	sdelay $0x1  }
0x99: {  	s4 =	simm.s32 $_scs_section_size  }
0x9a: {  	s5 =	simm.s32 $_size__tile_overlayer_lowered;
	s6 =	simm.s32 $_tile_overlayer_lowered  }
0x9b: {  	s22 =	simm.s32 $0x1BFF;
	s21 =	sshll.u32 s6, $0x1;
	s3 =	sadd.s32 s4, s19  }
0x9c: {  	s7 =	simm.s32 $0x0;
	s20 =	sshll.u32 s5, $0x1;
	s5 =	sadd.s32 s21, s3  }
0x9d: {  	[timem:s7], [sflag:s22] =	dma.local [hbm:s5], s20  }
0x9e: {  	_ =	swait.ge [sflag:s22], s20  }
0x9f: {  	s4 =	ssub.s32 $0x0, s20;
	[sflag:s22] =	ssyncset.done $0x0  }
0xa0: {  	[sflag:s22] =	ssyncadd.s32 s4;
	_ =	sdelay $0x1  }
0xa1: {  	s23 =	simm.s32 $0x1B8B  }
0xa2: {  	_ =	swait.ge [sflag:s23], $0x1  }
0xa3: {  	[sflag:s23] =	ssyncset.done $0x0  }
0xa4: {  	s25 =	simm.s32 $0x1B8E;
	s24 =	sld [smem:$0x3FFE];
	[sflag:s23] =	ssyncadd.s32 $0xFFFFFFFF  }
0xa5: {  	s26 =	simm.s32 $execute0_lowered;
	[smem:$0x3FD2] =	sst s25  }
0xa6: {  	s5 =	sshll.u32 s26, $0x1;
	_ =	strace $0x8000004C;
	[dreg:$0x1] =	wrdreg $0xFFFFFFFF  }
0xa7: {  	s28 =	simm.s32 $_size_execute0_lowered;
	s3 =	sadd.s32 s3, s5;
	[dreg:$0x0] =	wrdreg $0x0  }
0xa8: {  	s5 =	sshll.u32 s28, $0x1;
	[dreg:$0x2] =	wrdreg s3  }
0xa9: {  	[dreg:$0x3] =	wrdreg s5  }
0xaa: {  	[dreg:$0x4] =	wrdreg $0xC0  }
0xab: {  	_ =	task [dreg:s7], $0x5FFFF  }
0xac: {  	[dreg:$0x1] =	wrdreg $0xFFFFFFFF  }
0xad: {  	[dreg:$0x0] =	wrdreg $0x60  }
0xae: {  	[dreg:$0x2] =	wrdreg s2  }
0xaf: {  	[dreg:$0x3] =	wrdreg s24  }
0xb0: {  	[dreg:$0x4] =	wrdreg $0xA8000  }
0xb1: {  	[dreg:$0x5] =	wrdreg $0x9  }
0xb2: {  	_ =	task.clear_ibuf [dreg:s7], $0x6FFFF;
	_ =	strace $0x9000004C  }
0xb3: {  	s29 =	simm.s32 $0x9;
	_ =	strace $0x8000004E  }
0xb4: {  	_ =	swait.ge [sflag:s29], $0x1  }
0xb5: {  	[sflag:s29] =	ssyncadd.s32 $0xFFFFFFFF  }
0xb6: {  	_ =	strace $0x9000004E  }
0xb7: {  	_ =	sfence  }
0xb8: {  	s30 =	sld [smem:$0x0];
	_ =	sdelay $0x2  }
0xb9: {  	s31 =	sshll.u32 s1, $0xD;
	s1 =	sshrl.u32 s1, $0x2  }
0xba: {  	s3 =	sand.u32 $0x4000, s31;
	s1 =	sadd.s32 s1, s30  }
0xbb: {  	s0 =	sor.u32 s3, s0;
	s1 =	sshll.u32 s1, $0x11  }
0xbc: {  	s0 =	sor.u32 s1, s0  }
0xbd: {  	s0 =	sadd.s32 $0x8F2B, s0  }
0xbe: {  	[sflag:s0] =	ssyncadd.remote.s32 $0x1  }
0xbf: {  	_ =	sfence.sel $0xFFFF  }
0xc0: {  	[dreg:$0x0] =	wrdreg $0xFFFFFFFF;
	(pc) =	sbr.abs _section_cstart, $3  }
0xc1: {  	[dreg:$0x1] =	wrdreg $0xFFFFFFFF  }
0xc2: {  	_ =	task.clear_ibuf [dreg:s7], $0x2FFFF;
	_ =	strace $0x9FFFFFFF  }
0xc3: {  	(tm) =	ssettm $0x7FFFFFFF  }
tec
execute0_lowered:
.L_overlay_start_1:
0x0: {  	(tag) =	ssettag $0x1  }
0x1: {  	s1 =	rddreg [dreg:$0x0]  }
0x2: {  	s0 =	rddreg [dreg:$0x1]  }
0x3: {  	s2 =	rddreg [dreg:$0x2]  }
0x4: {  	s3 =	simm.s32 $0x0;
	s4 =	stileid.u32;
	s5 =	srdreg.scid  }
0x5: {  	s16 =	simm.s32 $0x5;
	s18 =	simm.s32 $0x6;
	s20 =	simm.s32 $0x1400  }
0x6: {  	s28 =	simm.s32 $0x2;
	s29 =	simm.s32 $0x4;
	s30 =	simm.s32 $0x2700  }
0x7: {  	s31 =	simm.s32 $0x2780;
	[smem:$0x7FF] =	sst s3;
	s8 =	smul.u32 $0x2700, s4  }
0x8: {  	s5 =	sand.u32 $0x1, s5;
	s6 =	sadd.s32 $0x51E00, s0;
	s10 =	smul.u32 $0x4E000, s4  }
0x9: {  	s17 =	sadd.s32 $0x138000, s2;
	p0 =	sne.s32 s4, $0x0;
	_ =	strace $0x8000004D  }
0xa: {  	s7 =	smul.u32 $0x27100, s5;
	s9 =	ssub.s32 $0x2, s5;
	s5 =	sshll.u32 s5, $0x4  }
0xb: {  	s17 =	sshrl.u32 @!p0 s17, $0x3;
	[dreg:$0x4] =	wrdreg s8;
	s8 =	sadd.s32 s8, s0  }
0xc: {  	s21 =	sshrl.u32 s9, $0x1;
	s22 =	sor.u32 s4, s5;
	s23 =	sshrl.u32 s10, $0x2  }
0xd: {  	s5 =	sshll.u32 s4, $0x6;
	s10 =	sadd.s32 $0x5BE00, s0;
	s13 =	sadd.s32 s7, s0  }
0xe: {  	s14 =	ssub.s32 s9, s21;
	s15 =	sadd.s32 s23, s2;
	s24 =	smul.u32 $0x2800, s22  }
0xf: {  	s25 =	sadd.s32 $0x2E00, s8;
	s26 =	sor.u32 $0x1C05, s5;
	s19 =	smul.u32 $0x500, s22  }
0x10: {  	s8 =	sadd.s32 $0x29E00, s0;
	s21 =	simm.s32 $0x7D;
	s22 =	simm.s32 $0x2800  }
0x11: {  	s23 =	simm.s32 $0x80;
	s0 =	simm.s32 $0x0;
	[dreg:$0x5] =	wrdreg s25  }
0x12: {  	[dreg:$0x6] =	wrdreg s26;
	s13 =	sadd.s32 $0x65E00, s13;
	s14 =	smax.u32 s14, $0x1  }
0x13: {  	s15 =	sshrl.u32 s15, $0x3;
	s25 =	simm.s32 $0x1;
	s11 =	sshrl.u32 s24, $0x3  }
0x14: {  	s26 =	simm.s32 $0x3;
	s9 =	sadd.s32 s6, s19;
	s11 =	sadd.s32 $0x280, s11  }
0x15: {  	s19 =	sadd.s32 s19, s10;
	s24 =	simm.s32 $0x6800;
	s12 =	sadd.s32 s6, s11  }
.LBB2_1:
0x16: {  	s4 =	rddreg [dreg:$0x5]  }
0x17: {  	s6 =	rddreg [dreg:$0x6]  }
0x18: {  	[spmem:s15], [sflag:s6] =	dma.local [hbm:s4], $0x2700  }
0x19: {  	_ =	swait.ge [sflag:s16], $0x2700  }
0x1a: {  	[sflag:s16] =	ssyncset.done $0x0  }
0x1b: {  	s4 =	simm.s32 @!p0 $0x1C06;
	[sflag:s16] =	ssyncadd.s32 $0xFFFFD900  }
0x1c: {  	[spmem:s17], [sflag:s4] =	dma.local @!p0 [hbm:s8], $0x100  }
0x1d: {  	s4 =	simm.s32 @!p0 $0x6  }
0x1e: {  	_ =	swait.ge @!p0 [sflag:s4], $0x100  }
0x1f: {  	[sflag:s4] =	ssyncset.done @!p0 $0x0  }
0x20: {  	[sflag:s4] =	ssyncadd.s32 @!p0 $0xFFFFFF00  }
0x21: {  	[bflag:$0x0] =	sbarrier.arrive $0xFFFF  }
0x22: {  	[tilespmem:s3], [sflag:$0x6] =	stream.linear.gather [hbm4b:s9+s3], $0x1400, $0x38;
	[tilespmem:$0x1E080] =	vst v63  }
0x23: {  	_ =	swait.ge [sflag:s18], $0x1400  }
0x24: {  	[sflag:s18] =	ssyncset.done $0x0  }
0x25: {  	[sflag:s18] =	ssyncadd.s32 $0xFFFFEC00  }
0x26: {  	[tilespmem:s20], [sflag:$0x6] =	stream.linear.gather [hbm4b:s19+s3], $0x1400, $0x38;
	[tilespmem:$0x1E080] =	vst v63  }
0x27: {  	_ =	swait.ge [sflag:s18], $0x1400  }
0x28: {  	[sflag:s18] =	ssyncset.done $0x0  }
0x29: {  	[sflag:s18] =	ssyncadd.s32 $0xFFFFEC00  }
0x2a: {  	[tilespmem:s22], [sflag:$0x1] =	stream.indirect.gather [hbm4b:s1+s21], $0x80, s3, s21, $0xb8;
	[tilespmem:$0x1E080] =	vst v63  }
0x2b: {  	_ = 	snop  }
0x2c: {  	[tilespmem:s24], [sflag:$0x2] =	stream.indirect.gather [hbm4b:s1+s21], $0x80, s23, s21, $0xb8;
	[tilespmem:$0x1E080] =	vst v63  }
0x2d: {  	_ =	swait.ge [sflag:s25], $0x3E80  }
0x2e: {  	[sflag:s25] =	ssyncset.done $0x0  }
0x2f: {  	s7 =	simm.s32 $0x1400;
	[sflag:s25] =	ssyncadd.s32 $0xFFFFC180  }
0x30: {  	[spmem:s2] =	stream.indirect.scatter.add.f32 [tilespmem:s22], [sflag:$0x3], $0x80, s7, s21, $0xb8;
	[tilespmem:$0x1E080] =	vst v63  }
0x31: {  	_ =	swait.ge [sflag:s26], $0x3E80  }
0x32: {  	[sflag:s26] =	ssyncset.done $0x0  }
0x33: {  	s6 =	simm.s32 $0x100;
	[sflag:s26] =	ssyncadd.s32 $0xFFFFC180  }
0x34: {  	[tilespmem:s22], [sflag:$0x1] =	stream.indirect.gather [hbm4b:s1+s21], $0x80, s6, s21, $0xb8;
	[tilespmem:$0x1E080] =	vst v63  }
0x35: {  	_ =	swait.ge [sflag:s28], $0x3E80  }
0x36: {  	[sflag:s28] =	ssyncset.done $0x0  }
0x37: {  	s7 =	simm.s32 $0x1480;
	[sflag:s28] =	ssyncadd.s32 $0xFFFFC180  }
0x38: {  	[spmem:s2] =	stream.indirect.scatter.add.f32 [tilespmem:s24], [sflag:$0x4], $0x80, s7, s21, $0xb8;
	[tilespmem:$0x1E080] =	vst v63  }
0x39: {  	_ =	swait.ge [sflag:s29], $0x3E80  }
0x3a: {  	[sflag:s29] =	ssyncset.done $0x0  }
0x3b: {  	s4 =	simm.s32 $0x400;
	s6 =	simm.s32 $0x180;
	[sflag:s29] =	ssyncadd.s32 $0xFFFFC180  }
.LBB2_2:
0x3c: {  	[tilespmem:s24], [sflag:$0x2] =	stream.indirect.gather [hbm4b:s1+s21], $0x80, s6, s21, $0xb8;
	[tilespmem:$0x1E080] =	vst v63  }
0x3d: {  	s6 =	smov.u32 s4  }
0x3e: {  	p1 =	sne.s32 s4, $0x4800;
	s4 =	sadd.s32 $0x400, s4;
	_ =	swait.ge [sflag:s25], $0x3E80  }
0x3f: {  	s6 =	sshra.s32 s6, $0x2;
	[sflag:s25] =	ssyncset.done $0x0  }
0x40: {  	s7 =	sadd.s32 $0x1400, s6;
	[sflag:s25] =	ssyncadd.s32 $0xFFFFC180  }
0x41: {  	[spmem:s2] =	stream.indirect.scatter.add.f32 [tilespmem:s22], [sflag:$0x3], $0x80, s7, s21, $0xb8;
	[tilespmem:$0x1E080] =	vst v63  }
0x42: {  	_ =	swait.ge [sflag:s26], $0x3E80  }
0x43: {  	[sflag:s26] =	ssyncset.done $0x0  }
0x44: {  	s7 =	sadd.s32 $0x100, s6;
	[sflag:s26] =	ssyncadd.s32 $0xFFFFC180  }
0x45: {  	[tilespmem:s22], [sflag:$0x1] =	stream.indirect.gather [hbm4b:s1+s21], $0x80, s7, s21, $0xb8;
	[tilespmem:$0x1E080] =	vst v63  }
0x46: {  	_ =	swait.ge [sflag:s28], $0x3E80  }
0x47: {  	[sflag:s28] =	ssyncset.done $0x0  }
.Ltmp0:
0x48: {  	s7 =	sadd.s32 $0x1480, s6;
	[sflag:s28] =	ssyncadd.s32 $0xFFFFC180;
	(pc) =	sbr.rel @p1 .LBB2_2-.Ltmp0, $4  }
0x49: {  	[spmem:s2] =	stream.indirect.scatter.add.f32 [tilespmem:s24], [sflag:$0x4], $0x80, s7, s21, $0xb8;
	[tilespmem:$0x1E080] =	vst v63  }
0x4a: {  	_ =	swait.ge [sflag:s29], $0x3E80  }
0x4b: {  	[sflag:s29] =	ssyncset.done $0x0  }
0x4c: {  	s6 =	sadd.s32 $0x180, s6;
	[sflag:s29] =	ssyncadd.s32 $0xFFFFC180  }
0x4d: {  	[tilespmem:s24], [sflag:$0x2] =	stream.indirect.gather [hbm4b:s1+s21], $0x80, s6, s21, $0xb8;
	[tilespmem:$0x1E080] =	vst v63  }
0x4e: {  	_ =	swait.ge [sflag:s25], $0x3E80  }
0x4f: {  	[sflag:s25] =	ssyncset.done $0x0  }
0x50: {  	[sflag:s25] =	ssyncadd.s32 $0xFFFFC180  }
0x51: {  	[spmem:s2] =	stream.indirect.scatter.add.f32 [tilespmem:s22], [sflag:$0x3], $0x80, s30, s21, $0xb8;
	[tilespmem:$0x1E080] =	vst v63  }
0x52: {  	_ =	swait.ge [sflag:s26], $0x3E80  }
0x53: {  	[sflag:s26] =	ssyncset.done $0x0  }
0x54: {  	[sflag:s26] =	ssyncadd.s32 $0xFFFFC180  }
0x55: {  	_ =	swait.ge [sflag:s28], $0x3E80  }
0x56: {  	[sflag:s28] =	ssyncset.done $0x0  }
0x57: {  	[sflag:s28] =	ssyncadd.s32 $0xFFFFC180  }
0x58: {  	[spmem:s2] =	stream.indirect.scatter.add.f32 [tilespmem:s24], [sflag:$0x4], $0x80, s31, s21, $0xb8;
	[tilespmem:$0x1E080] =	vst v63  }
0x59: {  	_ =	swait.ge [sflag:s29], $0x3E80  }
0x5a: {  	[sflag:s29] =	ssyncset.done $0x0  }
0x5b: {  	s4 =	simm.s32 $0x0;
	[sflag:s29] =	ssyncadd.s32 $0xFFFFC180  }
0x5c: {  	[tilespmem:s4], [sflag:$0x6] =	stream.linear.gather [hbm4b:s12+s4], $0x1400, $0x38;
	[tilespmem:$0x1E080] =	vst v63  }
0x5d: {  	_ =	swait.ge [sflag:s18], $0x1400  }
0x5e: {  	[sflag:s18] =	ssyncset.done $0x0  }
0x5f: {  	s7 =	sadd.s32 s11, s10;
	[sflag:s18] =	ssyncadd.s32 $0xFFFFEC00  }
0x60: {  	[tilespmem:s20], [sflag:$0x6] =	stream.linear.gather [hbm4b:s7+s4], $0x1400, $0x38;
	[tilespmem:$0x1E080] =	vst v63  }
0x61: {  	_ =	swait.ge [sflag:s18], $0x1400  }
0x62: {  	[sflag:s18] =	ssyncset.done $0x0  }
0x63: {  	[sflag:s18] =	ssyncadd.s32 $0xFFFFEC00  }
0x64: {  	[tilespmem:s22], [sflag:$0x1] =	stream.indirect.gather [hbm4b:s1+s21], $0x80, s4, s21, $0xb8;
	[tilespmem:$0x1E080] =	vst v63  }
0x65: {  	_ = 	snop  }
0x66: {  	[tilespmem:s24], [sflag:$0x2] =	stream.indirect.gather [hbm4b:s1+s21], $0x80, s23, s21, $0xb8;
	[tilespmem:$0x1E080] =	vst v63  }
0x67: {  	_ =	swait.ge [sflag:s25], $0x3E80  }
0x68: {  	[sflag:s25] =	ssyncset.done $0x0  }
0x69: {  	s7 =	simm.s32 $0x1400;
	[sflag:s25] =	ssyncadd.s32 $0xFFFFC180  }
0x6a: {  	[spmem:s2] =	stream.indirect.scatter.add.f32 [tilespmem:s22], [sflag:$0x3], $0x80, s7, s21, $0xb8;
	[tilespmem:$0x1E080] =	vst v63  }
0x6b: {  	_ =	swait.ge [sflag:s26], $0x3E80  }
0x6c: {  	[sflag:s26] =	ssyncset.done $0x0  }
0x6d: {  	s6 =	simm.s32 $0x100;
	[sflag:s26] =	ssyncadd.s32 $0xFFFFC180  }
0x6e: {  	[tilespmem:s22], [sflag:$0x1] =	stream.indirect.gather [hbm4b:s1+s21], $0x80, s6, s21, $0xb8;
	[tilespmem:$0x1E080] =	vst v63  }
0x6f: {  	_ =	swait.ge [sflag:s28], $0x3E80  }
0x70: {  	[sflag:s28] =	ssyncset.done $0x0  }
0x71: {  	s7 =	simm.s32 $0x1480;
	[sflag:s28] =	ssyncadd.s32 $0xFFFFC180  }
0x72: {  	[spmem:s2] =	stream.indirect.scatter.add.f32 [tilespmem:s24], [sflag:$0x4], $0x80, s7, s21, $0xb8;
	[tilespmem:$0x1E080] =	vst v63  }
0x73: {  	_ =	swait.ge [sflag:s29], $0x3E80  }
0x74: {  	[sflag:s29] =	ssyncset.done $0x0  }
0x75: {  	s4 =	simm.s32 $0x400;
	s6 =	simm.s32 $0x180;
	[sflag:s29] =	ssyncadd.s32 $0xFFFFC180  }
.LBB2_4:
0x76: {  	[tilespmem:s24], [sflag:$0x2] =	stream.indirect.gather [hbm4b:s1+s21], $0x80, s6, s21, $0xb8;
	[tilespmem:$0x1E080] =	vst v63  }
0x77: {  	s6 =	smov.u32 s4  }
0x78: {  	p1 =	sne.s32 s4, $0x4800;
	s4 =	sadd.s32 $0x400, s4;
	_ =	swait.ge [sflag:s25], $0x3E80  }
0x79: {  	s6 =	sshra.s32 s6, $0x2;
	[sflag:s25] =	ssyncset.done $0x0  }
0x7a: {  	s7 =	sadd.s32 $0x1400, s6;
	[sflag:s25] =	ssyncadd.s32 $0xFFFFC180  }
0x7b: {  	[spmem:s2] =	stream.indirect.scatter.add.f32 [tilespmem:s22], [sflag:$0x3], $0x80, s7, s21, $0xb8;
	[tilespmem:$0x1E080] =	vst v63  }
0x7c: {  	_ =	swait.ge [sflag:s26], $0x3E80  }
0x7d: {  	[sflag:s26] =	ssyncset.done $0x0  }
0x7e: {  	s7 =	sadd.s32 $0x100, s6;
	[sflag:s26] =	ssyncadd.s32 $0xFFFFC180  }
0x7f: {  	[tilespmem:s22], [sflag:$0x1] =	stream.indirect.gather [hbm4b:s1+s21], $0x80, s7, s21, $0xb8;
	[tilespmem:$0x1E080] =	vst v63  }
0x80: {  	_ =	swait.ge [sflag:s28], $0x3E80  }
0x81: {  	[sflag:s28] =	ssyncset.done $0x0  }
.Ltmp1:
0x82: {  	s7 =	sadd.s32 $0x1480, s6;
	[sflag:s28] =	ssyncadd.s32 $0xFFFFC180;
	(pc) =	sbr.rel @p1 .LBB2_4-.Ltmp1, $4  }
0x83: {  	[spmem:s2] =	stream.indirect.scatter.add.f32 [tilespmem:s24], [sflag:$0x4], $0x80, s7, s21, $0xb8;
	[tilespmem:$0x1E080] =	vst v63  }
0x84: {  	_ =	swait.ge [sflag:s29], $0x3E80  }
0x85: {  	[sflag:s29] =	ssyncset.done $0x0  }
0x86: {  	s6 =	sadd.s32 $0x180, s6;
	[sflag:s29] =	ssyncadd.s32 $0xFFFFC180  }
0x87: {  	[tilespmem:s24], [sflag:$0x2] =	stream.indirect.gather [hbm4b:s1+s21], $0x80, s6, s21, $0xb8;
	[tilespmem:$0x1E080] =	vst v63  }
0x88: {  	_ =	swait.ge [sflag:s25], $0x3E80  }
0x89: {  	[sflag:s25] =	ssyncset.done $0x0  }
0x8a: {  	[sflag:s25] =	ssyncadd.s32 $0xFFFFC180  }
0x8b: {  	[spmem:s2] =	stream.indirect.scatter.add.f32 [tilespmem:s22], [sflag:$0x3], $0x80, s30, s21, $0xb8;
	[tilespmem:$0x1E080] =	vst v63  }
0x8c: {  	_ =	swait.ge [sflag:s26], $0x3E80  }
0x8d: {  	[sflag:s26] =	ssyncset.done $0x0  }
0x8e: {  	[sflag:s26] =	ssyncadd.s32 $0xFFFFC180  }
0x8f: {  	_ =	swait.ge [sflag:s28], $0x3E80  }
0x90: {  	[sflag:s28] =	ssyncset.done $0x0  }
0x91: {  	[sflag:s28] =	ssyncadd.s32 $0xFFFFC180  }
0x92: {  	[spmem:s2] =	stream.indirect.scatter.add.f32 [tilespmem:s24], [sflag:$0x4], $0x80, s31, s21, $0xb8;
	[tilespmem:$0x1E080] =	vst v63  }
0x93: {  	_ =	swait.ge [sflag:s29], $0x3E80  }
0x94: {  	[sflag:s29] =	ssyncset.done $0x0  }
0x95: {  	[sflag:s29] =	ssyncadd.s32 $0xFFFFC180  }
0x96: {  	[bflag:$0x0] =	sbarrier.arrive $0xFFFF  }
0x97: {  	s4 =	rddreg [dreg:$0x4]  }
0x98: {  	s6 =	sor.u32 $0x1C06, s5;
	s4 =	sadd.s32 s4, s13  }
0x99: {  	[hbm:s4], [sflag:s6] =	dma.local [spmem:s15], $0x2700  }
0x9a: {  	_ =	swait.ge [sflag:s18], $0x2700  }
0x9b: {  	s0 =	sadd.s32 $0x1, s0;
	[sflag:s18] =	ssyncset.done $0x0  }
0x9c: {  	p1 =	sne.s32 s0, s14;
	s4 =	sadd.s32 @!p0 $0x27000, s13;
	[sflag:s18] =	ssyncadd.s32 $0xFFFFD900  }
0x9d: {  	[hbm:s4], [sflag:s6] =	dma.local @!p0 [spmem:s17], $0x100  }
.Ltmp2:
0x9e: {  	_ = 	snop;
	(pc) =	sbr.rel @p1 .LBB2_1-.Ltmp2, $4  }
0x9f: {  	s4 =	simm.s32 @!p0 $0x6  }
0xa0: {  	_ =	swait.ge @!p0 [sflag:s4], $0x100  }
0xa1: {  	[sflag:s4] =	ssyncset.done @!p0 $0x0  }
0xa2: {  	[sflag:s4] =	ssyncadd.s32 @!p0 $0xFFFFFF00  }
0xa3: {  	_ =	sfence.sel $0x180000  }
0xa4: {  	[bflag:$0x0] =	sbarrier.arrive $0xFFFF  }
0xa5: {  	_ =	strace $0x9000004D  }
0xa6: {  	[bflag:$0x2] =	sbarrier.arrive $0xFFFF  }
0xa7: {  	s0 =	rddreg [dreg:$0x3]  }
0xa8: {  	s0 =	sadd.s32 @!p0 $0x100000, s0  }
0xa9: {  	[sflag:s0] =	ssyncadd.tile.s32 @!p0 $0x1;
	_ =	shalt  }
.Lfunc_end2:
_tile_overlayer_lowered:
.L_overlay_start_2:
0xaa: {  	(tag) =	ssettag $0x2  }
0xab: {  	s0 =	rddreg [dreg:$0x0];
	s2 =	stileid.u32  }
0xac: {  	s1 =	rddreg [dreg:$0x1];
	p0 =	sne.s32 s2, $0x0  }
0xad: {  	s3 =	rddreg [dreg:$0x2];
	[bflag:$0x3] =	sbarrier.arrive $0xFFFF;
	s2 =	simm.s32 @!p0 $0x1C06  }
0xae: {  	[timem:s3], [sflag:s2] =	dma.local @!p0 [hbm:s0], s1  }
0xaf: {  	s0 =	simm.s32 @!p0 $0x6  }
0xb0: {  	_ =	swait.ge @!p0 [sflag:s0], s1  }
0xb1: {  	s1 =	ssub.s32 @!p0 $0x0, s1;
	[sflag:s0] =	ssyncset.done @!p0 $0x0  }
0xb2: {  	[sflag:s0] =	ssyncadd.s32 @!p0 s1  }
0xb3: {  	[bflag:$0x3] =	sbarrier.arrive $0xFFFF  }
0xb4: {  	_ =	shalt  }

// kernel: kernel.8.cloned.1.call-start
scs
__scs_entry_jumppad:
0x0: {  	(pc) =	sbr.rel $0x88, $3  }
0x1: {  	(tag) =	ssettag $0x0;
	lr =	simm.s32 $0x1  }
0x2: {  	[smem:$0x3F97] =	sst lr;
	_ =	strace $0xD0000000  }
0x3: {  	_ = 	snop  }
0x4: {  	_ = 	snop  }
0x5: {  	_ = 	snop  }
0x6: {  	_ = 	snop  }
0x7: {  	_ = 	snop  }
__scs_overlays_trampoline_lowered:
0x8: {  	[smem:$0x3FA6] =	sst s0  }
0x9: {  	[smem:$0x3FA7] =	sst s1  }
0xa: {  	[smem:$0x3FA8] =	sst s2  }
0xb: {  	[smem:$0x3FA9] =	sst s3  }
0xc: {  	[smem:$0x3FAA] =	sst s4  }
0xd: {  	[smem:$0x3FAB] =	sst s5  }
0xe: {  	[smem:$0x3FAC] =	sst s6  }
0xf: {  	[smem:$0x3FAD] =	sst s7  }
0x10: {  	[smem:$0x3FAE] =	sst s8  }
0x11: {  	[smem:$0x3FAF] =	sst s9;
	s0 =	simm.s32 @!p0 $0x0  }
0x12: {  	s1 =	sld [smem:$0x3F95];
	s0 =	simm.s32 @p0 $0x1  }
0x13: {  	[smem:$0x3FB0] =	sst s0;
	s0 =	simm.s32 @!p1 $0x0  }
0x14: {  	s2 =	sld [smem:$0x3F94];
	s0 =	simm.s32 @p1 $0x1  }
0x15: {  	[smem:$0x3FB1] =	sst s0;
	s0 =	simm.s32 @!p2 $0x0  }
0x16: {  	s3 =	sld [smem:$0x3FDB];
	s0 =	simm.s32 @p2 $0x1  }
0x17: {  	s4 =	simm.s32 $0x1BF5;
	[smem:$0x3FB3] =	sst s0  }
0x18: {  	s0 =	sld [smem:$0x3F96];
	_ =	swait.ge [sflag:s4], $0x0  }
0x19: {  	s7 =	sld [smem:$0x3F97]  }
0x1a: {  	s8 =	sadd.s32 $0xFFFFE003, lr  }
0x1b: {  	s9 =	sadd.s32 $0xFFFFFEF7, lr;
	s5 =	simm.s32 $0xFFFFFFFF;
	p2 =	slt.u32 s8, $0xFFFFF086  }
0x1c: {  	p1 =	slt.u32 s9, $0xF7A;
	s5 =	simm.s32 @!p2 $0x0  }
0x1d: {  	s5 =	simm.s32 @p1 $0x1;
	p0 =	seq.s32 s7, s2  }
0x1e: {  	s7 =	smul.u32 @!p0 $0xF7A, s2;
	p2 =	seq.s32 @!p0 s5, $0x0  }
0x1f: {  	s9 =	smul.u32 $0xF7A, s1;
	s8 =	simm.s32 @!p0 $0x1BF5;
	p2 =	por !p2, p0  }
0x20: {  	[sflag:s8] =	ssyncset.s32 @!p0 $0xFFFFF086;
	s6 =	sadd.s32 @!p0 s3, s7;
	s7 =	simm.s32 @!p0 $0x108  }
0x21: {  	s3 =	sadd.s32 s3, s9;
	s6 =	sadd.s32 @!p0 $0x88, s6;
	s7 =	simm.s32 @p2 $0x1082  }
0x22: {  	[simem:s7], [sflag:s8] =	dma.local @!p0 [hbm:s6], $0xF7A  }
0x23: {  	s9 =	sor.u32 $0xD0000000, s2;
	s6 =	simm.s32 $0x108;
	_ =	swait.ge @!p0 [sflag:s8], $0x0  }
0x24: {  	s3 =	sadd.s32 $0x88, s3;
	s6 =	simm.s32 @!p1 $0x1082;
	[sflag:s4] =	ssyncset.s32 $0xFFFFF086  }
0x25: {  	[simem:s6], [sflag:s4] =	dma.local [hbm:s3], $0xF7A  }
0x26: {  	[smem:$0x3F97] =	sst s1;
	(tag) =	ssettag s2;
	_ =	strace s9  }
0x27: {  	s1 =	sld [smem:$0x3FA7]  }
0x28: {  	s2 =	sld [smem:$0x3FA8]  }
0x29: {  	s4 =	sld [smem:$0x3FAA]  }
0x2a: {  	p0 =	seq.s32 s5, $0x0;
	s5 =	sld [smem:$0x3FAB]  }
0x2b: {  	s6 =	sld [smem:$0x3FAC]  }
0x2c: {  	s7 =	sld [smem:$0x3FAD]  }
0x2d: {  	s3 =	simm.s32 $0x108;
	s8 =	sld [smem:$0x3FAE]  }
0x2e: {  	s3 =	simm.s32 @!p0 $0x1082;
	s9 =	sld [smem:$0x3FAF]  }
0x2f: {  	lr =	sadd.s32 s0, s3;
	s0 =	sld [smem:$0x3FA6]  }
0x30: {  	s3 =	sld [smem:$0x3FA9]  }
0x31: {  	[smem:$0x3FB2] =	sst s10  }
0x32: {  	s10 =	sld [smem:$0x3FB0];
	_ =	sdelay $0x3  }
0x33: {  	p0 =	seq.s32 s10, $0x1;
	s10 =	sld [smem:$0x3FB2];
	_ =	sdelay $0x3  }
0x34: {  	[smem:$0x3FB2] =	sst s10  }
0x35: {  	s10 =	sld [smem:$0x3FB1];
	_ =	sdelay $0x3  }
0x36: {  	p1 =	seq.s32 s10, $0x1;
	s10 =	sld [smem:$0x3FB2];
	_ =	sdelay $0x3  }
0x37: {  	[smem:$0x3FB2] =	sst s10  }
0x38: {  	s10 =	sld [smem:$0x3FB3]  }
0x39: {  	_ = 	snop;
	(pc) =	sbr.ind lr, $3  }
0x3a: {  	_ = 	snop  }
0x3b: {  	_ = 	snop  }
0x3c: {  	p2 =	seq.s32 s10, $0x1;
	s10 =	sld [smem:$0x3FB2]  }
0x3d: {  	_ =	shalt  }
0x3e: {  	_ =	shalt  }
0x3f: {  	_ =	shalt  }
0x40: {  	_ =	shalt  }
0x41: {  	_ =	shalt  }
0x42: {  	_ =	shalt  }
0x43: {  	_ =	shalt  }
0x44: {  	_ =	shalt  }
0x45: {  	_ =	shalt  }
0x46: {  	_ =	shalt  }
0x47: {  	_ =	shalt  }
0x48: {  	_ =	shalt  }
0x49: {  	_ =	shalt  }
0x4a: {  	_ =	shalt  }
0x4b: {  	_ =	shalt  }
0x4c: {  	_ =	shalt  }
0x4d: {  	_ =	shalt  }
0x4e: {  	_ =	shalt  }
0x4f: {  	_ =	shalt  }
0x50: {  	_ =	shalt  }
0x51: {  	_ =	shalt  }
0x52: {  	_ =	shalt  }
0x53: {  	_ =	shalt  }
0x54: {  	_ =	shalt  }
0x55: {  	_ =	shalt  }
0x56: {  	_ =	shalt  }
0x57: {  	_ =	shalt  }
0x58: {  	_ =	shalt  }
0x59: {  	_ =	shalt  }
0x5a: {  	_ =	shalt  }
0x5b: {  	_ =	shalt  }
0x5c: {  	_ =	shalt  }
0x5d: {  	_ =	shalt  }
0x5e: {  	_ =	shalt  }
0x5f: {  	_ =	shalt  }
0x60: {  	_ =	shalt  }
0x61: {  	_ =	shalt  }
0x62: {  	_ =	shalt  }
0x63: {  	_ =	shalt  }
0x64: {  	_ =	shalt  }
0x65: {  	_ =	shalt  }
0x66: {  	_ =	shalt  }
0x67: {  	_ =	shalt  }
0x68: {  	_ =	shalt  }
0x69: {  	_ =	shalt  }
0x6a: {  	_ =	shalt  }
0x6b: {  	_ =	shalt  }
0x6c: {  	_ =	shalt  }
0x6d: {  	_ =	shalt  }
0x6e: {  	_ =	shalt  }
0x6f: {  	_ =	shalt  }
0x70: {  	_ =	shalt  }
0x71: {  	_ =	shalt  }
0x72: {  	_ =	shalt  }
0x73: {  	_ =	shalt  }
0x74: {  	_ =	shalt  }
0x75: {  	_ =	shalt  }
0x76: {  	_ =	shalt  }
0x77: {  	_ =	shalt  }
0x78: {  	_ =	shalt  }
0x79: {  	_ =	shalt  }
0x7a: {  	_ =	shalt  }
0x7b: {  	_ =	shalt  }
0x7c: {  	_ =	shalt  }
0x7d: {  	_ =	shalt  }
0x7e: {  	_ =	shalt  }
0x7f: {  	_ =	shalt  }
0x80: {  	_ =	shalt  }
0x81: {  	_ =	shalt  }
0x82: {  	_ =	shalt  }
0x83: {  	_ =	shalt  }
0x84: {  	_ =	shalt  }
0x85: {  	_ =	shalt  }
0x86: {  	_ =	shalt  }
0x87: {  	_ =	shalt  }
.Lfunc_end0:
.L_simem_size_0:
called_computation_lowered:
.L_overlay_start_0:
0x88: {  	s2 =	sld [smem:$0x3FD9]  }
0x89: {  	s3 =	sld [smem:$0x3FFE];
	_ =	sdelay $0x1  }
0x8a: {  	s1 =	srdreg.scid  }
0x8b: {  	s0 =	sand.u32 $0x1, s1  }
0x8c: {  	s17 =	sshll.u32 s0, $0xA;
	s2 =	sadd.s32 s3, s2  }
0x8d: {  	s2 =	sadd.s32 s2, s17  }
0x8e: {  	[smem:$0x3FBE] =	sst s2  }
0x8f: {  	_ = 	snop  }
0x90: {  	s2 =	sld [smem:$0x3FD0];
	(tm) =	ssettm $0x1  }
0x91: {  	s18 =	sld [smem:$0x3FFB];
	_ =	sdelay $0x3  }
0x92: {  	_ =	strace s18  }
0x93: {  	s3 =	sld [smem:$0x3FFC];
	_ =	sdelay $0x3  }
0x94: {  	_ =	strace s3  }
0x95: {  	s3 =	sld [smem:$0x3FFD];
	_ =	sdelay $0x3  }
0x96: {  	_ =	strace s3  }
0x97: {  	_ =	strace $0x8FFFFFFF  }
0x98: {  	s19 =	sld [smem:$0x3FDB];
	_ =	sdelay $0x1  }
0x99: {  	s4 =	simm.s32 $_scs_section_size  }
0x9a: {  	s5 =	simm.s32 $_size__tile_overlayer_lowered;
	s6 =	simm.s32 $_tile_overlayer_lowered  }
0x9b: {  	s22 =	simm.s32 $0x1BFF;
	s21 =	sshll.u32 s6, $0x1;
	s3 =	sadd.s32 s4, s19  }
0x9c: {  	s7 =	simm.s32 $0x0;
	s20 =	sshll.u32 s5, $0x1;
	s5 =	sadd.s32 s21, s3  }
0x9d: {  	[timem:s7], [sflag:s22] =	dma.local [hbm:s5], s20  }
0x9e: {  	_ =	swait.ge [sflag:s22], s20  }
0x9f: {  	s4 =	ssub.s32 $0x0, s20;
	[sflag:s22] =	ssyncset.done $0x0  }
0xa0: {  	[sflag:s22] =	ssyncadd.s32 s4;
	_ =	sdelay $0x1  }
0xa1: {  	s23 =	simm.s32 $0x1B8B  }
0xa2: {  	_ =	swait.ge [sflag:s23], $0x1  }
0xa3: {  	[sflag:s23] =	ssyncset.done $0x0  }
0xa4: {  	s25 =	simm.s32 $0x1B8E;
	s24 =	sld [smem:$0x3FFE];
	[sflag:s23] =	ssyncadd.s32 $0xFFFFFFFF  }
0xa5: {  	s26 =	simm.s32 $execute0_lowered;
	[smem:$0x3FD2] =	sst s25  }
0xa6: {  	s5 =	sshll.u32 s26, $0x1;
	_ =	strace $0x80000046;
	[dreg:$0x1] =	wrdreg $0xFFFFFFFF  }
0xa7: {  	s28 =	simm.s32 $_size_execute0_lowered;
	s3 =	sadd.s32 s3, s5;
	[dreg:$0x0] =	wrdreg $0x0  }
0xa8: {  	s5 =	sshll.u32 s28, $0x1;
	[dreg:$0x2] =	wrdreg s3  }
0xa9: {  	[dreg:$0x3] =	wrdreg s5  }
0xaa: {  	[dreg:$0x4] =	wrdreg $0xC0  }
0xab: {  	_ =	task [dreg:s7], $0x5FFFF  }
0xac: {  	[dreg:$0x1] =	wrdreg $0xFFFFFFFF  }
0xad: {  	[dreg:$0x0] =	wrdreg $0x60  }
0xae: {  	[dreg:$0x2] =	wrdreg s2  }
0xaf: {  	[dreg:$0x3] =	wrdreg s24  }
0xb0: {  	[dreg:$0x4] =	wrdreg $0x9  }
0xb1: {  	_ =	task.clear_ibuf [dreg:s7], $0x5FFFF;
	_ =	strace $0x90000046  }
0xb2: {  	s29 =	simm.s32 $0x9;
	_ =	strace $0x80000048  }
0xb3: {  	_ =	swait.ge [sflag:s29], $0x1  }
0xb4: {  	[sflag:s29] =	ssyncadd.s32 $0xFFFFFFFF  }
0xb5: {  	_ =	strace $0x90000048  }
0xb6: {  	_ =	sfence  }
0xb7: {  	s30 =	sld [smem:$0x0];
	_ =	sdelay $0x2  }
0xb8: {  	s31 =	sshll.u32 s1, $0xD;
	s1 =	sshrl.u32 s1, $0x2  }
0xb9: {  	s3 =	sand.u32 $0x4000, s31;
	s1 =	sadd.s32 s1, s30  }
0xba: {  	s0 =	sor.u32 s3, s0;
	s1 =	sshll.u32 s1, $0x11  }
0xbb: {  	s0 =	sor.u32 s1, s0  }
0xbc: {  	s0 =	sadd.s32 $0x8F2B, s0  }
0xbd: {  	[sflag:s0] =	ssyncadd.remote.s32 $0x1  }
0xbe: {  	_ =	sfence.sel $0xFFFF  }
0xbf: {  	[dreg:$0x0] =	wrdreg $0xFFFFFFFF;
	(pc) =	sbr.abs _section_cstart, $3  }
0xc0: {  	[dreg:$0x1] =	wrdreg $0xFFFFFFFF  }
0xc1: {  	_ =	task.clear_ibuf [dreg:s7], $0x2FFFF;
	_ =	strace $0x9FFFFFFF  }
0xc2: {  	(tm) =	ssettm $0x7FFFFFFF  }
0xc3: {  	_ =	shalt  }
tec
execute0_lowered:
.L_overlay_start_1:
0x0: {  	(tag) =	ssettag $0x1  }
0x1: {  	s0 =	srdreg.scid  }
0x2: {  	s3 =	rddreg [dreg:$0x0];
	s4 =	sand.u32 $0x1, s0  }
0x3: {  	s5 =	rddreg [dreg:$0x1];
	s1 =	stileid.u32;
	s2 =	sshll.u32 s4, $0x4  }
0x4: {  	s0 =	rddreg [dreg:$0x2];
	s6 =	sor.u32 s1, s2  }
0x5: {  	s4 =	ssub.s32 $0x2, s4;
	s2 =	simm.s32 $0x0;
	s7 =	smul.u32 $0x2780, s6  }
0x6: {  	s8 =	sshrl.u32 s4, $0x1;
	[smem:$0x7FF] =	sst s2;
	s6 =	smul.u32 $0x4E2, s6  }
0x7: {  	s31 =	ssub.s32 s4, s8;
	s8 =	simm.s32 $0x0;
	_ =	strace $0x80000047  }
0x8: {  	s5 =	sadd.s32 s7, s5;
	s3 =	sadd.s32 s3, s6;
	s6 =	simm.s32 $0x1  }
0x9: {  	v0 =	vimm.f32 $0.0e+00;
	v1 =	vimm.f32 $1.000000000e+00;
	s7 =	simm.s32 $0x2780;
	s4 =	sadd.s32 $0x2E00, s5;
	s5 =	smax.u32 s31, $0x1  }
.LBB2_1:
0xa: {  	[tilespmem:s2], [sflag:$0x1] =	stream.linear.gather [hbm4b:s3+s2], $0x2710, $0x38;
	[tilespmem:$0x16380] =	vst v63  }
0xb: {  	_ =	swait.ge [sflag:s6], $0x2710  }
0xc: {  	[sflag:s6] =	ssyncset.done $0x0  }
0xd: {  	s10 =	simm.s32 $0xA00;
	s9 =	simm.s32 $0x0;
	[sflag:s6] =	ssyncadd.s32 $0xFFFFD8F0  }
.LBB2_2:
0xe: {  	p0 =	sne.s32 s10, $0x4D800;
	[tilespmem:s9+$0x2980] =	vst v0;
	s11 =	smov.u32 s10;
	s10 =	sadd.s32 $0xA00, s10  }
.Ltmp0:
0xf: {  	[tilespmem:s9+$0x2900] =	vst v0;
	(pc) =	sbr.rel @p0 .LBB2_2-.Ltmp0, $4  }
0x10: {  	[tilespmem:s9+$0x2880] =	vst v0  }
0x11: {  	[tilespmem:s9+$0x2780] =	vst v0  }
0x12: {  	[tilespmem:s9+$0x2800] =	vst v0  }
0x13: {  	s9 =	sshra.s32 s11, $0x2  }
0x14: {  	[tilespmem:s9+$0x2980] =	vst v0  }
0x15: {  	[tilespmem:s9+$0x2900] =	vst v0  }
0x16: {  	[tilespmem:s9+$0x2880] =	vst v0  }
0x17: {  	[tilespmem:s9+$0x2780] =	vst v0  }
0x18: {  	[tilespmem:s9+$0x2800] =	vst v0;
	s9 =	simm.s32 $0x0  }
.LBB2_4:
0x19: {  	s10 =	sshra.s32 s9, $0x2  }
0x1a: {  	v2 =	vld [tilespmem:s10+$0x0];
	_ =	sdelay $0x4  }
0x1b: {  	v3 =	vshll.u32 v2, $0x3  }
0x1c: {  	v2 =	vand.u32 $0xF, v2;
	v3 =	vand.u32 $0xFFFFFF80, v3  }
0x1d: {  	v2 =	vor.u32 v2, v3;
	_ =	sdelay $0x4  }
0x1e: {  	[tilespmem:v2+s7+$0x0] =	vst.idx.add.f32.msk $0xffff, v1  }
0x1f: {  	v2 =	vld [tilespmem:s10+$0x10];
	_ =	sdelay $0x4  }
0x20: {  	v3 =	vshll.u32 v2, $0x3  }
0x21: {  	v2 =	vand.u32 $0xF, v2;
	v3 =	vand.u32 $0xFFFFFF80, v3  }
0x22: {  	v2 =	vor.u32 v2, v3;
	_ =	sdelay $0x4  }
0x23: {  	[tilespmem:v2+s7+$0x0] =	vst.idx.add.f32.msk $0xffff, v1  }
0x24: {  	v2 =	vld [tilespmem:s10+$0x20];
	_ =	sdelay $0x4  }
0x25: {  	v3 =	vshll.u32 v2, $0x3  }
0x26: {  	v2 =	vand.u32 $0xF, v2;
	v3 =	vand.u32 $0xFFFFFF80, v3  }
0x27: {  	v2 =	vor.u32 v2, v3;
	_ =	sdelay $0x4  }
0x28: {  	[tilespmem:v2+s7+$0x0] =	vst.idx.add.f32.msk $0xffff, v1  }
0x29: {  	v2 =	vld [tilespmem:s10+$0x30];
	_ =	sdelay $0x4  }
0x2a: {  	v3 =	vshll.u32 v2, $0x3  }
0x2b: {  	v2 =	vand.u32 $0xF, v2;
	v3 =	vand.u32 $0xFFFFFF80, v3  }
0x2c: {  	v2 =	vor.u32 v2, v3;
	_ =	sdelay $0x4  }
0x2d: {  	[tilespmem:v2+s7+$0x0] =	vst.idx.add.f32.msk $0xffff, v1  }
0x2e: {  	v2 =	vld [tilespmem:s10+$0x40];
	_ =	sdelay $0x4  }
0x2f: {  	v3 =	vshll.u32 v2, $0x3  }
0x30: {  	v2 =	vand.u32 $0xF, v2;
	v3 =	vand.u32 $0xFFFFFF80, v3  }
0x31: {  	p0 =	sne.s32 s9, $0x9B00;
	v2 =	vor.u32 v2, v3  }
.Ltmp1:
0x32: {  	_ = 	snop;
	(pc) =	sbr.rel @p0 .LBB2_4-.Ltmp1, $2  }
0x33: {  	_ =	sdelay $0x2  }
0x34: {  	s9 =	sadd.s32 $0x140, s9;
	[tilespmem:v2+s7+$0x0] =	vst.idx.add.f32.msk $0xffff, v1  }
0x35: {  	s8 =	sadd.s32 $0x1, s8  }
0x36: {  	p0 =	sne.s32 s8, s5  }
.Ltmp2:
0x37: {  	_ = 	snop;
	(pc) =	sbr.rel @p0 .LBB2_1-.Ltmp2, $4  }
0x38: {  	[hbm4b:s4+s2] =	stream.linear.scatter [tilespmem:s7], [sflag:$0x1], $0x13880, $0x38;
	[tilespmem:$0x16380] =	vst v63  }
0x39: {  	_ =	swait.ge [sflag:s6], $0x13880  }
0x3a: {  	[sflag:s6] =	ssyncset.done $0x0  }
0x3b: {  	[sflag:s6] =	ssyncadd.s32 $0xFFFEC780  }
0x3c: {  	_ =	sfence.sel $0x180000  }
0x3d: {  	[bflag:$0x0] =	sbarrier.arrive $0xFFFF  }
0x3e: {  	p0 =	sne.s32 s1, $0x0;
	_ =	strace $0x90000047  }
0x3f: {  	s0 =	sadd.s32 @!p0 $0x100000, s0;
	[bflag:$0x2] =	sbarrier.arrive $0xFFFF  }
0x40: {  	[sflag:s0] =	ssyncadd.tile.s32 @!p0 $0x1;
	_ =	shalt  }
.Lfunc_end2:
_tile_overlayer_lowered:
.L_overlay_start_2:
0x41: {  	(tag) =	ssettag $0x2  }
0x42: {  	s0 =	rddreg [dreg:$0x0];
	s2 =	stileid.u32  }
0x43: {  	s1 =	rddreg [dreg:$0x1];
	p0 =	sne.s32 s2, $0x0  }
0x44: {  	s3 =	rddreg [dreg:$0x2];
	[bflag:$0x3] =	sbarrier.arrive $0xFFFF;
	s2 =	simm.s32 @!p0 $0x1C01  }
0x45: {  	[timem:s3], [sflag:s2] =	dma.local @!p0 [hbm:s0], s1  }
0x46: {  	s0 =	simm.s32 @!p0 $0x1  }
0x47: {  	_ =	swait.ge @!p0 [sflag:s0], s1  }
0x48: {  	s1 =	ssub.s32 @!p0 $0x0, s1;
	[sflag:s0] =	ssyncset.done @!p0 $0x0  }
0x49: {  	[sflag:s0] =	ssyncadd.s32 @!p0 s1  }
0x4a: {  	[bflag:$0x3] =	sbarrier.arrive $0xFFFF  }
0x4b: {  	_ =	shalt  }

</sc_bundles>
